<compile_context>
chip_gen: v7x
topology: tpu7x:2x2x1
jax: 0.10.2.dev20260603
libtpu: 0.0.44.dev20260713+nightly
codegen_flags: <defaults>
</compile_context>

<pallas_src>
import functools

import jax
import jax.numpy as jnp
from jax import lax
from jax.experimental import pallas as pl
from jax.experimental.pallas import tpu as pltpu
from jax.experimental.pallas import tpu_sc as plsc

N = 10000
D = 128
E = 320000

NC = 2
NS = 16
NW = NC * NS
L = 16
CH1 = 80
CH2 = 128
E_PAD = 327680
N_ACC = 10112
RPT = N_ACC // NS

_mesh = plsc.VectorSubcoreMesh(
    core_axis_name="c", subcore_axis_name="s", num_cores=NC, num_subcores=NS)


def _row_chunks(ch):
    out = []
    off = 0
    while off < RPT:
        sz = min(ch, RPT - off)
        out.append((off, sz))
        off += sz
    return out


def _sc_agg_body(with_cnt, ch, nchunk, *refs):
    if with_cnt:
        (table, src, dst, zrow, zhist,
         parts, chist,
         sidx0, sidx1, didx0, didx1, rows0, rows1, hist,
         acc, sem0, sem1) = refs
    else:
        (table, src, dst, zrow,
         parts,
         sidx0, sidx1, didx0, didx1, rows0, rows1,
         acc, sem0, sem1) = refs
    sidx = (sidx0, sidx1)
    didx = (didx0, didx1)
    rows = (rows0, rows1)
    sems = (sem0, sem1)

    c = lax.axis_index("c")
    s = lax.axis_index("s")
    w = s * NC + c
    epw = nchunk * ch

    pltpu.sync_copy(zrow, rows0)
    for off, sz in _row_chunks(ch):
        pltpu.sync_copy(rows0.at[pl.ds(0, sz)],
                        acc.at[pl.ds(s * RPT + off, sz)])
    if with_cnt:
        pltpu.sync_copy(zhist, hist)
    plsc.subcore_barrier()

    ones16 = jnp.ones((L,), jnp.float32)

    def load_and_gather(b, j):
        base = pl.multiple_of(w * epw + j * ch, ch)
        pltpu.sync_copy(src.at[pl.ds(base, ch)], sidx[b])
        pltpu.sync_copy(dst.at[pl.ds(base, ch)], didx[b])
        pltpu.async_copy(table.at[sidx[b]], rows[b], sems[b])

    def consume(b):
        pltpu.make_async_copy(table.at[sidx[b]], rows[b], sems[b]).wait()
        pltpu.sync_copy(rows[b], acc.at[didx[b]], add=True)
        if with_cnt:
            for jj in range(ch // L):
                idx16 = didx[b][pl.ds(jj * L, L)]
                plsc.addupdate_scatter(hist, [idx16], ones16)

    load_and_gather(0, 0)

    def chunk2(k, carry):
        j = k * 2
        load_and_gather(1, j + 1)
        consume(0)
        load_and_gather(0, j + 2)
        consume(1)
        return carry

    lax.fori_loop(0, nchunk // 2 - 1, chunk2, 0)
    load_and_gather(1, nchunk - 1)
    consume(0)
    consume(1)
    plsc.subcore_barrier()

    for off, sz in _row_chunks(ch):
        pltpu.sync_copy(acc.at[pl.ds(s * RPT + off, sz)],
                        rows0.at[pl.ds(0, sz)])
        pltpu.sync_copy(rows0.at[pl.ds(0, sz)],
                        parts.at[c, pl.ds(s * RPT + off, sz)])
    if with_cnt:
        pltpu.sync_copy(hist, chist.at[w])


def _sc_agg(table, src, dst, with_cnt):
    ch = CH1 if with_cnt else CH2
    nchunk = E_PAD // NW // ch
    zrow = jnp.zeros((ch, D), jnp.float32)
    out_type = [jax.ShapeDtypeStruct((NC, N_ACC, D), jnp.float32)]
    scratch = [
        pltpu.VMEM((ch,), jnp.int32),
        pltpu.VMEM((ch,), jnp.int32),
        pltpu.VMEM((ch,), jnp.int32),
        pltpu.VMEM((ch,), jnp.int32),
        pltpu.VMEM((ch, D), jnp.float32),
        pltpu.VMEM((ch, D), jnp.float32),
    ]
    if with_cnt:
        out_type.append(jax.ShapeDtypeStruct((NW, N_ACC), jnp.float32))
        scratch.append(pltpu.VMEM((N_ACC,), jnp.float32))
    scratch.append(pltpu.VMEM_SHARED((N_ACC, D), jnp.float32))
    scratch.append(pltpu.SemaphoreType.DMA)
    scratch.append(pltpu.SemaphoreType.DMA)

    kern = pl.kernel(
        functools.partial(_sc_agg_body, with_cnt, ch, nchunk),
        out_type=out_type,
        mesh=_mesh,
        scratch_types=scratch,
        compiler_params=pltpu.CompilerParams(needs_layout_passes=False),
    )
    if with_cnt:
        zhist = jnp.zeros((N_ACC,), jnp.float32)
        return kern(table, src, dst, zrow, zhist)
    return kern(table, src, dst, zrow)[0]


def _tc1_body(p0, p1, ch, x, wl, b, wr, out, inv_out):
    agg = p0[0] + p1[0]
    cnt = jnp.sum(ch[...], axis=1)[:, None]
    inv = 1.0 / jnp.maximum(cnt, 1.0)
    mean = agg * inv
    y = (jnp.dot(mean, wl[...], preferred_element_type=jnp.float32)
         + jnp.dot(x[...], wr[...], preferred_element_type=jnp.float32)
         + b[...])
    out[...] = jnp.maximum(y, 0.0)
    inv_out[...] = jnp.broadcast_to(inv, inv_out.shape)


def _tc2_body(p0, p1, inv_in, x, wl, b, wr, out):
    agg = p0[0] + p1[0]
    inv = inv_in[:, :1]
    mean = agg * inv
    out[...] = (jnp.dot(mean, wl[...], preferred_element_type=jnp.float32)
                + jnp.dot(x[...], wr[...], preferred_element_type=jnp.float32)
                + b[...])


_RB = 632
_NB = N_ACC // _RB


def _tc_layer1(parts, chist, x, wl, b, wr):
    return pl.pallas_call(
        _tc1_body,
        grid=(_NB,),
        in_specs=[
            pl.BlockSpec((1, _RB, D), lambda i: (0, i, 0)),
            pl.BlockSpec((1, _RB, D), lambda i: (1, i, 0)),
            pl.BlockSpec((_RB, NW), lambda i: (i, 0)),
            pl.BlockSpec((_RB, D), lambda i: (i, 0)),
            pl.BlockSpec((D, D), lambda i: (0, 0)),
            pl.BlockSpec((1, D), lambda i: (0, 0)),
            pl.BlockSpec((D, D), lambda i: (0, 0)),
        ],
        out_specs=[
            pl.BlockSpec((_RB, D), lambda i: (i, 0)),
            pl.BlockSpec((_RB, 8), lambda i: (i, 0)),
        ],
        out_shape=[
            jax.ShapeDtypeStruct((N_ACC, D), jnp.float32),
            jax.ShapeDtypeStruct((N_ACC, 8), jnp.float32),
        ],
    )(parts, parts, chist, x, wl, b, wr)


def _tc_layer2(parts, inv, x, wl, b, wr):
    return pl.pallas_call(
        _tc2_body,
        grid=(_NB,),
        in_specs=[
            pl.BlockSpec((1, _RB, D), lambda i: (0, i, 0)),
            pl.BlockSpec((1, _RB, D), lambda i: (1, i, 0)),
            pl.BlockSpec((_RB, 8), lambda i: (i, 0)),
            pl.BlockSpec((_RB, D), lambda i: (i, 0)),
            pl.BlockSpec((D, D), lambda i: (0, 0)),
            pl.BlockSpec((1, D), lambda i: (0, 0)),
            pl.BlockSpec((D, D), lambda i: (0, 0)),
        ],
        out_specs=pl.BlockSpec((_RB, D), lambda i: (i, 0)),
        out_shape=jax.ShapeDtypeStruct((N_ACC, D), jnp.float32),
    )(parts, parts, inv, x, wl, b, wr)


@jax.jit
def kernel(x, edge_index, W1_l, b1_l, W1_r, W2_l, b2_l, W2_r):
    src = edge_index[0]
    dst = edge_index[1]
    npad = E_PAD - E
    src_p = jnp.concatenate([src, jnp.zeros((npad,), jnp.int32)])
    dst_p = jnp.concatenate([dst, jnp.full((npad,), N, jnp.int32)])
    xp = jnp.pad(x, ((0, N_ACC - N), (0, 0)))

    parts1, chist = _sc_agg(xp, src_p, dst_p, with_cnt=True)
    h, inv = _tc_layer1(parts1, chist.T, xp, W1_l, b1_l.reshape(1, D),
                        W1_r)
    parts2 = _sc_agg(h, src_p, dst_p, with_cnt=False)
    out = _tc_layer2(parts2, inv, h, W2_l, b2_l.reshape(1, D), W2_r)
    return out[:N]

# --- scband reference (transcript-rebuilt; emitter-appended) ---
"""Pipeline reference for scband-graph-sage-42030549959151 (READ-ONLY COPY).

The authoritative reference and input builder live on the scoring server;
editing this copy changes nothing except your own understanding.
"""

import jax, jax.numpy as jnp
import numpy as np

N = 10000
E = 320000
D_IN = 128
D_H = 128
D_OUT = 128


def setup_inputs(seed: int = 0) -> dict:
    key = jax.random.key(seed)
    ks = jax.random.split(key, 8)
    x = jax.random.normal(ks[0], (N, D_IN), dtype=jnp.float32)
    edge_index = jax.random.randint(ks[1], (2, E), 0, N, dtype=jnp.int32)
    s_in = 1.0 / np.sqrt(D_IN)
    s_h = 1.0 / np.sqrt(D_H)
    # SAGEConv layer 1: lin_l (applied to aggregated neighbors, has bias), lin_r (root)
    W1_l = jax.random.normal(ks[2], (D_IN, D_H), dtype=jnp.float32) * s_in
    b1_l = jnp.zeros((D_H,), dtype=jnp.float32)
    W1_r = jax.random.normal(ks[3], (D_IN, D_H), dtype=jnp.float32) * s_in
    # SAGEConv layer 2
    W2_l = jax.random.normal(ks[4], (D_H, D_OUT), dtype=jnp.float32) * s_h
    b2_l = jnp.zeros((D_OUT,), dtype=jnp.float32)
    W2_r = jax.random.normal(ks[5], (D_H, D_OUT), dtype=jnp.float32) * s_h
    return {"x": x, "edge_index": edge_index,
            "W1_l": W1_l, "b1_l": b1_l, "W1_r": W1_r,
            "W2_l": W2_l, "b2_l": b2_l, "W2_r": W2_r}


def _sage_conv(x, edge_index, W_l, b_l, W_r):
    src = edge_index[0]
    dst = edge_index[1]
    msgs = jnp.take(x, src, axis=0)                              # gather source features
    agg = jax.ops.segment_sum(msgs, dst, num_segments=N)         # scatter-add to dst
    cnt = jax.ops.segment_sum(jnp.ones((msgs.shape[0], 1), dtype=x.dtype), dst, num_segments=N)
    mean = agg / jnp.clip(cnt, 1.0, None)                        # mean aggregation
    return mean @ W_l + b_l + x @ W_r


def reference(x, edge_index, W1_l, b1_l, W1_r, W2_l, b2_l, W2_r):
    h = jax.nn.relu(_sage_conv(x, edge_index, W1_l, b1_l, W1_r))
    out = _sage_conv(h, edge_index, W2_l, b2_l, W2_r)
    return out

if __name__ == "__main__":
    import jax
    _d = setup_inputs()
    print(jax.jit(kernel)(*tuple(_d.values())))

</pallas_src>

<mosaic_0001>
#map = affine_map<(d0, d1) -> (0, 0)>
#map1 = affine_map<(d0, d1) -> (0)>
#map2 = affine_map<(d0, d1) -> (0, 0, 0)>
module attributes {stable_mosaic.version = 14 : i64} {
  func.func @_sc_agg_body(%arg0: i32, %arg1: i32, %arg2: memref<10112x128xf32, #tpu.memory_space<hbm>>, %arg3: memref<327680xi32, #tpu.memory_space<hbm>>, %arg4: memref<327680xi32, #tpu.memory_space<hbm>>, %arg5: memref<80x128xf32, #tpu.memory_space<hbm>>, %arg6: memref<10112xf32, #tpu.memory_space<hbm>>, %arg7: memref<2x10112x128xf32, #tpu.memory_space<hbm>>, %arg8: memref<32x10112xf32, #tpu.memory_space<hbm>>, %arg9: memref<80xi32, #tpu.memory_space<vmem>>, %arg10: memref<80xi32, #tpu.memory_space<vmem>>, %arg11: memref<80xi32, #tpu.memory_space<vmem>>, %arg12: memref<80xi32, #tpu.memory_space<vmem>>, %arg13: memref<80x128xf32, #tpu.memory_space<vmem>>, %arg14: memref<80x128xf32, #tpu.memory_space<vmem>>, %arg15: memref<10112xf32, #tpu.memory_space<vmem>>, %arg16: memref<10112x128xf32, #tpu.memory_space<vmem_shared>>, %arg17: memref<!tpu.dma_semaphore, #tpu.memory_space<semaphore_mem>>, %arg18: memref<!tpu.dma_semaphore, #tpu.memory_space<semaphore_mem>>) attributes {dimension_semantics = [#tpu.dimension_semantics<core_parallel>, #tpu.dimension_semantics<subcore_parallel>], iteration_bounds = array<i64: 2, 16>, scalar_prefetch = 0 : i64, scratch_operands = 10 : i64, tpu.core_type = #tpu.core_type<sc_vector_subcore>, window_params = [{transform_indices = #map}, {transform_indices = #map1}, {transform_indices = #map1}, {transform_indices = #map}, {transform_indices = #map1}, {transform_indices = #map2}, {transform_indices = #map}]} {
    %mul3A = arith.constant 2 : i32
    %mul3A_0 = arith.muli %arg1, %mul3A : i32
    %add3A = arith.addi %mul3A_0, %arg0 : i32
    "tpu.region"() ({
      %run_scoped3A = tpu.sem_alloc : memref<!tpu.dma_semaphore, #tpu.memory_space<semaphore_mem>>
      tpu.enqueue_dma source(%arg5 : memref<80x128xf32, #tpu.memory_space<hbm>>) target(%arg13 : memref<80x128xf32, #tpu.memory_space<vmem>>) target_semaphore(%run_scoped3A : memref<!tpu.dma_semaphore, #tpu.memory_space<semaphore_mem>>)
      tpu.wait_dma2 semaphore(%run_scoped3A : memref<!tpu.dma_semaphore, #tpu.memory_space<semaphore_mem>>) src(%arg5 : memref<80x128xf32, #tpu.memory_space<hbm>>) dst(%arg13 : memref<80x128xf32, #tpu.memory_space<vmem>>)
      tpu.yield
    }) : () -> ()
    %mul3A_1 = arith.constant 632 : i32
    %mul3A_2 = arith.muli %arg1, %mul3A_1 : i32
    %add3A_3 = arith.constant 0 : i32
    %add3A_4 = arith.addi %mul3A_2, %add3A_3 : i32
    "tpu.region"() ({
      %run_scoped3A = tpu.sem_alloc : memref<!tpu.dma_semaphore, #tpu.memory_space<semaphore_mem>>
      %dma_start3A_142 = arith.constant 0 : i32
      %dma_start3A_143 = arith.constant 0 : i32
      %dma_start3A_144 = tpu.memref_slice %arg13[%dma_start3A_142, %dma_start3A_143] : memref<80x128xf32, #tpu.memory_space<vmem>> -> memref<80x128xf32, #tpu.memory_space<vmem>>
      %dma_start3A_145 = arith.constant 0 : i32
      %dma_start3A_146 = tpu.memref_slice %arg16[%add3A_4, %dma_start3A_145] : memref<10112x128xf32, #tpu.memory_space<vmem_shared>> -> memref<80x128xf32, #tpu.memory_space<vmem_shared>>
      %dma_start3A_147 = arith.constant 0 : i32
      %dma_start3A_148 = tpu.memref_slice %arg16[%add3A_4, %dma_start3A_147] : memref<10112x128xf32, #tpu.memory_space<vmem_shared>> -> memref<80x128xf32, #tpu.memory_space<vmem_shared>>
      %dma_start3A_149 = arith.constant 0 : i32
      %dma_start3A_150 = arith.constant 0 : i32
      %dma_start3A_151 = tpu.memref_slice %arg13[%dma_start3A_149, %dma_start3A_150] : memref<80x128xf32, #tpu.memory_space<vmem>> -> memref<80x128xf32, #tpu.memory_space<vmem>>
      tpu.enqueue_dma source(%dma_start3A_151 : memref<80x128xf32, #tpu.memory_space<vmem>>) target(%dma_start3A_148 : memref<80x128xf32, #tpu.memory_space<vmem_shared>>) target_semaphore(%run_scoped3A : memref<!tpu.dma_semaphore, #tpu.memory_space<semaphore_mem>>)
      %dma_wait3A_152 = arith.constant 0 : i32
      %dma_wait3A_153 = arith.constant 0 : i32
      %dma_wait3A_154 = tpu.memref_slice %arg13[%dma_wait3A_152, %dma_wait3A_153] : memref<80x128xf32, #tpu.memory_space<vmem>> -> memref<80x128xf32, #tpu.memory_space<vmem>>
      %dma_wait3A_155 = arith.constant 0 : i32
      %dma_wait3A_156 = tpu.memref_slice %arg16[%add3A_4, %dma_wait3A_155] : memref<10112x128xf32, #tpu.memory_space<vmem_shared>> -> memref<80x128xf32, #tpu.memory_space<vmem_shared>>
      %dma_wait3A_157 = arith.constant 0 : i32
      %dma_wait3A_158 = tpu.memref_slice %arg16[%add3A_4, %dma_wait3A_157] : memref<10112x128xf32, #tpu.memory_space<vmem_shared>> -> memref<80x128xf32, #tpu.memory_space<vmem_shared>>
      %dma_wait3A_159 = arith.constant 0 : i32
      %dma_wait3A_160 = arith.constant 0 : i32
      %dma_wait3A_161 = tpu.memref_slice %arg13[%dma_wait3A_159, %dma_wait3A_160] : memref<80x128xf32, #tpu.memory_space<vmem>> -> memref<80x128xf32, #tpu.memory_space<vmem>>
      tpu.wait_dma2 semaphore(%run_scoped3A : memref<!tpu.dma_semaphore, #tpu.memory_space<semaphore_mem>>) src(%dma_wait3A_161 : memref<80x128xf32, #tpu.memory_space<vmem>>) dst(%dma_wait3A_158 : memref<80x128xf32, #tpu.memory_space<vmem_shared>>)
      tpu.yield
    }) : () -> ()
    %mul3A_5 = arith.constant 632 : i32
    %mul3A_6 = arith.muli %arg1, %mul3A_5 : i32
    %add3A_7 = arith.constant 80 : i32
    %add3A_8 = arith.addi %mul3A_6, %add3A_7 : i32
    "tpu.region"() ({
      %run_scoped3A = tpu.sem_alloc : memref<!tpu.dma_semaphore, #tpu.memory_space<semaphore_mem>>
      %dma_start3A_142 = arith.constant 0 : i32
      %dma_start3A_143 = arith.constant 0 : i32
      %dma_start3A_144 = tpu.memref_slice %arg13[%dma_start3A_142, %dma_start3A_143] : memref<80x128xf32, #tpu.memory_space<vmem>> -> memref<80x128xf32, #tpu.memory_space<vmem>>
      %dma_start3A_145 = arith.constant 0 : i32
      %dma_start3A_146 = tpu.memref_slice %arg16[%add3A_8, %dma_start3A_145] : memref<10112x128xf32, #tpu.memory_space<vmem_shared>> -> memref<80x128xf32, #tpu.memory_space<vmem_shared>>
      %dma_start3A_147 = arith.constant 0 : i32
      %dma_start3A_148 = tpu.memref_slice %arg16[%add3A_8, %dma_start3A_147] : memref<10112x128xf32, #tpu.memory_space<vmem_shared>> -> memref<80x128xf32, #tpu.memory_space<vmem_shared>>
      %dma_start3A_149 = arith.constant 0 : i32
      %dma_start3A_150 = arith.constant 0 : i32
      %dma_start3A_151 = tpu.memref_slice %arg13[%dma_start3A_149, %dma_start3A_150] : memref<80x128xf32, #tpu.memory_space<vmem>> -> memref<80x128xf32, #tpu.memory_space<vmem>>
      tpu.enqueue_dma source(%dma_start3A_151 : memref<80x128xf32, #tpu.memory_space<vmem>>) target(%dma_start3A_148 : memref<80x128xf32, #tpu.memory_space<vmem_shared>>) target_semaphore(%run_scoped3A : memref<!tpu.dma_semaphore, #tpu.memory_space<semaphore_mem>>)
      %dma_wait3A_152 = arith.constant 0 : i32
      %dma_wait3A_153 = arith.constant 0 : i32
      %dma_wait3A_154 = tpu.memref_slice %arg13[%dma_wait3A_152, %dma_wait3A_153] : memref<80x128xf32, #tpu.memory_space<vmem>> -> memref<80x128xf32, #tpu.memory_space<vmem>>
      %dma_wait3A_155 = arith.constant 0 : i32
      %dma_wait3A_156 = tpu.memref_slice %arg16[%add3A_8, %dma_wait3A_155] : memref<10112x128xf32, #tpu.memory_space<vmem_shared>> -> memref<80x128xf32, #tpu.memory_space<vmem_shared>>
      %dma_wait3A_157 = arith.constant 0 : i32
      %dma_wait3A_158 = tpu.memref_slice %arg16[%add3A_8, %dma_wait3A_157] : memref<10112x128xf32, #tpu.memory_space<vmem_shared>> -> memref<80x128xf32, #tpu.memory_space<vmem_shared>>
      %dma_wait3A_159 = arith.constant 0 : i32
      %dma_wait3A_160 = arith.constant 0 : i32
      %dma_wait3A_161 = tpu.memref_slice %arg13[%dma_wait3A_159, %dma_wait3A_160] : memref<80x128xf32, #tpu.memory_space<vmem>> -> memref<80x128xf32, #tpu.memory_space<vmem>>
      tpu.wait_dma2 semaphore(%run_scoped3A : memref<!tpu.dma_semaphore, #tpu.memory_space<semaphore_mem>>) src(%dma_wait3A_161 : memref<80x128xf32, #tpu.memory_space<vmem>>) dst(%dma_wait3A_158 : memref<80x128xf32, #tpu.memory_space<vmem_shared>>)
      tpu.yield
    }) : () -> ()
    %mul3A_9 = arith.constant 632 : i32
    %mul3A_10 = arith.muli %arg1, %mul3A_9 : i32
    %add3A_11 = arith.constant 160 : i32
    %add3A_12 = arith.addi %mul3A_10, %add3A_11 : i32
    "tpu.region"() ({
      %run_scoped3A = tpu.sem_alloc : memref<!tpu.dma_semaphore, #tpu.memory_space<semaphore_mem>>
      %dma_start3A_142 = arith.constant 0 : i32
      %dma_start3A_143 = arith.constant 0 : i32
      %dma_start3A_144 = tpu.memref_slice %arg13[%dma_start3A_142, %dma_start3A_143] : memref<80x128xf32, #tpu.memory_space<vmem>> -> memref<80x128xf32, #tpu.memory_space<vmem>>
      %dma_start3A_145 = arith.constant 0 : i32
      %dma_start3A_146 = tpu.memref_slice %arg16[%add3A_12, %dma_start3A_145] : memref<10112x128xf32, #tpu.memory_space<vmem_shared>> -> memref<80x128xf32, #tpu.memory_space<vmem_shared>>
      %dma_start3A_147 = arith.constant 0 : i32
      %dma_start3A_148 = tpu.memref_slice %arg16[%add3A_12, %dma_start3A_147] : memref<10112x128xf32, #tpu.memory_space<vmem_shared>> -> memref<80x128xf32, #tpu.memory_space<vmem_shared>>
      %dma_start3A_149 = arith.constant 0 : i32
      %dma_start3A_150 = arith.constant 0 : i32
      %dma_start3A_151 = tpu.memref_slice %arg13[%dma_start3A_149, %dma_start3A_150] : memref<80x128xf32, #tpu.memory_space<vmem>> -> memref<80x128xf32, #tpu.memory_space<vmem>>
      tpu.enqueue_dma source(%dma_start3A_151 : memref<80x128xf32, #tpu.memory_space<vmem>>) target(%dma_start3A_148 : memref<80x128xf32, #tpu.memory_space<vmem_shared>>) target_semaphore(%run_scoped3A : memref<!tpu.dma_semaphore, #tpu.memory_space<semaphore_mem>>)
      %dma_wait3A_152 = arith.constant 0 : i32
      %dma_wait3A_153 = arith.constant 0 : i32
      %dma_wait3A_154 = tpu.memref_slice %arg13[%dma_wait3A_152, %dma_wait3A_153] : memref<80x128xf32, #tpu.memory_space<vmem>> -> memref<80x128xf32, #tpu.memory_space<vmem>>
      %dma_wait3A_155 = arith.constant 0 : i32
      %dma_wait3A_156 = tpu.memref_slice %arg16[%add3A_12, %dma_wait3A_155] : memref<10112x128xf32, #tpu.memory_space<vmem_shared>> -> memref<80x128xf32, #tpu.memory_space<vmem_shared>>
      %dma_wait3A_157 = arith.constant 0 : i32
      %dma_wait3A_158 = tpu.memref_slice %arg16[%add3A_12, %dma_wait3A_157] : memref<10112x128xf32, #tpu.memory_space<vmem_shared>> -> memref<80x128xf32, #tpu.memory_space<vmem_shared>>
      %dma_wait3A_159 = arith.constant 0 : i32
      %dma_wait3A_160 = arith.constant 0 : i32
      %dma_wait3A_161 = tpu.memref_slice %arg13[%dma_wait3A_159, %dma_wait3A_160] : memref<80x128xf32, #tpu.memory_space<vmem>> -> memref<80x128xf32, #tpu.memory_space<vmem>>
      tpu.wait_dma2 semaphore(%run_scoped3A : memref<!tpu.dma_semaphore, #tpu.memory_space<semaphore_mem>>) src(%dma_wait3A_161 : memref<80x128xf32, #tpu.memory_space<vmem>>) dst(%dma_wait3A_158 : memref<80x128xf32, #tpu.memory_space<vmem_shared>>)
      tpu.yield
    }) : () -> ()
    %mul3A_13 = arith.constant 632 : i32
    %mul3A_14 = arith.muli %arg1, %mul3A_13 : i32
    %add3A_15 = arith.constant 240 : i32
    %add3A_16 = arith.addi %mul3A_14, %add3A_15 : i32
    "tpu.region"() ({
      %run_scoped3A = tpu.sem_alloc : memref<!tpu.dma_semaphore, #tpu.memory_space<semaphore_mem>>
      %dma_start3A_142 = arith.constant 0 : i32
      %dma_start3A_143 = arith.constant 0 : i32
      %dma_start3A_144 = tpu.memref_slice %arg13[%dma_start3A_142, %dma_start3A_143] : memref<80x128xf32, #tpu.memory_space<vmem>> -> memref<80x128xf32, #tpu.memory_space<vmem>>
      %dma_start3A_145 = arith.constant 0 : i32
      %dma_start3A_146 = tpu.memref_slice %arg16[%add3A_16, %dma_start3A_145] : memref<10112x128xf32, #tpu.memory_space<vmem_shared>> -> memref<80x128xf32, #tpu.memory_space<vmem_shared>>
      %dma_start3A_147 = arith.constant 0 : i32
      %dma_start3A_148 = tpu.memref_slice %arg16[%add3A_16, %dma_start3A_147] : memref<10112x128xf32, #tpu.memory_space<vmem_shared>> -> memref<80x128xf32, #tpu.memory_space<vmem_shared>>
      %dma_start3A_149 = arith.constant 0 : i32
      %dma_start3A_150 = arith.constant 0 : i32
      %dma_start3A_151 = tpu.memref_slice %arg13[%dma_start3A_149, %dma_start3A_150] : memref<80x128xf32, #tpu.memory_space<vmem>> -> memref<80x128xf32, #tpu.memory_space<vmem>>
      tpu.enqueue_dma source(%dma_start3A_151 : memref<80x128xf32, #tpu.memory_space<vmem>>) target(%dma_start3A_148 : memref<80x128xf32, #tpu.memory_space<vmem_shared>>) target_semaphore(%run_scoped3A : memref<!tpu.dma_semaphore, #tpu.memory_space<semaphore_mem>>)
      %dma_wait3A_152 = arith.constant 0 : i32
      %dma_wait3A_153 = arith.constant 0 : i32
      %dma_wait3A_154 = tpu.memref_slice %arg13[%dma_wait3A_152, %dma_wait3A_153] : memref<80x128xf32, #tpu.memory_space<vmem>> -> memref<80x128xf32, #tpu.memory_space<vmem>>
      %dma_wait3A_155 = arith.constant 0 : i32
      %dma_wait3A_156 = tpu.memref_slice %arg16[%add3A_16, %dma_wait3A_155] : memref<10112x128xf32, #tpu.memory_space<vmem_shared>> -> memref<80x128xf32, #tpu.memory_space<vmem_shared>>
      %dma_wait3A_157 = arith.constant 0 : i32
      %dma_wait3A_158 = tpu.memref_slice %arg16[%add3A_16, %dma_wait3A_157] : memref<10112x128xf32, #tpu.memory_space<vmem_shared>> -> memref<80x128xf32, #tpu.memory_space<vmem_shared>>
      %dma_wait3A_159 = arith.constant 0 : i32
      %dma_wait3A_160 = arith.constant 0 : i32
      %dma_wait3A_161 = tpu.memref_slice %arg13[%dma_wait3A_159, %dma_wait3A_160] : memref<80x128xf32, #tpu.memory_space<vmem>> -> memref<80x128xf32, #tpu.memory_space<vmem>>
      tpu.wait_dma2 semaphore(%run_scoped3A : memref<!tpu.dma_semaphore, #tpu.memory_space<semaphore_mem>>) src(%dma_wait3A_161 : memref<80x128xf32, #tpu.memory_space<vmem>>) dst(%dma_wait3A_158 : memref<80x128xf32, #tpu.memory_space<vmem_shared>>)
      tpu.yield
    }) : () -> ()
    %mul3A_17 = arith.constant 632 : i32
    %mul3A_18 = arith.muli %arg1, %mul3A_17 : i32
    %add3A_19 = arith.constant 320 : i32
    %add3A_20 = arith.addi %mul3A_18, %add3A_19 : i32
    "tpu.region"() ({
      %run_scoped3A = tpu.sem_alloc : memref<!tpu.dma_semaphore, #tpu.memory_space<semaphore_mem>>
      %dma_start3A_142 = arith.constant 0 : i32
      %dma_start3A_143 = arith.constant 0 : i32
      %dma_start3A_144 = tpu.memref_slice %arg13[%dma_start3A_142, %dma_start3A_143] : memref<80x128xf32, #tpu.memory_space<vmem>> -> memref<80x128xf32, #tpu.memory_space<vmem>>
      %dma_start3A_145 = arith.constant 0 : i32
      %dma_start3A_146 = tpu.memref_slice %arg16[%add3A_20, %dma_start3A_145] : memref<10112x128xf32, #tpu.memory_space<vmem_shared>> -> memref<80x128xf32, #tpu.memory_space<vmem_shared>>
      %dma_start3A_147 = arith.constant 0 : i32
      %dma_start3A_148 = tpu.memref_slice %arg16[%add3A_20, %dma_start3A_147] : memref<10112x128xf32, #tpu.memory_space<vmem_shared>> -> memref<80x128xf32, #tpu.memory_space<vmem_shared>>
      %dma_start3A_149 = arith.constant 0 : i32
      %dma_start3A_150 = arith.constant 0 : i32
      %dma_start3A_151 = tpu.memref_slice %arg13[%dma_start3A_149, %dma_start3A_150] : memref<80x128xf32, #tpu.memory_space<vmem>> -> memref<80x128xf32, #tpu.memory_space<vmem>>
      tpu.enqueue_dma source(%dma_start3A_151 : memref<80x128xf32, #tpu.memory_space<vmem>>) target(%dma_start3A_148 : memref<80x128xf32, #tpu.memory_space<vmem_shared>>) target_semaphore(%run_scoped3A : memref<!tpu.dma_semaphore, #tpu.memory_space<semaphore_mem>>)
      %dma_wait3A_152 = arith.constant 0 : i32
      %dma_wait3A_153 = arith.constant 0 : i32
      %dma_wait3A_154 = tpu.memref_slice %arg13[%dma_wait3A_152, %dma_wait3A_153] : memref<80x128xf32, #tpu.memory_space<vmem>> -> memref<80x128xf32, #tpu.memory_space<vmem>>
      %dma_wait3A_155 = arith.constant 0 : i32
      %dma_wait3A_156 = tpu.memref_slice %arg16[%add3A_20, %dma_wait3A_155] : memref<10112x128xf32, #tpu.memory_space<vmem_shared>> -> memref<80x128xf32, #tpu.memory_space<vmem_shared>>
      %dma_wait3A_157 = arith.constant 0 : i32
      %dma_wait3A_158 = tpu.memref_slice %arg16[%add3A_20, %dma_wait3A_157] : memref<10112x128xf32, #tpu.memory_space<vmem_shared>> -> memref<80x128xf32, #tpu.memory_space<vmem_shared>>
      %dma_wait3A_159 = arith.constant 0 : i32
      %dma_wait3A_160 = arith.constant 0 : i32
      %dma_wait3A_161 = tpu.memref_slice %arg13[%dma_wait3A_159, %dma_wait3A_160] : memref<80x128xf32, #tpu.memory_space<vmem>> -> memref<80x128xf32, #tpu.memory_space<vmem>>
      tpu.wait_dma2 semaphore(%run_scoped3A : memref<!tpu.dma_semaphore, #tpu.memory_space<semaphore_mem>>) src(%dma_wait3A_161 : memref<80x128xf32, #tpu.memory_space<vmem>>) dst(%dma_wait3A_158 : memref<80x128xf32, #tpu.memory_space<vmem_shared>>)
      tpu.yield
    }) : () -> ()
    %mul3A_21 = arith.constant 632 : i32
    %mul3A_22 = arith.muli %arg1, %mul3A_21 : i32
    %add3A_23 = arith.constant 400 : i32
    %add3A_24 = arith.addi %mul3A_22, %add3A_23 : i32
    "tpu.region"() ({
      %run_scoped3A = tpu.sem_alloc : memref<!tpu.dma_semaphore, #tpu.memory_space<semaphore_mem>>
      %dma_start3A_142 = arith.constant 0 : i32
      %dma_start3A_143 = arith.constant 0 : i32
      %dma_start3A_144 = tpu.memref_slice %arg13[%dma_start3A_142, %dma_start3A_143] : memref<80x128xf32, #tpu.memory_space<vmem>> -> memref<80x128xf32, #tpu.memory_space<vmem>>
      %dma_start3A_145 = arith.constant 0 : i32
      %dma_start3A_146 = tpu.memref_slice %arg16[%add3A_24, %dma_start3A_145] : memref<10112x128xf32, #tpu.memory_space<vmem_shared>> -> memref<80x128xf32, #tpu.memory_space<vmem_shared>>
      %dma_start3A_147 = arith.constant 0 : i32
      %dma_start3A_148 = tpu.memref_slice %arg16[%add3A_24, %dma_start3A_147] : memref<10112x128xf32, #tpu.memory_space<vmem_shared>> -> memref<80x128xf32, #tpu.memory_space<vmem_shared>>
      %dma_start3A_149 = arith.constant 0 : i32
      %dma_start3A_150 = arith.constant 0 : i32
      %dma_start3A_151 = tpu.memref_slice %arg13[%dma_start3A_149, %dma_start3A_150] : memref<80x128xf32, #tpu.memory_space<vmem>> -> memref<80x128xf32, #tpu.memory_space<vmem>>
      tpu.enqueue_dma source(%dma_start3A_151 : memref<80x128xf32, #tpu.memory_space<vmem>>) target(%dma_start3A_148 : memref<80x128xf32, #tpu.memory_space<vmem_shared>>) target_semaphore(%run_scoped3A : memref<!tpu.dma_semaphore, #tpu.memory_space<semaphore_mem>>)
      %dma_wait3A_152 = arith.constant 0 : i32
      %dma_wait3A_153 = arith.constant 0 : i32
      %dma_wait3A_154 = tpu.memref_slice %arg13[%dma_wait3A_152, %dma_wait3A_153] : memref<80x128xf32, #tpu.memory_space<vmem>> -> memref<80x128xf32, #tpu.memory_space<vmem>>
      %dma_wait3A_155 = arith.constant 0 : i32
      %dma_wait3A_156 = tpu.memref_slice %arg16[%add3A_24, %dma_wait3A_155] : memref<10112x128xf32, #tpu.memory_space<vmem_shared>> -> memref<80x128xf32, #tpu.memory_space<vmem_shared>>
      %dma_wait3A_157 = arith.constant 0 : i32
      %dma_wait3A_158 = tpu.memref_slice %arg16[%add3A_24, %dma_wait3A_157] : memref<10112x128xf32, #tpu.memory_space<vmem_shared>> -> memref<80x128xf32, #tpu.memory_space<vmem_shared>>
      %dma_wait3A_159 = arith.constant 0 : i32
      %dma_wait3A_160 = arith.constant 0 : i32
      %dma_wait3A_161 = tpu.memref_slice %arg13[%dma_wait3A_159, %dma_wait3A_160] : memref<80x128xf32, #tpu.memory_space<vmem>> -> memref<80x128xf32, #tpu.memory_space<vmem>>
      tpu.wait_dma2 semaphore(%run_scoped3A : memref<!tpu.dma_semaphore, #tpu.memory_space<semaphore_mem>>) src(%dma_wait3A_161 : memref<80x128xf32, #tpu.memory_space<vmem>>) dst(%dma_wait3A_158 : memref<80x128xf32, #tpu.memory_space<vmem_shared>>)
      tpu.yield
    }) : () -> ()
    %mul3A_25 = arith.constant 632 : i32
    %mul3A_26 = arith.muli %arg1, %mul3A_25 : i32
    %add3A_27 = arith.constant 480 : i32
    %add3A_28 = arith.addi %mul3A_26, %add3A_27 : i32
    "tpu.region"() ({
      %run_scoped3A = tpu.sem_alloc : memref<!tpu.dma_semaphore, #tpu.memory_space<semaphore_mem>>
      %dma_start3A_142 = arith.constant 0 : i32
      %dma_start3A_143 = arith.constant 0 : i32
      %dma_start3A_144 = tpu.memref_slice %arg13[%dma_start3A_142, %dma_start3A_143] : memref<80x128xf32, #tpu.memory_space<vmem>> -> memref<80x128xf32, #tpu.memory_space<vmem>>
      %dma_start3A_145 = arith.constant 0 : i32
      %dma_start3A_146 = tpu.memref_slice %arg16[%add3A_28, %dma_start3A_145] : memref<10112x128xf32, #tpu.memory_space<vmem_shared>> -> memref<80x128xf32, #tpu.memory_space<vmem_shared>>
      %dma_start3A_147 = arith.constant 0 : i32
      %dma_start3A_148 = tpu.memref_slice %arg16[%add3A_28, %dma_start3A_147] : memref<10112x128xf32, #tpu.memory_space<vmem_shared>> -> memref<80x128xf32, #tpu.memory_space<vmem_shared>>
      %dma_start3A_149 = arith.constant 0 : i32
      %dma_start3A_150 = arith.constant 0 : i32
      %dma_start3A_151 = tpu.memref_slice %arg13[%dma_start3A_149, %dma_start3A_150] : memref<80x128xf32, #tpu.memory_space<vmem>> -> memref<80x128xf32, #tpu.memory_space<vmem>>
      tpu.enqueue_dma source(%dma_start3A_151 : memref<80x128xf32, #tpu.memory_space<vmem>>) target(%dma_start3A_148 : memref<80x128xf32, #tpu.memory_space<vmem_shared>>) target_semaphore(%run_scoped3A : memref<!tpu.dma_semaphore, #tpu.memory_space<semaphore_mem>>)
      %dma_wait3A_152 = arith.constant 0 : i32
      %dma_wait3A_153 = arith.constant 0 : i32
      %dma_wait3A_154 = tpu.memref_slice %arg13[%dma_wait3A_152, %dma_wait3A_153] : memref<80x128xf32, #tpu.memory_space<vmem>> -> memref<80x128xf32, #tpu.memory_space<vmem>>
      %dma_wait3A_155 = arith.constant 0 : i32
      %dma_wait3A_156 = tpu.memref_slice %arg16[%add3A_28, %dma_wait3A_155] : memref<10112x128xf32, #tpu.memory_space<vmem_shared>> -> memref<80x128xf32, #tpu.memory_space<vmem_shared>>
      %dma_wait3A_157 = arith.constant 0 : i32
      %dma_wait3A_158 = tpu.memref_slice %arg16[%add3A_28, %dma_wait3A_157] : memref<10112x128xf32, #tpu.memory_space<vmem_shared>> -> memref<80x128xf32, #tpu.memory_space<vmem_shared>>
      %dma_wait3A_159 = arith.constant 0 : i32
      %dma_wait3A_160 = arith.constant 0 : i32
      %dma_wait3A_161 = tpu.memref_slice %arg13[%dma_wait3A_159, %dma_wait3A_160] : memref<80x128xf32, #tpu.memory_space<vmem>> -> memref<80x128xf32, #tpu.memory_space<vmem>>
      tpu.wait_dma2 semaphore(%run_scoped3A : memref<!tpu.dma_semaphore, #tpu.memory_space<semaphore_mem>>) src(%dma_wait3A_161 : memref<80x128xf32, #tpu.memory_space<vmem>>) dst(%dma_wait3A_158 : memref<80x128xf32, #tpu.memory_space<vmem_shared>>)
      tpu.yield
    }) : () -> ()
    %mul3A_29 = arith.constant 632 : i32
    %mul3A_30 = arith.muli %arg1, %mul3A_29 : i32
    %add3A_31 = arith.constant 560 : i32
    %add3A_32 = arith.addi %mul3A_30, %add3A_31 : i32
    "tpu.region"() ({
      %run_scoped3A = tpu.sem_alloc : memref<!tpu.dma_semaphore, #tpu.memory_space<semaphore_mem>>
      %dma_start3A_142 = arith.constant 0 : i32
      %dma_start3A_143 = arith.constant 0 : i32
      %dma_start3A_144 = tpu.memref_slice %arg13[%dma_start3A_142, %dma_start3A_143] : memref<80x128xf32, #tpu.memory_space<vmem>> -> memref<72x128xf32, #tpu.memory_space<vmem>>
      %dma_start3A_145 = arith.constant 0 : i32
      %dma_start3A_146 = tpu.memref_slice %arg16[%add3A_32, %dma_start3A_145] : memref<10112x128xf32, #tpu.memory_space<vmem_shared>> -> memref<72x128xf32, #tpu.memory_space<vmem_shared>>
      %dma_start3A_147 = arith.constant 0 : i32
      %dma_start3A_148 = tpu.memref_slice %arg16[%add3A_32, %dma_start3A_147] : memref<10112x128xf32, #tpu.memory_space<vmem_shared>> -> memref<72x128xf32, #tpu.memory_space<vmem_shared>>
      %dma_start3A_149 = arith.constant 0 : i32
      %dma_start3A_150 = arith.constant 0 : i32
      %dma_start3A_151 = tpu.memref_slice %arg13[%dma_start3A_149, %dma_start3A_150] : memref<80x128xf32, #tpu.memory_space<vmem>> -> memref<72x128xf32, #tpu.memory_space<vmem>>
      tpu.enqueue_dma source(%dma_start3A_151 : memref<72x128xf32, #tpu.memory_space<vmem>>) target(%dma_start3A_148 : memref<72x128xf32, #tpu.memory_space<vmem_shared>>) target_semaphore(%run_scoped3A : memref<!tpu.dma_semaphore, #tpu.memory_space<semaphore_mem>>)
      %dma_wait3A_152 = arith.constant 0 : i32
      %dma_wait3A_153 = arith.constant 0 : i32
      %dma_wait3A_154 = tpu.memref_slice %arg13[%dma_wait3A_152, %dma_wait3A_153] : memref<80x128xf32, #tpu.memory_space<vmem>> -> memref<72x128xf32, #tpu.memory_space<vmem>>
      %dma_wait3A_155 = arith.constant 0 : i32
      %dma_wait3A_156 = tpu.memref_slice %arg16[%add3A_32, %dma_wait3A_155] : memref<10112x128xf32, #tpu.memory_space<vmem_shared>> -> memref<72x128xf32, #tpu.memory_space<vmem_shared>>
      %dma_wait3A_157 = arith.constant 0 : i32
      %dma_wait3A_158 = tpu.memref_slice %arg16[%add3A_32, %dma_wait3A_157] : memref<10112x128xf32, #tpu.memory_space<vmem_shared>> -> memref<72x128xf32, #tpu.memory_space<vmem_shared>>
      %dma_wait3A_159 = arith.constant 0 : i32
      %dma_wait3A_160 = arith.constant 0 : i32
      %dma_wait3A_161 = tpu.memref_slice %arg13[%dma_wait3A_159, %dma_wait3A_160] : memref<80x128xf32, #tpu.memory_space<vmem>> -> memref<72x128xf32, #tpu.memory_space<vmem>>
      tpu.wait_dma2 semaphore(%run_scoped3A : memref<!tpu.dma_semaphore, #tpu.memory_space<semaphore_mem>>) src(%dma_wait3A_161 : memref<72x128xf32, #tpu.memory_space<vmem>>) dst(%dma_wait3A_158 : memref<72x128xf32, #tpu.memory_space<vmem_shared>>)
      tpu.yield
    }) : () -> ()
    "tpu.region"() ({
      %run_scoped3A = tpu.sem_alloc : memref<!tpu.dma_semaphore, #tpu.memory_space<semaphore_mem>>
      tpu.enqueue_dma source(%arg6 : memref<10112xf32, #tpu.memory_space<hbm>>) target(%arg15 : memref<10112xf32, #tpu.memory_space<vmem>>) target_semaphore(%run_scoped3A : memref<!tpu.dma_semaphore, #tpu.memory_space<semaphore_mem>>)
      tpu.wait_dma2 semaphore(%run_scoped3A : memref<!tpu.dma_semaphore, #tpu.memory_space<semaphore_mem>>) src(%arg6 : memref<10112xf32, #tpu.memory_space<hbm>>) dst(%arg15 : memref<10112xf32, #tpu.memory_space<vmem>>)
      tpu.yield
    }) : () -> ()
    %barrier3A = arith.constant 0 : index
    tpu.barrier barrier_id(%barrier3A)
    %broadcast_in_dim3A = arith.constant 1.000000e+00 : f32
    %broadcast_in_dim3A_33 = vector.broadcast %broadcast_in_dim3A : f32 to vector<16xf32>
    %mul3A_34 = arith.constant 10240 : i32
    %mul3A_35 = arith.muli %add3A, %mul3A_34 : i32
    %add3A_36 = arith.constant 0 : i32
    %add3A_37 = arith.addi %mul3A_35, %add3A_36 : i32
    %multiple_of3A = tpu.assume_multiple %add3A_37, 80 : i32
    "tpu.region"() ({
      %run_scoped3A = tpu.sem_alloc : memref<!tpu.dma_semaphore, #tpu.memory_space<semaphore_mem>>
      %dma_start3A_142 = tpu.memref_slice %arg3[%multiple_of3A] : memref<327680xi32, #tpu.memory_space<hbm>> -> memref<80xi32, #tpu.memory_space<hbm>>
      %dma_start3A_143 = tpu.memref_slice %arg3[%multiple_of3A] : memref<327680xi32, #tpu.memory_space<hbm>> -> memref<80xi32, #tpu.memory_space<hbm>>
      tpu.enqueue_dma source(%dma_start3A_143 : memref<80xi32, #tpu.memory_space<hbm>>) target(%arg9 : memref<80xi32, #tpu.memory_space<vmem>>) target_semaphore(%run_scoped3A : memref<!tpu.dma_semaphore, #tpu.memory_space<semaphore_mem>>)
      %dma_wait3A_144 = tpu.memref_slice %arg3[%multiple_of3A] : memref<327680xi32, #tpu.memory_space<hbm>> -> memref<80xi32, #tpu.memory_space<hbm>>
      %dma_wait3A_145 = tpu.memref_slice %arg3[%multiple_of3A] : memref<327680xi32, #tpu.memory_space<hbm>> -> memref<80xi32, #tpu.memory_space<hbm>>
      tpu.wait_dma2 semaphore(%run_scoped3A : memref<!tpu.dma_semaphore, #tpu.memory_space<semaphore_mem>>) src(%dma_wait3A_145 : memref<80xi32, #tpu.memory_space<hbm>>) dst(%arg9 : memref<80xi32, #tpu.memory_space<vmem>>)
      tpu.yield
    }) : () -> ()
    "tpu.region"() ({
      %run_scoped3A = tpu.sem_alloc : memref<!tpu.dma_semaphore, #tpu.memory_space<semaphore_mem>>
      %dma_start3A_142 = tpu.memref_slice %arg4[%multiple_of3A] : memref<327680xi32, #tpu.memory_space<hbm>> -> memref<80xi32, #tpu.memory_space<hbm>>
      %dma_start3A_143 = tpu.memref_slice %arg4[%multiple_of3A] : memref<327680xi32, #tpu.memory_space<hbm>> -> memref<80xi32, #tpu.memory_space<hbm>>
      tpu.enqueue_dma source(%dma_start3A_143 : memref<80xi32, #tpu.memory_space<hbm>>) target(%arg11 : memref<80xi32, #tpu.memory_space<vmem>>) target_semaphore(%run_scoped3A : memref<!tpu.dma_semaphore, #tpu.memory_space<semaphore_mem>>)
      %dma_wait3A_144 = tpu.memref_slice %arg4[%multiple_of3A] : memref<327680xi32, #tpu.memory_space<hbm>> -> memref<80xi32, #tpu.memory_space<hbm>>
      %dma_wait3A_145 = tpu.memref_slice %arg4[%multiple_of3A] : memref<327680xi32, #tpu.memory_space<hbm>> -> memref<80xi32, #tpu.memory_space<hbm>>
      tpu.wait_dma2 semaphore(%run_scoped3A : memref<!tpu.dma_semaphore, #tpu.memory_space<semaphore_mem>>) src(%dma_wait3A_145 : memref<80xi32, #tpu.memory_space<hbm>>) dst(%arg11 : memref<80xi32, #tpu.memory_space<vmem>>)
      tpu.yield
    }) : () -> ()
    %dma_start3A = arith.constant 0 : i32
    %dma_start3A_38 = arith.constant 0 : i32
    %dma_start3A_39 = tpu.memref_slice %arg2[%dma_start3A, %dma_start3A_38] : memref<10112x128xf32, #tpu.memory_space<hbm>> -> memref<10112x128xf32, #tpu.memory_space<hbm>>
    tpu.enqueue_indirect_dma source(%dma_start3A_39 : memref<10112x128xf32, #tpu.memory_space<hbm>>) target(%arg13 : memref<80x128xf32, #tpu.memory_space<vmem>>) offsets(%arg9 : memref<80xi32, #tpu.memory_space<vmem>>) semaphore(%arg17 : memref<!tpu.dma_semaphore, #tpu.memory_space<semaphore_mem>>)
    %scan3A = arith.constant 0 : i32
    %scan3A_40 = arith.constant 0 : i32
    %scan3A_41 = arith.constant 63 : i32
    %scan3A_42 = arith.addi %scan3A_40, %scan3A_41 : i32
    %scan3A_43 = arith.constant 1 : i32
    scf.for %scan3A_142 = %scan3A_40 to %scan3A_42 step %scan3A_43  : i32 {
      %mul3A_143 = arith.constant 2 : i32
      %mul3A_144 = arith.muli %scan3A_142, %mul3A_143 : i32
      %add3A_145 = arith.constant 1 : i32
      %add3A_146 = arith.addi %mul3A_144, %add3A_145 : i32
      %mul3A_147 = arith.constant 10240 : i32
      %mul3A_148 = arith.muli %add3A, %mul3A_147 : i32
      %mul3A_149 = arith.constant 80 : i32
      %mul3A_150 = arith.muli %add3A_146, %mul3A_149 : i32
      %add3A_151 = arith.addi %mul3A_148, %mul3A_150 : i32
      %multiple_of3A_152 = tpu.assume_multiple %add3A_151, 80 : i32
      "tpu.region"() ({
        %run_scoped3A = tpu.sem_alloc : memref<!tpu.dma_semaphore, #tpu.memory_space<semaphore_mem>>
        %dma_start3A_193 = tpu.memref_slice %arg3[%multiple_of3A_152] : memref<327680xi32, #tpu.memory_space<hbm>> -> memref<80xi32, #tpu.memory_space<hbm>>
        %dma_start3A_194 = tpu.memref_slice %arg3[%multiple_of3A_152] : memref<327680xi32, #tpu.memory_space<hbm>> -> memref<80xi32, #tpu.memory_space<hbm>>
        tpu.enqueue_dma source(%dma_start3A_194 : memref<80xi32, #tpu.memory_space<hbm>>) target(%arg10 : memref<80xi32, #tpu.memory_space<vmem>>) target_semaphore(%run_scoped3A : memref<!tpu.dma_semaphore, #tpu.memory_space<semaphore_mem>>)
        %dma_wait3A_195 = tpu.memref_slice %arg3[%multiple_of3A_152] : memref<327680xi32, #tpu.memory_space<hbm>> -> memref<80xi32, #tpu.memory_space<hbm>>
        %dma_wait3A_196 = tpu.memref_slice %arg3[%multiple_of3A_152] : memref<327680xi32, #tpu.memory_space<hbm>> -> memref<80xi32, #tpu.memory_space<hbm>>
        tpu.wait_dma2 semaphore(%run_scoped3A : memref<!tpu.dma_semaphore, #tpu.memory_space<semaphore_mem>>) src(%dma_wait3A_196 : memref<80xi32, #tpu.memory_space<hbm>>) dst(%arg10 : memref<80xi32, #tpu.memory_space<vmem>>)
        tpu.yield
      }) : () -> ()
      "tpu.region"() ({
        %run_scoped3A = tpu.sem_alloc : memref<!tpu.dma_semaphore, #tpu.memory_space<semaphore_mem>>
        %dma_start3A_193 = tpu.memref_slice %arg4[%multiple_of3A_152] : memref<327680xi32, #tpu.memory_space<hbm>> -> memref<80xi32, #tpu.memory_space<hbm>>
        %dma_start3A_194 = tpu.memref_slice %arg4[%multiple_of3A_152] : memref<327680xi32, #tpu.memory_space<hbm>> -> memref<80xi32, #tpu.memory_space<hbm>>
        tpu.enqueue_dma source(%dma_start3A_194 : memref<80xi32, #tpu.memory_space<hbm>>) target(%arg12 : memref<80xi32, #tpu.memory_space<vmem>>) target_semaphore(%run_scoped3A : memref<!tpu.dma_semaphore, #tpu.memory_space<semaphore_mem>>)
        %dma_wait3A_195 = tpu.memref_slice %arg4[%multiple_of3A_152] : memref<327680xi32, #tpu.memory_space<hbm>> -> memref<80xi32, #tpu.memory_space<hbm>>
        %dma_wait3A_196 = tpu.memref_slice %arg4[%multiple_of3A_152] : memref<327680xi32, #tpu.memory_space<hbm>> -> memref<80xi32, #tpu.memory_space<hbm>>
        tpu.wait_dma2 semaphore(%run_scoped3A : memref<!tpu.dma_semaphore, #tpu.memory_space<semaphore_mem>>) src(%dma_wait3A_196 : memref<80xi32, #tpu.memory_space<hbm>>) dst(%arg12 : memref<80xi32, #tpu.memory_space<vmem>>)
        tpu.yield
      }) : () -> ()
      %dma_start3A_153 = arith.constant 0 : i32
      %dma_start3A_154 = arith.constant 0 : i32
      %dma_start3A_155 = tpu.memref_slice %arg2[%dma_start3A_153, %dma_start3A_154] : memref<10112x128xf32, #tpu.memory_space<hbm>> -> memref<10112x128xf32, #tpu.memory_space<hbm>>
      tpu.enqueue_indirect_dma source(%dma_start3A_155 : memref<10112x128xf32, #tpu.memory_space<hbm>>) target(%arg14 : memref<80x128xf32, #tpu.memory_space<vmem>>) offsets(%arg10 : memref<80xi32, #tpu.memory_space<vmem>>) semaphore(%arg18 : memref<!tpu.dma_semaphore, #tpu.memory_space<semaphore_mem>>)
      %dma_wait3A_156 = arith.constant 0 : i32
      %dma_wait3A_157 = arith.constant 0 : i32
      %dma_wait3A_158 = tpu.memref_slice %arg2[%dma_wait3A_156, %dma_wait3A_157] : memref<10112x128xf32, #tpu.memory_space<hbm>> -> memref<10112x128xf32, #tpu.memory_space<hbm>>
      tpu.wait_indirect_dma semaphore(%arg17 : memref<!tpu.dma_semaphore, #tpu.memory_space<semaphore_mem>>) src(%dma_wait3A_158 : memref<10112x128xf32, #tpu.memory_space<hbm>>) dst(%arg13 : memref<80x128xf32, #tpu.memory_space<vmem>>)
      "tpu.region"() ({
        %run_scoped3A = tpu.sem_alloc : memref<!tpu.dma_semaphore, #tpu.memory_space<semaphore_mem>>
        %dma_start3A_193 = arith.constant 0 : i32
        %dma_start3A_194 = arith.constant 0 : i32
        %dma_start3A_195 = tpu.memref_slice %arg16[%dma_start3A_193, %dma_start3A_194] : memref<10112x128xf32, #tpu.memory_space<vmem_shared>> -> memref<10112x128xf32, #tpu.memory_space<vmem_shared>>
        tpu.enqueue_indirect_dma source(%arg13 : memref<80x128xf32, #tpu.memory_space<vmem>>) target(%dma_start3A_195 : memref<10112x128xf32, #tpu.memory_space<vmem_shared>>) offsets(%arg11 : memref<80xi32, #tpu.memory_space<vmem>>) semaphore(%run_scoped3A : memref<!tpu.dma_semaphore, #tpu.memory_space<semaphore_mem>>) {add = true}
        %dma_wait3A_196 = arith.constant 0 : i32
        %dma_wait3A_197 = arith.constant 0 : i32
        %dma_wait3A_198 = tpu.memref_slice %arg16[%dma_wait3A_196, %dma_wait3A_197] : memref<10112x128xf32, #tpu.memory_space<vmem_shared>> -> memref<10112x128xf32, #tpu.memory_space<vmem_shared>>
        tpu.wait_indirect_dma semaphore(%run_scoped3A : memref<!tpu.dma_semaphore, #tpu.memory_space<semaphore_mem>>) src(%arg13 : memref<80x128xf32, #tpu.memory_space<vmem>>) dst(%dma_wait3A_198 : memref<10112x128xf32, #tpu.memory_space<vmem_shared>>)
        tpu.yield
      }) : () -> ()
      %get3A_159 = arith.constant 0 : index
      %get3A_160 = tpu.vector_load %arg11[%get3A_159] {strides = array<i32>} : memref<80xi32, #tpu.memory_space<vmem>>, vector<16xi32>,
      tpu.vector_store_idx %arg15[%get3A_160], %broadcast_in_dim3A_33 {add = true} : memref<10112xf32, #tpu.memory_space<vmem>>[vector<16xi32>], vector<16xf32>,
      %get3A_161 = arith.constant 16 : index
      %get3A_162 = tpu.vector_load %arg11[%get3A_161] {strides = array<i32>} : memref<80xi32, #tpu.memory_space<vmem>>, vector<16xi32>,
      tpu.vector_store_idx %arg15[%get3A_162], %broadcast_in_dim3A_33 {add = true} : memref<10112xf32, #tpu.memory_space<vmem>>[vector<16xi32>], vector<16xf32>,
      %get3A_163 = arith.constant 32 : index
      %get3A_164 = tpu.vector_load %arg11[%get3A_163] {strides = array<i32>} : memref<80xi32, #tpu.memory_space<vmem>>, vector<16xi32>,
      tpu.vector_store_idx %arg15[%get3A_164], %broadcast_in_dim3A_33 {add = true} : memref<10112xf32, #tpu.memory_space<vmem>>[vector<16xi32>], vector<16xf32>,
      %get3A_165 = arith.constant 48 : index
      %get3A_166 = tpu.vector_load %arg11[%get3A_165] {strides = array<i32>} : memref<80xi32, #tpu.memory_space<vmem>>, vector<16xi32>,
      tpu.vector_store_idx %arg15[%get3A_166], %broadcast_in_dim3A_33 {add = true} : memref<10112xf32, #tpu.memory_space<vmem>>[vector<16xi32>], vector<16xf32>,
      %get3A_167 = arith.constant 64 : index
      %get3A_168 = tpu.vector_load %arg11[%get3A_167] {strides = array<i32>} : memref<80xi32, #tpu.memory_space<vmem>>, vector<16xi32>,
      tpu.vector_store_idx %arg15[%get3A_168], %broadcast_in_dim3A_33 {add = true} : memref<10112xf32, #tpu.memory_space<vmem>>[vector<16xi32>], vector<16xf32>,
      %add3A_169 = arith.constant 2 : i32
      %add3A_170 = arith.addi %mul3A_144, %add3A_169 : i32
      %mul3A_171 = arith.constant 10240 : i32
      %mul3A_172 = arith.muli %add3A, %mul3A_171 : i32
      %mul3A_173 = arith.constant 80 : i32
      %mul3A_174 = arith.muli %add3A_170, %mul3A_173 : i32
      %add3A_175 = arith.addi %mul3A_172, %mul3A_174 : i32
      %multiple_of3A_176 = tpu.assume_multiple %add3A_175, 80 : i32
      "tpu.region"() ({
        %run_scoped3A = tpu.sem_alloc : memref<!tpu.dma_semaphore, #tpu.memory_space<semaphore_mem>>
        %dma_start3A_193 = tpu.memref_slice %arg3[%multiple_of3A_176] : memref<327680xi32, #tpu.memory_space<hbm>> -> memref<80xi32, #tpu.memory_space<hbm>>
        %dma_start3A_194 = tpu.memref_slice %arg3[%multiple_of3A_176] : memref<327680xi32, #tpu.memory_space<hbm>> -> memref<80xi32, #tpu.memory_space<hbm>>
        tpu.enqueue_dma source(%dma_start3A_194 : memref<80xi32, #tpu.memory_space<hbm>>) target(%arg9 : memref<80xi32, #tpu.memory_space<vmem>>) target_semaphore(%run_scoped3A : memref<!tpu.dma_semaphore, #tpu.memory_space<semaphore_mem>>)
        %dma_wait3A_195 = tpu.memref_slice %arg3[%multiple_of3A_176] : memref<327680xi32, #tpu.memory_space<hbm>> -> memref<80xi32, #tpu.memory_space<hbm>>
        %dma_wait3A_196 = tpu.memref_slice %arg3[%multiple_of3A_176] : memref<327680xi32, #tpu.memory_space<hbm>> -> memref<80xi32, #tpu.memory_space<hbm>>
        tpu.wait_dma2 semaphore(%run_scoped3A : memref<!tpu.dma_semaphore, #tpu.memory_space<semaphore_mem>>) src(%dma_wait3A_196 : memref<80xi32, #tpu.memory_space<hbm>>) dst(%arg9 : memref<80xi32, #tpu.memory_space<vmem>>)
        tpu.yield
      }) : () -> ()
      "tpu.region"() ({
        %run_scoped3A = tpu.sem_alloc : memref<!tpu.dma_semaphore, #tpu.memory_space<semaphore_mem>>
        %dma_start3A_193 = tpu.memref_slice %arg4[%multiple_of3A_176] : memref<327680xi32, #tpu.memory_space<hbm>> -> memref<80xi32, #tpu.memory_space<hbm>>
        %dma_start3A_194 = tpu.memref_slice %arg4[%multiple_of3A_176] : memref<327680xi32, #tpu.memory_space<hbm>> -> memref<80xi32, #tpu.memory_space<hbm>>
        tpu.enqueue_dma source(%dma_start3A_194 : memref<80xi32, #tpu.memory_space<hbm>>) target(%arg11 : memref<80xi32, #tpu.memory_space<vmem>>) target_semaphore(%run_scoped3A : memref<!tpu.dma_semaphore, #tpu.memory_space<semaphore_mem>>)
        %dma_wait3A_195 = tpu.memref_slice %arg4[%multiple_of3A_176] : memref<327680xi32, #tpu.memory_space<hbm>> -> memref<80xi32, #tpu.memory_space<hbm>>
        %dma_wait3A_196 = tpu.memref_slice %arg4[%multiple_of3A_176] : memref<327680xi32, #tpu.memory_space<hbm>> -> memref<80xi32, #tpu.memory_space<hbm>>
        tpu.wait_dma2 semaphore(%run_scoped3A : memref<!tpu.dma_semaphore, #tpu.memory_space<semaphore_mem>>) src(%dma_wait3A_196 : memref<80xi32, #tpu.memory_space<hbm>>) dst(%arg11 : memref<80xi32, #tpu.memory_space<vmem>>)
        tpu.yield
      }) : () -> ()
      %dma_start3A_177 = arith.constant 0 : i32
      %dma_start3A_178 = arith.constant 0 : i32
      %dma_start3A_179 = tpu.memref_slice %arg2[%dma_start3A_177, %dma_start3A_178] : memref<10112x128xf32, #tpu.memory_space<hbm>> -> memref<10112x128xf32, #tpu.memory_space<hbm>>
      tpu.enqueue_indirect_dma source(%dma_start3A_179 : memref<10112x128xf32, #tpu.memory_space<hbm>>) target(%arg13 : memref<80x128xf32, #tpu.memory_space<vmem>>) offsets(%arg9 : memref<80xi32, #tpu.memory_space<vmem>>) semaphore(%arg17 : memref<!tpu.dma_semaphore, #tpu.memory_space<semaphore_mem>>)
      %dma_wait3A_180 = arith.constant 0 : i32
      %dma_wait3A_181 = arith.constant 0 : i32
      %dma_wait3A_182 = tpu.memref_slice %arg2[%dma_wait3A_180, %dma_wait3A_181] : memref<10112x128xf32, #tpu.memory_space<hbm>> -> memref<10112x128xf32, #tpu.memory_space<hbm>>
      tpu.wait_indirect_dma semaphore(%arg18 : memref<!tpu.dma_semaphore, #tpu.memory_space<semaphore_mem>>) src(%dma_wait3A_182 : memref<10112x128xf32, #tpu.memory_space<hbm>>) dst(%arg14 : memref<80x128xf32, #tpu.memory_space<vmem>>)
      "tpu.region"() ({
        %run_scoped3A = tpu.sem_alloc : memref<!tpu.dma_semaphore, #tpu.memory_space<semaphore_mem>>
        %dma_start3A_193 = arith.constant 0 : i32
        %dma_start3A_194 = arith.constant 0 : i32
        %dma_start3A_195 = tpu.memref_slice %arg16[%dma_start3A_193, %dma_start3A_194] : memref<10112x128xf32, #tpu.memory_space<vmem_shared>> -> memref<10112x128xf32, #tpu.memory_space<vmem_shared>>
        tpu.enqueue_indirect_dma source(%arg14 : memref<80x128xf32, #tpu.memory_space<vmem>>) target(%dma_start3A_195 : memref<10112x128xf32, #tpu.memory_space<vmem_shared>>) offsets(%arg12 : memref<80xi32, #tpu.memory_space<vmem>>) semaphore(%run_scoped3A : memref<!tpu.dma_semaphore, #tpu.memory_space<semaphore_mem>>) {add = true}
        %dma_wait3A_196 = arith.constant 0 : i32
        %dma_wait3A_197 = arith.constant 0 : i32
        %dma_wait3A_198 = tpu.memref_slice %arg16[%dma_wait3A_196, %dma_wait3A_197] : memref<10112x128xf32, #tpu.memory_space<vmem_shared>> -> memref<10112x128xf32, #tpu.memory_space<vmem_shared>>
        tpu.wait_indirect_dma semaphore(%run_scoped3A : memref<!tpu.dma_semaphore, #tpu.memory_space<semaphore_mem>>) src(%arg14 : memref<80x128xf32, #tpu.memory_space<vmem>>) dst(%dma_wait3A_198 : memref<10112x128xf32, #tpu.memory_space<vmem_shared>>)
        tpu.yield
      }) : () -> ()
      %get3A_183 = arith.constant 0 : index
      %get3A_184 = tpu.vector_load %arg12[%get3A_183] {strides = array<i32>} : memref<80xi32, #tpu.memory_space<vmem>>, vector<16xi32>,
      tpu.vector_store_idx %arg15[%get3A_184], %broadcast_in_dim3A_33 {add = true} : memref<10112xf32, #tpu.memory_space<vmem>>[vector<16xi32>], vector<16xf32>,
      %get3A_185 = arith.constant 16 : index
      %get3A_186 = tpu.vector_load %arg12[%get3A_185] {strides = array<i32>} : memref<80xi32, #tpu.memory_space<vmem>>, vector<16xi32>,
      tpu.vector_store_idx %arg15[%get3A_186], %broadcast_in_dim3A_33 {add = true} : memref<10112xf32, #tpu.memory_space<vmem>>[vector<16xi32>], vector<16xf32>,
      %get3A_187 = arith.constant 32 : index
      %get3A_188 = tpu.vector_load %arg12[%get3A_187] {strides = array<i32>} : memref<80xi32, #tpu.memory_space<vmem>>, vector<16xi32>,
      tpu.vector_store_idx %arg15[%get3A_188], %broadcast_in_dim3A_33 {add = true} : memref<10112xf32, #tpu.memory_space<vmem>>[vector<16xi32>], vector<16xf32>,
      %get3A_189 = arith.constant 48 : index
      %get3A_190 = tpu.vector_load %arg12[%get3A_189] {strides = array<i32>} : memref<80xi32, #tpu.memory_space<vmem>>, vector<16xi32>,
      tpu.vector_store_idx %arg15[%get3A_190], %broadcast_in_dim3A_33 {add = true} : memref<10112xf32, #tpu.memory_space<vmem>>[vector<16xi32>], vector<16xf32>,
      %get3A_191 = arith.constant 64 : index
      %get3A_192 = tpu.vector_load %arg12[%get3A_191] {strides = array<i32>} : memref<80xi32, #tpu.memory_space<vmem>>, vector<16xi32>,
      tpu.vector_store_idx %arg15[%get3A_192], %broadcast_in_dim3A_33 {add = true} : memref<10112xf32, #tpu.memory_space<vmem>>[vector<16xi32>], vector<16xf32>,
    }
    %scan3A_44 = arith.constant 63 : i32
    %mul3A_45 = arith.constant 10240 : i32
    %mul3A_46 = arith.muli %add3A, %mul3A_45 : i32
    %add3A_47 = arith.constant 10160 : i32
    %add3A_48 = arith.addi %mul3A_46, %add3A_47 : i32
    %multiple_of3A_49 = tpu.assume_multiple %add3A_48, 80 : i32
    "tpu.region"() ({
      %run_scoped3A = tpu.sem_alloc : memref<!tpu.dma_semaphore, #tpu.memory_space<semaphore_mem>>
      %dma_start3A_142 = tpu.memref_slice %arg3[%multiple_of3A_49] : memref<327680xi32, #tpu.memory_space<hbm>> -> memref<80xi32, #tpu.memory_space<hbm>>
      %dma_start3A_143 = tpu.memref_slice %arg3[%multiple_of3A_49] : memref<327680xi32, #tpu.memory_space<hbm>> -> memref<80xi32, #tpu.memory_space<hbm>>
      tpu.enqueue_dma source(%dma_start3A_143 : memref<80xi32, #tpu.memory_space<hbm>>) target(%arg10 : memref<80xi32, #tpu.memory_space<vmem>>) target_semaphore(%run_scoped3A : memref<!tpu.dma_semaphore, #tpu.memory_space<semaphore_mem>>)
      %dma_wait3A_144 = tpu.memref_slice %arg3[%multiple_of3A_49] : memref<327680xi32, #tpu.memory_space<hbm>> -> memref<80xi32, #tpu.memory_space<hbm>>
      %dma_wait3A_145 = tpu.memref_slice %arg3[%multiple_of3A_49] : memref<327680xi32, #tpu.memory_space<hbm>> -> memref<80xi32, #tpu.memory_space<hbm>>
      tpu.wait_dma2 semaphore(%run_scoped3A : memref<!tpu.dma_semaphore, #tpu.memory_space<semaphore_mem>>) src(%dma_wait3A_145 : memref<80xi32, #tpu.memory_space<hbm>>) dst(%arg10 : memref<80xi32, #tpu.memory_space<vmem>>)
      tpu.yield
    }) : () -> ()
    "tpu.region"() ({
      %run_scoped3A = tpu.sem_alloc : memref<!tpu.dma_semaphore, #tpu.memory_space<semaphore_mem>>
      %dma_start3A_142 = tpu.memref_slice %arg4[%multiple_of3A_49] : memref<327680xi32, #tpu.memory_space<hbm>> -> memref<80xi32, #tpu.memory_space<hbm>>
      %dma_start3A_143 = tpu.memref_slice %arg4[%multiple_of3A_49] : memref<327680xi32, #tpu.memory_space<hbm>> -> memref<80xi32, #tpu.memory_space<hbm>>
      tpu.enqueue_dma source(%dma_start3A_143 : memref<80xi32, #tpu.memory_space<hbm>>) target(%arg12 : memref<80xi32, #tpu.memory_space<vmem>>) target_semaphore(%run_scoped3A : memref<!tpu.dma_semaphore, #tpu.memory_space<semaphore_mem>>)
      %dma_wait3A_144 = tpu.memref_slice %arg4[%multiple_of3A_49] : memref<327680xi32, #tpu.memory_space<hbm>> -> memref<80xi32, #tpu.memory_space<hbm>>
      %dma_wait3A_145 = tpu.memref_slice %arg4[%multiple_of3A_49] : memref<327680xi32, #tpu.memory_space<hbm>> -> memref<80xi32, #tpu.memory_space<hbm>>
      tpu.wait_dma2 semaphore(%run_scoped3A : memref<!tpu.dma_semaphore, #tpu.memory_space<semaphore_mem>>) src(%dma_wait3A_145 : memref<80xi32, #tpu.memory_space<hbm>>) dst(%arg12 : memref<80xi32, #tpu.memory_space<vmem>>)
      tpu.yield
    }) : () -> ()
    %dma_start3A_50 = arith.constant 0 : i32
    %dma_start3A_51 = arith.constant 0 : i32
    %dma_start3A_52 = tpu.memref_slice %arg2[%dma_start3A_50, %dma_start3A_51] : memref<10112x128xf32, #tpu.memory_space<hbm>> -> memref<10112x128xf32, #tpu.memory_space<hbm>>
    tpu.enqueue_indirect_dma source(%dma_start3A_52 : memref<10112x128xf32, #tpu.memory_space<hbm>>) target(%arg14 : memref<80x128xf32, #tpu.memory_space<vmem>>) offsets(%arg10 : memref<80xi32, #tpu.memory_space<vmem>>) semaphore(%arg18 : memref<!tpu.dma_semaphore, #tpu.memory_space<semaphore_mem>>)
    %dma_wait3A = arith.constant 0 : i32
    %dma_wait3A_53 = arith.constant 0 : i32
    %dma_wait3A_54 = tpu.memref_slice %arg2[%dma_wait3A, %dma_wait3A_53] : memref<10112x128xf32, #tpu.memory_space<hbm>> -> memref<10112x128xf32, #tpu.memory_space<hbm>>
    tpu.wait_indirect_dma semaphore(%arg17 : memref<!tpu.dma_semaphore, #tpu.memory_space<semaphore_mem>>) src(%dma_wait3A_54 : memref<10112x128xf32, #tpu.memory_space<hbm>>) dst(%arg13 : memref<80x128xf32, #tpu.memory_space<vmem>>)
    "tpu.region"() ({
      %run_scoped3A = tpu.sem_alloc : memref<!tpu.dma_semaphore, #tpu.memory_space<semaphore_mem>>
      %dma_start3A_142 = arith.constant 0 : i32
      %dma_start3A_143 = arith.constant 0 : i32
      %dma_start3A_144 = tpu.memref_slice %arg16[%dma_start3A_142, %dma_start3A_143] : memref<10112x128xf32, #tpu.memory_space<vmem_shared>> -> memref<10112x128xf32, #tpu.memory_space<vmem_shared>>
      tpu.enqueue_indirect_dma source(%arg13 : memref<80x128xf32, #tpu.memory_space<vmem>>) target(%dma_start3A_144 : memref<10112x128xf32, #tpu.memory_space<vmem_shared>>) offsets(%arg11 : memref<80xi32, #tpu.memory_space<vmem>>) semaphore(%run_scoped3A : memref<!tpu.dma_semaphore, #tpu.memory_space<semaphore_mem>>) {add = true}
      %dma_wait3A_145 = arith.constant 0 : i32
      %dma_wait3A_146 = arith.constant 0 : i32
      %dma_wait3A_147 = tpu.memref_slice %arg16[%dma_wait3A_145, %dma_wait3A_146] : memref<10112x128xf32, #tpu.memory_space<vmem_shared>> -> memref<10112x128xf32, #tpu.memory_space<vmem_shared>>
      tpu.wait_indirect_dma semaphore(%run_scoped3A : memref<!tpu.dma_semaphore, #tpu.memory_space<semaphore_mem>>) src(%arg13 : memref<80x128xf32, #tpu.memory_space<vmem>>) dst(%dma_wait3A_147 : memref<10112x128xf32, #tpu.memory_space<vmem_shared>>)
      tpu.yield
    }) : () -> ()
    %get3A = arith.constant 0 : index
    %get3A_55 = tpu.vector_load %arg11[%get3A] {strides = array<i32>} : memref<80xi32, #tpu.memory_space<vmem>>, vector<16xi32>,
    tpu.vector_store_idx %arg15[%get3A_55], %broadcast_in_dim3A_33 {add = true} : memref<10112xf32, #tpu.memory_space<vmem>>[vector<16xi32>], vector<16xf32>,
    %get3A_56 = arith.constant 16 : index
    %get3A_57 = tpu.vector_load %arg11[%get3A_56] {strides = array<i32>} : memref<80xi32, #tpu.memory_space<vmem>>, vector<16xi32>,
    tpu.vector_store_idx %arg15[%get3A_57], %broadcast_in_dim3A_33 {add = true} : memref<10112xf32, #tpu.memory_space<vmem>>[vector<16xi32>], vector<16xf32>,
    %get3A_58 = arith.constant 32 : index
    %get3A_59 = tpu.vector_load %arg11[%get3A_58] {strides = array<i32>} : memref<80xi32, #tpu.memory_space<vmem>>, vector<16xi32>,
    tpu.vector_store_idx %arg15[%get3A_59], %broadcast_in_dim3A_33 {add = true} : memref<10112xf32, #tpu.memory_space<vmem>>[vector<16xi32>], vector<16xf32>,
    %get3A_60 = arith.constant 48 : index
    %get3A_61 = tpu.vector_load %arg11[%get3A_60] {strides = array<i32>} : memref<80xi32, #tpu.memory_space<vmem>>, vector<16xi32>,
    tpu.vector_store_idx %arg15[%get3A_61], %broadcast_in_dim3A_33 {add = true} : memref<10112xf32, #tpu.memory_space<vmem>>[vector<16xi32>], vector<16xf32>,
    %get3A_62 = arith.constant 64 : index
    %get3A_63 = tpu.vector_load %arg11[%get3A_62] {strides = array<i32>} : memref<80xi32, #tpu.memory_space<vmem>>, vector<16xi32>,
    tpu.vector_store_idx %arg15[%get3A_63], %broadcast_in_dim3A_33 {add = true} : memref<10112xf32, #tpu.memory_space<vmem>>[vector<16xi32>], vector<16xf32>,
    %dma_wait3A_64 = arith.constant 0 : i32
    %dma_wait3A_65 = arith.constant 0 : i32
    %dma_wait3A_66 = tpu.memref_slice %arg2[%dma_wait3A_64, %dma_wait3A_65] : memref<10112x128xf32, #tpu.memory_space<hbm>> -> memref<10112x128xf32, #tpu.memory_space<hbm>>
    tpu.wait_indirect_dma semaphore(%arg18 : memref<!tpu.dma_semaphore, #tpu.memory_space<semaphore_mem>>) src(%dma_wait3A_66 : memref<10112x128xf32, #tpu.memory_space<hbm>>) dst(%arg14 : memref<80x128xf32, #tpu.memory_space<vmem>>)
    "tpu.region"() ({
      %run_scoped3A = tpu.sem_alloc : memref<!tpu.dma_semaphore, #tpu.memory_space<semaphore_mem>>
      %dma_start3A_142 = arith.constant 0 : i32
      %dma_start3A_143 = arith.constant 0 : i32
      %dma_start3A_144 = tpu.memref_slice %arg16[%dma_start3A_142, %dma_start3A_143] : memref<10112x128xf32, #tpu.memory_space<vmem_shared>> -> memref<10112x128xf32, #tpu.memory_space<vmem_shared>>
      tpu.enqueue_indirect_dma source(%arg14 : memref<80x128xf32, #tpu.memory_space<vmem>>) target(%dma_start3A_144 : memref<10112x128xf32, #tpu.memory_space<vmem_shared>>) offsets(%arg12 : memref<80xi32, #tpu.memory_space<vmem>>) semaphore(%run_scoped3A : memref<!tpu.dma_semaphore, #tpu.memory_space<semaphore_mem>>) {add = true}
      %dma_wait3A_145 = arith.constant 0 : i32
      %dma_wait3A_146 = arith.constant 0 : i32
      %dma_wait3A_147 = tpu.memref_slice %arg16[%dma_wait3A_145, %dma_wait3A_146] : memref<10112x128xf32, #tpu.memory_space<vmem_shared>> -> memref<10112x128xf32, #tpu.memory_space<vmem_shared>>
      tpu.wait_indirect_dma semaphore(%run_scoped3A : memref<!tpu.dma_semaphore, #tpu.memory_space<semaphore_mem>>) src(%arg14 : memref<80x128xf32, #tpu.memory_space<vmem>>) dst(%dma_wait3A_147 : memref<10112x128xf32, #tpu.memory_space<vmem_shared>>)
      tpu.yield
    }) : () -> ()
    %get3A_67 = arith.constant 0 : index
    %get3A_68 = tpu.vector_load %arg12[%get3A_67] {strides = array<i32>} : memref<80xi32, #tpu.memory_space<vmem>>, vector<16xi32>,
    tpu.vector_store_idx %arg15[%get3A_68], %broadcast_in_dim3A_33 {add = true} : memref<10112xf32, #tpu.memory_space<vmem>>[vector<16xi32>], vector<16xf32>,
    %get3A_69 = arith.constant 16 : index
    %get3A_70 = tpu.vector_load %arg12[%get3A_69] {strides = array<i32>} : memref<80xi32, #tpu.memory_space<vmem>>, vector<16xi32>,
    tpu.vector_store_idx %arg15[%get3A_70], %broadcast_in_dim3A_33 {add = true} : memref<10112xf32, #tpu.memory_space<vmem>>[vector<16xi32>], vector<16xf32>,
    %get3A_71 = arith.constant 32 : index
    %get3A_72 = tpu.vector_load %arg12[%get3A_71] {strides = array<i32>} : memref<80xi32, #tpu.memory_space<vmem>>, vector<16xi32>,
    tpu.vector_store_idx %arg15[%get3A_72], %broadcast_in_dim3A_33 {add = true} : memref<10112xf32, #tpu.memory_space<vmem>>[vector<16xi32>], vector<16xf32>,
    %get3A_73 = arith.constant 48 : index
    %get3A_74 = tpu.vector_load %arg12[%get3A_73] {strides = array<i32>} : memref<80xi32, #tpu.memory_space<vmem>>, vector<16xi32>,
    tpu.vector_store_idx %arg15[%get3A_74], %broadcast_in_dim3A_33 {add = true} : memref<10112xf32, #tpu.memory_space<vmem>>[vector<16xi32>], vector<16xf32>,
    %get3A_75 = arith.constant 64 : index
    %get3A_76 = tpu.vector_load %arg12[%get3A_75] {strides = array<i32>} : memref<80xi32, #tpu.memory_space<vmem>>, vector<16xi32>,
    tpu.vector_store_idx %arg15[%get3A_76], %broadcast_in_dim3A_33 {add = true} : memref<10112xf32, #tpu.memory_space<vmem>>[vector<16xi32>], vector<16xf32>,
    %barrier3A_77 = arith.constant 0 : index
    tpu.barrier barrier_id(%barrier3A_77)
    %mul3A_78 = arith.constant 632 : i32
    %mul3A_79 = arith.muli %arg1, %mul3A_78 : i32
    %add3A_80 = arith.constant 0 : i32
    %add3A_81 = arith.addi %mul3A_79, %add3A_80 : i32
    "tpu.region"() ({
      %run_scoped3A = tpu.sem_alloc : memref<!tpu.dma_semaphore, #tpu.memory_space<semaphore_mem>>
      %dma_start3A_142 = arith.constant 0 : i32
      %dma_start3A_143 = arith.constant 0 : i32
      %dma_start3A_144 = tpu.memref_slice %arg13[%dma_start3A_142, %dma_start3A_143] : memref<80x128xf32, #tpu.memory_space<vmem>> -> memref<80x128xf32, #tpu.memory_space<vmem>>
      %dma_start3A_145 = arith.constant 0 : i32
      %dma_start3A_146 = tpu.memref_slice %arg16[%add3A_81, %dma_start3A_145] : memref<10112x128xf32, #tpu.memory_space<vmem_shared>> -> memref<80x128xf32, #tpu.memory_space<vmem_shared>>
      %dma_start3A_147 = arith.constant 0 : i32
      %dma_start3A_148 = arith.constant 0 : i32
      %dma_start3A_149 = tpu.memref_slice %arg13[%dma_start3A_147, %dma_start3A_148] : memref<80x128xf32, #tpu.memory_space<vmem>> -> memref<80x128xf32, #tpu.memory_space<vmem>>
      %dma_start3A_150 = arith.constant 0 : i32
      %dma_start3A_151 = tpu.memref_slice %arg16[%add3A_81, %dma_start3A_150] : memref<10112x128xf32, #tpu.memory_space<vmem_shared>> -> memref<80x128xf32, #tpu.memory_space<vmem_shared>>
      tpu.enqueue_dma source(%dma_start3A_151 : memref<80x128xf32, #tpu.memory_space<vmem_shared>>) target(%dma_start3A_149 : memref<80x128xf32, #tpu.memory_space<vmem>>) target_semaphore(%run_scoped3A : memref<!tpu.dma_semaphore, #tpu.memory_space<semaphore_mem>>)
      %dma_wait3A_152 = arith.constant 0 : i32
      %dma_wait3A_153 = arith.constant 0 : i32
      %dma_wait3A_154 = tpu.memref_slice %arg13[%dma_wait3A_152, %dma_wait3A_153] : memref<80x128xf32, #tpu.memory_space<vmem>> -> memref<80x128xf32, #tpu.memory_space<vmem>>
      %dma_wait3A_155 = arith.constant 0 : i32
      %dma_wait3A_156 = tpu.memref_slice %arg16[%add3A_81, %dma_wait3A_155] : memref<10112x128xf32, #tpu.memory_space<vmem_shared>> -> memref<80x128xf32, #tpu.memory_space<vmem_shared>>
      %dma_wait3A_157 = arith.constant 0 : i32
      %dma_wait3A_158 = arith.constant 0 : i32
      %dma_wait3A_159 = tpu.memref_slice %arg13[%dma_wait3A_157, %dma_wait3A_158] : memref<80x128xf32, #tpu.memory_space<vmem>> -> memref<80x128xf32, #tpu.memory_space<vmem>>
      %dma_wait3A_160 = arith.constant 0 : i32
      %dma_wait3A_161 = tpu.memref_slice %arg16[%add3A_81, %dma_wait3A_160] : memref<10112x128xf32, #tpu.memory_space<vmem_shared>> -> memref<80x128xf32, #tpu.memory_space<vmem_shared>>
      tpu.wait_dma2 semaphore(%run_scoped3A : memref<!tpu.dma_semaphore, #tpu.memory_space<semaphore_mem>>) src(%dma_wait3A_161 : memref<80x128xf32, #tpu.memory_space<vmem_shared>>) dst(%dma_wait3A_159 : memref<80x128xf32, #tpu.memory_space<vmem>>)
      tpu.yield
    }) : () -> ()
    %mul3A_82 = arith.constant 632 : i32
    %mul3A_83 = arith.muli %arg1, %mul3A_82 : i32
    %add3A_84 = arith.constant 0 : i32
    %add3A_85 = arith.addi %mul3A_83, %add3A_84 : i32
    "tpu.region"() ({
      %run_scoped3A = tpu.sem_alloc : memref<!tpu.dma_semaphore, #tpu.memory_space<semaphore_mem>>
      %dma_start3A_142 = arith.constant 0 : i32
      %dma_start3A_143 = arith.constant 0 : i32
      %dma_start3A_144 = tpu.memref_slice %arg13[%dma_start3A_142, %dma_start3A_143] : memref<80x128xf32, #tpu.memory_space<vmem>> -> memref<80x128xf32, #tpu.memory_space<vmem>>
      %dma_start3A_145 = arith.constant 0 : i32
      %dma_start3A_146 = tpu.memref_slice %arg7[%arg0, %add3A_85, %dma_start3A_145] : memref<2x10112x128xf32, #tpu.memory_space<hbm>> -> memref<1x80x128xf32, #tpu.memory_space<hbm>>
      %dma_start3A_147 = tpu.memref_squeeze %dma_start3A_146 : memref<1x80x128xf32, #tpu.memory_space<hbm>> -> memref<80x128xf32, #tpu.memory_space<hbm>>
      %dma_start3A_148 = arith.constant 0 : i32
      %dma_start3A_149 = tpu.memref_slice %arg7[%arg0, %add3A_85, %dma_start3A_148] : memref<2x10112x128xf32, #tpu.memory_space<hbm>> -> memref<1x80x128xf32, #tpu.memory_space<hbm>>
      %dma_start3A_150 = tpu.memref_squeeze %dma_start3A_149 : memref<1x80x128xf32, #tpu.memory_space<hbm>> -> memref<80x128xf32, #tpu.memory_space<hbm>>
      %dma_start3A_151 = arith.constant 0 : i32
      %dma_start3A_152 = arith.constant 0 : i32
      %dma_start3A_153 = tpu.memref_slice %arg13[%dma_start3A_151, %dma_start3A_152] : memref<80x128xf32, #tpu.memory_space<vmem>> -> memref<80x128xf32, #tpu.memory_space<vmem>>
      tpu.enqueue_dma source(%dma_start3A_153 : memref<80x128xf32, #tpu.memory_space<vmem>>) target(%dma_start3A_150 : memref<80x128xf32, #tpu.memory_space<hbm>>) target_semaphore(%run_scoped3A : memref<!tpu.dma_semaphore, #tpu.memory_space<semaphore_mem>>)
      %dma_wait3A_154 = arith.constant 0 : i32
      %dma_wait3A_155 = arith.constant 0 : i32
      %dma_wait3A_156 = tpu.memref_slice %arg13[%dma_wait3A_154, %dma_wait3A_155] : memref<80x128xf32, #tpu.memory_space<vmem>> -> memref<80x128xf32, #tpu.memory_space<vmem>>
      %dma_wait3A_157 = arith.constant 0 : i32
      %dma_wait3A_158 = tpu.memref_slice %arg7[%arg0, %add3A_85, %dma_wait3A_157] : memref<2x10112x128xf32, #tpu.memory_space<hbm>> -> memref<1x80x128xf32, #tpu.memory_space<hbm>>
      %dma_wait3A_159 = tpu.memref_squeeze %dma_wait3A_158 : memref<1x80x128xf32, #tpu.memory_space<hbm>> -> memref<80x128xf32, #tpu.memory_space<hbm>>
      %dma_wait3A_160 = arith.constant 0 : i32
      %dma_wait3A_161 = tpu.memref_slice %arg7[%arg0, %add3A_85, %dma_wait3A_160] : memref<2x10112x128xf32, #tpu.memory_space<hbm>> -> memref<1x80x128xf32, #tpu.memory_space<hbm>>
      %dma_wait3A_162 = tpu.memref_squeeze %dma_wait3A_161 : memref<1x80x128xf32, #tpu.memory_space<hbm>> -> memref<80x128xf32, #tpu.memory_space<hbm>>
      %dma_wait3A_163 = arith.constant 0 : i32
      %dma_wait3A_164 = arith.constant 0 : i32
      %dma_wait3A_165 = tpu.memref_slice %arg13[%dma_wait3A_163, %dma_wait3A_164] : memref<80x128xf32, #tpu.memory_space<vmem>> -> memref<80x128xf32, #tpu.memory_space<vmem>>
      tpu.wait_dma2 semaphore(%run_scoped3A : memref<!tpu.dma_semaphore, #tpu.memory_space<semaphore_mem>>) src(%dma_wait3A_165 : memref<80x128xf32, #tpu.memory_space<vmem>>) dst(%dma_wait3A_162 : memref<80x128xf32, #tpu.memory_space<hbm>>)
      tpu.yield
    }) : () -> ()
    %mul3A_86 = arith.constant 632 : i32
    %mul3A_87 = arith.muli %arg1, %mul3A_86 : i32
    %add3A_88 = arith.constant 80 : i32
    %add3A_89 = arith.addi %mul3A_87, %add3A_88 : i32
    "tpu.region"() ({
      %run_scoped3A = tpu.sem_alloc : memref<!tpu.dma_semaphore, #tpu.memory_space<semaphore_mem>>
      %dma_start3A_142 = arith.constant 0 : i32
      %dma_start3A_143 = arith.constant 0 : i32
      %dma_start3A_144 = tpu.memref_slice %arg13[%dma_start3A_142, %dma_start3A_143] : memref<80x128xf32, #tpu.memory_space<vmem>> -> memref<80x128xf32, #tpu.memory_space<vmem>>
      %dma_start3A_145 = arith.constant 0 : i32
      %dma_start3A_146 = tpu.memref_slice %arg16[%add3A_89, %dma_start3A_145] : memref<10112x128xf32, #tpu.memory_space<vmem_shared>> -> memref<80x128xf32, #tpu.memory_space<vmem_shared>>
      %dma_start3A_147 = arith.constant 0 : i32
      %dma_start3A_148 = arith.constant 0 : i32
      %dma_start3A_149 = tpu.memref_slice %arg13[%dma_start3A_147, %dma_start3A_148] : memref<80x128xf32, #tpu.memory_space<vmem>> -> memref<80x128xf32, #tpu.memory_space<vmem>>
      %dma_start3A_150 = arith.constant 0 : i32
      %dma_start3A_151 = tpu.memref_slice %arg16[%add3A_89, %dma_start3A_150] : memref<10112x128xf32, #tpu.memory_space<vmem_shared>> -> memref<80x128xf32, #tpu.memory_space<vmem_shared>>
      tpu.enqueue_dma source(%dma_start3A_151 : memref<80x128xf32, #tpu.memory_space<vmem_shared>>) target(%dma_start3A_149 : memref<80x128xf32, #tpu.memory_space<vmem>>) target_semaphore(%run_scoped3A : memref<!tpu.dma_semaphore, #tpu.memory_space<semaphore_mem>>)
      %dma_wait3A_152 = arith.constant 0 : i32
      %dma_wait3A_153 = arith.constant 0 : i32
      %dma_wait3A_154 = tpu.memref_slice %arg13[%dma_wait3A_152, %dma_wait3A_153] : memref<80x128xf32, #tpu.memory_space<vmem>> -> memref<80x128xf32, #tpu.memory_space<vmem>>
      %dma_wait3A_155 = arith.constant 0 : i32
      %dma_wait3A_156 = tpu.memref_slice %arg16[%add3A_89, %dma_wait3A_155] : memref<10112x128xf32, #tpu.memory_space<vmem_shared>> -> memref<80x128xf32, #tpu.memory_space<vmem_shared>>
      %dma_wait3A_157 = arith.constant 0 : i32
      %dma_wait3A_158 = arith.constant 0 : i32
      %dma_wait3A_159 = tpu.memref_slice %arg13[%dma_wait3A_157, %dma_wait3A_158] : memref<80x128xf32, #tpu.memory_space<vmem>> -> memref<80x128xf32, #tpu.memory_space<vmem>>
      %dma_wait3A_160 = arith.constant 0 : i32
      %dma_wait3A_161 = tpu.memref_slice %arg16[%add3A_89, %dma_wait3A_160] : memref<10112x128xf32, #tpu.memory_space<vmem_shared>> -> memref<80x128xf32, #tpu.memory_space<vmem_shared>>
      tpu.wait_dma2 semaphore(%run_scoped3A : memref<!tpu.dma_semaphore, #tpu.memory_space<semaphore_mem>>) src(%dma_wait3A_161 : memref<80x128xf32, #tpu.memory_space<vmem_shared>>) dst(%dma_wait3A_159 : memref<80x128xf32, #tpu.memory_space<vmem>>)
      tpu.yield
    }) : () -> ()
    %mul3A_90 = arith.constant 632 : i32
    %mul3A_91 = arith.muli %arg1, %mul3A_90 : i32
    %add3A_92 = arith.constant 80 : i32
    %add3A_93 = arith.addi %mul3A_91, %add3A_92 : i32
    "tpu.region"() ({
      %run_scoped3A = tpu.sem_alloc : memref<!tpu.dma_semaphore, #tpu.memory_space<semaphore_mem>>
      %dma_start3A_142 = arith.constant 0 : i32
      %dma_start3A_143 = arith.constant 0 : i32
      %dma_start3A_144 = tpu.memref_slice %arg13[%dma_start3A_142, %dma_start3A_143] : memref<80x128xf32, #tpu.memory_space<vmem>> -> memref<80x128xf32, #tpu.memory_space<vmem>>
      %dma_start3A_145 = arith.constant 0 : i32
      %dma_start3A_146 = tpu.memref_slice %arg7[%arg0, %add3A_93, %dma_start3A_145] : memref<2x10112x128xf32, #tpu.memory_space<hbm>> -> memref<1x80x128xf32, #tpu.memory_space<hbm>>
      %dma_start3A_147 = tpu.memref_squeeze %dma_start3A_146 : memref<1x80x128xf32, #tpu.memory_space<hbm>> -> memref<80x128xf32, #tpu.memory_space<hbm>>
      %dma_start3A_148 = arith.constant 0 : i32
      %dma_start3A_149 = tpu.memref_slice %arg7[%arg0, %add3A_93, %dma_start3A_148] : memref<2x10112x128xf32, #tpu.memory_space<hbm>> -> memref<1x80x128xf32, #tpu.memory_space<hbm>>
      %dma_start3A_150 = tpu.memref_squeeze %dma_start3A_149 : memref<1x80x128xf32, #tpu.memory_space<hbm>> -> memref<80x128xf32, #tpu.memory_space<hbm>>
      %dma_start3A_151 = arith.constant 0 : i32
      %dma_start3A_152 = arith.constant 0 : i32
      %dma_start3A_153 = tpu.memref_slice %arg13[%dma_start3A_151, %dma_start3A_152] : memref<80x128xf32, #tpu.memory_space<vmem>> -> memref<80x128xf32, #tpu.memory_space<vmem>>
      tpu.enqueue_dma source(%dma_start3A_153 : memref<80x128xf32, #tpu.memory_space<vmem>>) target(%dma_start3A_150 : memref<80x128xf32, #tpu.memory_space<hbm>>) target_semaphore(%run_scoped3A : memref<!tpu.dma_semaphore, #tpu.memory_space<semaphore_mem>>)
      %dma_wait3A_154 = arith.constant 0 : i32
      %dma_wait3A_155 = arith.constant 0 : i32
      %dma_wait3A_156 = tpu.memref_slice %arg13[%dma_wait3A_154, %dma_wait3A_155] : memref<80x128xf32, #tpu.memory_space<vmem>> -> memref<80x128xf32, #tpu.memory_space<vmem>>
      %dma_wait3A_157 = arith.constant 0 : i32
      %dma_wait3A_158 = tpu.memref_slice %arg7[%arg0, %add3A_93, %dma_wait3A_157] : memref<2x10112x128xf32, #tpu.memory_space<hbm>> -> memref<1x80x128xf32, #tpu.memory_space<hbm>>
      %dma_wait3A_159 = tpu.memref_squeeze %dma_wait3A_158 : memref<1x80x128xf32, #tpu.memory_space<hbm>> -> memref<80x128xf32, #tpu.memory_space<hbm>>
      %dma_wait3A_160 = arith.constant 0 : i32
      %dma_wait3A_161 = tpu.memref_slice %arg7[%arg0, %add3A_93, %dma_wait3A_160] : memref<2x10112x128xf32, #tpu.memory_space<hbm>> -> memref<1x80x128xf32, #tpu.memory_space<hbm>>
      %dma_wait3A_162 = tpu.memref_squeeze %dma_wait3A_161 : memref<1x80x128xf32, #tpu.memory_space<hbm>> -> memref<80x128xf32, #tpu.memory_space<hbm>>
      %dma_wait3A_163 = arith.constant 0 : i32
      %dma_wait3A_164 = arith.constant 0 : i32
      %dma_wait3A_165 = tpu.memref_slice %arg13[%dma_wait3A_163, %dma_wait3A_164] : memref<80x128xf32, #tpu.memory_space<vmem>> -> memref<80x128xf32, #tpu.memory_space<vmem>>
      tpu.wait_dma2 semaphore(%run_scoped3A : memref<!tpu.dma_semaphore, #tpu.memory_space<semaphore_mem>>) src(%dma_wait3A_165 : memref<80x128xf32, #tpu.memory_space<vmem>>) dst(%dma_wait3A_162 : memref<80x128xf32, #tpu.memory_space<hbm>>)
      tpu.yield
    }) : () -> ()
    %mul3A_94 = arith.constant 632 : i32
    %mul3A_95 = arith.muli %arg1, %mul3A_94 : i32
    %add3A_96 = arith.constant 160 : i32
    %add3A_97 = arith.addi %mul3A_95, %add3A_96 : i32
    "tpu.region"() ({
      %run_scoped3A = tpu.sem_alloc : memref<!tpu.dma_semaphore, #tpu.memory_space<semaphore_mem>>
      %dma_start3A_142 = arith.constant 0 : i32
      %dma_start3A_143 = arith.constant 0 : i32
      %dma_start3A_144 = tpu.memref_slice %arg13[%dma_start3A_142, %dma_start3A_143] : memref<80x128xf32, #tpu.memory_space<vmem>> -> memref<80x128xf32, #tpu.memory_space<vmem>>
      %dma_start3A_145 = arith.constant 0 : i32
      %dma_start3A_146 = tpu.memref_slice %arg16[%add3A_97, %dma_start3A_145] : memref<10112x128xf32, #tpu.memory_space<vmem_shared>> -> memref<80x128xf32, #tpu.memory_space<vmem_shared>>
      %dma_start3A_147 = arith.constant 0 : i32
      %dma_start3A_148 = arith.constant 0 : i32
      %dma_start3A_149 = tpu.memref_slice %arg13[%dma_start3A_147, %dma_start3A_148] : memref<80x128xf32, #tpu.memory_space<vmem>> -> memref<80x128xf32, #tpu.memory_space<vmem>>
      %dma_start3A_150 = arith.constant 0 : i32
      %dma_start3A_151 = tpu.memref_slice %arg16[%add3A_97, %dma_start3A_150] : memref<10112x128xf32, #tpu.memory_space<vmem_shared>> -> memref<80x128xf32, #tpu.memory_space<vmem_shared>>
      tpu.enqueue_dma source(%dma_start3A_151 : memref<80x128xf32, #tpu.memory_space<vmem_shared>>) target(%dma_start3A_149 : memref<80x128xf32, #tpu.memory_space<vmem>>) target_semaphore(%run_scoped3A : memref<!tpu.dma_semaphore, #tpu.memory_space<semaphore_mem>>)
      %dma_wait3A_152 = arith.constant 0 : i32
      %dma_wait3A_153 = arith.constant 0 : i32
      %dma_wait3A_154 = tpu.memref_slice %arg13[%dma_wait3A_152, %dma_wait3A_153] : memref<80x128xf32, #tpu.memory_space<vmem>> -> memref<80x128xf32, #tpu.memory_space<vmem>>
      %dma_wait3A_155 = arith.constant 0 : i32
      %dma_wait3A_156 = tpu.memref_slice %arg16[%add3A_97, %dma_wait3A_155] : memref<10112x128xf32, #tpu.memory_space<vmem_shared>> -> memref<80x128xf32, #tpu.memory_space<vmem_shared>>
      %dma_wait3A_157 = arith.constant 0 : i32
      %dma_wait3A_158 = arith.constant 0 : i32
      %dma_wait3A_159 = tpu.memref_slice %arg13[%dma_wait3A_157, %dma_wait3A_158] : memref<80x128xf32, #tpu.memory_space<vmem>> -> memref<80x128xf32, #tpu.memory_space<vmem>>
      %dma_wait3A_160 = arith.constant 0 : i32
      %dma_wait3A_161 = tpu.memref_slice %arg16[%add3A_97, %dma_wait3A_160] : memref<10112x128xf32, #tpu.memory_space<vmem_shared>> -> memref<80x128xf32, #tpu.memory_space<vmem_shared>>
      tpu.wait_dma2 semaphore(%run_scoped3A : memref<!tpu.dma_semaphore, #tpu.memory_space<semaphore_mem>>) src(%dma_wait3A_161 : memref<80x128xf32, #tpu.memory_space<vmem_shared>>) dst(%dma_wait3A_159 : memref<80x128xf32, #tpu.memory_space<vmem>>)
      tpu.yield
    }) : () -> ()
    %mul3A_98 = arith.constant 632 : i32
    %mul3A_99 = arith.muli %arg1, %mul3A_98 : i32
    %add3A_100 = arith.constant 160 : i32
    %add3A_101 = arith.addi %mul3A_99, %add3A_100 : i32
    "tpu.region"() ({
      %run_scoped3A = tpu.sem_alloc : memref<!tpu.dma_semaphore, #tpu.memory_space<semaphore_mem>>
      %dma_start3A_142 = arith.constant 0 : i32
      %dma_start3A_143 = arith.constant 0 : i32
      %dma_start3A_144 = tpu.memref_slice %arg13[%dma_start3A_142, %dma_start3A_143] : memref<80x128xf32, #tpu.memory_space<vmem>> -> memref<80x128xf32, #tpu.memory_space<vmem>>
      %dma_start3A_145 = arith.constant 0 : i32
      %dma_start3A_146 = tpu.memref_slice %arg7[%arg0, %add3A_101, %dma_start3A_145] : memref<2x10112x128xf32, #tpu.memory_space<hbm>> -> memref<1x80x128xf32, #tpu.memory_space<hbm>>
      %dma_start3A_147 = tpu.memref_squeeze %dma_start3A_146 : memref<1x80x128xf32, #tpu.memory_space<hbm>> -> memref<80x128xf32, #tpu.memory_space<hbm>>
      %dma_start3A_148 = arith.constant 0 : i32
      %dma_start3A_149 = tpu.memref_slice %arg7[%arg0, %add3A_101, %dma_start3A_148] : memref<2x10112x128xf32, #tpu.memory_space<hbm>> -> memref<1x80x128xf32, #tpu.memory_space<hbm>>
      %dma_start3A_150 = tpu.memref_squeeze %dma_start3A_149 : memref<1x80x128xf32, #tpu.memory_space<hbm>> -> memref<80x128xf32, #tpu.memory_space<hbm>>
      %dma_start3A_151 = arith.constant 0 : i32
      %dma_start3A_152 = arith.constant 0 : i32
      %dma_start3A_153 = tpu.memref_slice %arg13[%dma_start3A_151, %dma_start3A_152] : memref<80x128xf32, #tpu.memory_space<vmem>> -> memref<80x128xf32, #tpu.memory_space<vmem>>
      tpu.enqueue_dma source(%dma_start3A_153 : memref<80x128xf32, #tpu.memory_space<vmem>>) target(%dma_start3A_150 : memref<80x128xf32, #tpu.memory_space<hbm>>) target_semaphore(%run_scoped3A : memref<!tpu.dma_semaphore, #tpu.memory_space<semaphore_mem>>)
      %dma_wait3A_154 = arith.constant 0 : i32
      %dma_wait3A_155 = arith.constant 0 : i32
      %dma_wait3A_156 = tpu.memref_slice %arg13[%dma_wait3A_154, %dma_wait3A_155] : memref<80x128xf32, #tpu.memory_space<vmem>> -> memref<80x128xf32, #tpu.memory_space<vmem>>
      %dma_wait3A_157 = arith.constant 0 : i32
      %dma_wait3A_158 = tpu.memref_slice %arg7[%arg0, %add3A_101, %dma_wait3A_157] : memref<2x10112x128xf32, #tpu.memory_space<hbm>> -> memref<1x80x128xf32, #tpu.memory_space<hbm>>
      %dma_wait3A_159 = tpu.memref_squeeze %dma_wait3A_158 : memref<1x80x128xf32, #tpu.memory_space<hbm>> -> memref<80x128xf32, #tpu.memory_space<hbm>>
      %dma_wait3A_160 = arith.constant 0 : i32
      %dma_wait3A_161 = tpu.memref_slice %arg7[%arg0, %add3A_101, %dma_wait3A_160] : memref<2x10112x128xf32, #tpu.memory_space<hbm>> -> memref<1x80x128xf32, #tpu.memory_space<hbm>>
      %dma_wait3A_162 = tpu.memref_squeeze %dma_wait3A_161 : memref<1x80x128xf32, #tpu.memory_space<hbm>> -> memref<80x128xf32, #tpu.memory_space<hbm>>
      %dma_wait3A_163 = arith.constant 0 : i32
      %dma_wait3A_164 = arith.constant 0 : i32
      %dma_wait3A_165 = tpu.memref_slice %arg13[%dma_wait3A_163, %dma_wait3A_164] : memref<80x128xf32, #tpu.memory_space<vmem>> -> memref<80x128xf32, #tpu.memory_space<vmem>>
      tpu.wait_dma2 semaphore(%run_scoped3A : memref<!tpu.dma_semaphore, #tpu.memory_space<semaphore_mem>>) src(%dma_wait3A_165 : memref<80x128xf32, #tpu.memory_space<vmem>>) dst(%dma_wait3A_162 : memref<80x128xf32, #tpu.memory_space<hbm>>)
      tpu.yield
    }) : () -> ()
    %mul3A_102 = arith.constant 632 : i32
    %mul3A_103 = arith.muli %arg1, %mul3A_102 : i32
    %add3A_104 = arith.constant 240 : i32
    %add3A_105 = arith.addi %mul3A_103, %add3A_104 : i32
    "tpu.region"() ({
      %run_scoped3A = tpu.sem_alloc : memref<!tpu.dma_semaphore, #tpu.memory_space<semaphore_mem>>
      %dma_start3A_142 = arith.constant 0 : i32
      %dma_start3A_143 = arith.constant 0 : i32
      %dma_start3A_144 = tpu.memref_slice %arg13[%dma_start3A_142, %dma_start3A_143] : memref<80x128xf32, #tpu.memory_space<vmem>> -> memref<80x128xf32, #tpu.memory_space<vmem>>
      %dma_start3A_145 = arith.constant 0 : i32
      %dma_start3A_146 = tpu.memref_slice %arg16[%add3A_105, %dma_start3A_145] : memref<10112x128xf32, #tpu.memory_space<vmem_shared>> -> memref<80x128xf32, #tpu.memory_space<vmem_shared>>
      %dma_start3A_147 = arith.constant 0 : i32
      %dma_start3A_148 = arith.constant 0 : i32
      %dma_start3A_149 = tpu.memref_slice %arg13[%dma_start3A_147, %dma_start3A_148] : memref<80x128xf32, #tpu.memory_space<vmem>> -> memref<80x128xf32, #tpu.memory_space<vmem>>
      %dma_start3A_150 = arith.constant 0 : i32
      %dma_start3A_151 = tpu.memref_slice %arg16[%add3A_105, %dma_start3A_150] : memref<10112x128xf32, #tpu.memory_space<vmem_shared>> -> memref<80x128xf32, #tpu.memory_space<vmem_shared>>
      tpu.enqueue_dma source(%dma_start3A_151 : memref<80x128xf32, #tpu.memory_space<vmem_shared>>) target(%dma_start3A_149 : memref<80x128xf32, #tpu.memory_space<vmem>>) target_semaphore(%run_scoped3A : memref<!tpu.dma_semaphore, #tpu.memory_space<semaphore_mem>>)
      %dma_wait3A_152 = arith.constant 0 : i32
      %dma_wait3A_153 = arith.constant 0 : i32
      %dma_wait3A_154 = tpu.memref_slice %arg13[%dma_wait3A_152, %dma_wait3A_153] : memref<80x128xf32, #tpu.memory_space<vmem>> -> memref<80x128xf32, #tpu.memory_space<vmem>>
      %dma_wait3A_155 = arith.constant 0 : i32
      %dma_wait3A_156 = tpu.memref_slice %arg16[%add3A_105, %dma_wait3A_155] : memref<10112x128xf32, #tpu.memory_space<vmem_shared>> -> memref<80x128xf32, #tpu.memory_space<vmem_shared>>
      %dma_wait3A_157 = arith.constant 0 : i32
      %dma_wait3A_158 = arith.constant 0 : i32
      %dma_wait3A_159 = tpu.memref_slice %arg13[%dma_wait3A_157, %dma_wait3A_158] : memref<80x128xf32, #tpu.memory_space<vmem>> -> memref<80x128xf32, #tpu.memory_space<vmem>>
      %dma_wait3A_160 = arith.constant 0 : i32
      %dma_wait3A_161 = tpu.memref_slice %arg16[%add3A_105, %dma_wait3A_160] : memref<10112x128xf32, #tpu.memory_space<vmem_shared>> -> memref<80x128xf32, #tpu.memory_space<vmem_shared>>
      tpu.wait_dma2 semaphore(%run_scoped3A : memref<!tpu.dma_semaphore, #tpu.memory_space<semaphore_mem>>) src(%dma_wait3A_161 : memref<80x128xf32, #tpu.memory_space<vmem_shared>>) dst(%dma_wait3A_159 : memref<80x128xf32, #tpu.memory_space<vmem>>)
      tpu.yield
    }) : () -> ()
    %mul3A_106 = arith.constant 632 : i32
    %mul3A_107 = arith.muli %arg1, %mul3A_106 : i32
    %add3A_108 = arith.constant 240 : i32
    %add3A_109 = arith.addi %mul3A_107, %add3A_108 : i32
    "tpu.region"() ({
      %run_scoped3A = tpu.sem_alloc : memref<!tpu.dma_semaphore, #tpu.memory_space<semaphore_mem>>
      %dma_start3A_142 = arith.constant 0 : i32
      %dma_start3A_143 = arith.constant 0 : i32
      %dma_start3A_144 = tpu.memref_slice %arg13[%dma_start3A_142, %dma_start3A_143] : memref<80x128xf32, #tpu.memory_space<vmem>> -> memref<80x128xf32, #tpu.memory_space<vmem>>
      %dma_start3A_145 = arith.constant 0 : i32
      %dma_start3A_146 = tpu.memref_slice %arg7[%arg0, %add3A_109, %dma_start3A_145] : memref<2x10112x128xf32, #tpu.memory_space<hbm>> -> memref<1x80x128xf32, #tpu.memory_space<hbm>>
      %dma_start3A_147 = tpu.memref_squeeze %dma_start3A_146 : memref<1x80x128xf32, #tpu.memory_space<hbm>> -> memref<80x128xf32, #tpu.memory_space<hbm>>
      %dma_start3A_148 = arith.constant 0 : i32
      %dma_start3A_149 = tpu.memref_slice %arg7[%arg0, %add3A_109, %dma_start3A_148] : memref<2x10112x128xf32, #tpu.memory_space<hbm>> -> memref<1x80x128xf32, #tpu.memory_space<hbm>>
      %dma_start3A_150 = tpu.memref_squeeze %dma_start3A_149 : memref<1x80x128xf32, #tpu.memory_space<hbm>> -> memref<80x128xf32, #tpu.memory_space<hbm>>
      %dma_start3A_151 = arith.constant 0 : i32
      %dma_start3A_152 = arith.constant 0 : i32
      %dma_start3A_153 = tpu.memref_slice %arg13[%dma_start3A_151, %dma_start3A_152] : memref<80x128xf32, #tpu.memory_space<vmem>> -> memref<80x128xf32, #tpu.memory_space<vmem>>
      tpu.enqueue_dma source(%dma_start3A_153 : memref<80x128xf32, #tpu.memory_space<vmem>>) target(%dma_start3A_150 : memref<80x128xf32, #tpu.memory_space<hbm>>) target_semaphore(%run_scoped3A : memref<!tpu.dma_semaphore, #tpu.memory_space<semaphore_mem>>)
      %dma_wait3A_154 = arith.constant 0 : i32
      %dma_wait3A_155 = arith.constant 0 : i32
      %dma_wait3A_156 = tpu.memref_slice %arg13[%dma_wait3A_154, %dma_wait3A_155] : memref<80x128xf32, #tpu.memory_space<vmem>> -> memref<80x128xf32, #tpu.memory_space<vmem>>
      %dma_wait3A_157 = arith.constant 0 : i32
      %dma_wait3A_158 = tpu.memref_slice %arg7[%arg0, %add3A_109, %dma_wait3A_157] : memref<2x10112x128xf32, #tpu.memory_space<hbm>> -> memref<1x80x128xf32, #tpu.memory_space<hbm>>
      %dma_wait3A_159 = tpu.memref_squeeze %dma_wait3A_158 : memref<1x80x128xf32, #tpu.memory_space<hbm>> -> memref<80x128xf32, #tpu.memory_space<hbm>>
      %dma_wait3A_160 = arith.constant 0 : i32
      %dma_wait3A_161 = tpu.memref_slice %arg7[%arg0, %add3A_109, %dma_wait3A_160] : memref<2x10112x128xf32, #tpu.memory_space<hbm>> -> memref<1x80x128xf32, #tpu.memory_space<hbm>>
      %dma_wait3A_162 = tpu.memref_squeeze %dma_wait3A_161 : memref<1x80x128xf32, #tpu.memory_space<hbm>> -> memref<80x128xf32, #tpu.memory_space<hbm>>
      %dma_wait3A_163 = arith.constant 0 : i32
      %dma_wait3A_164 = arith.constant 0 : i32
      %dma_wait3A_165 = tpu.memref_slice %arg13[%dma_wait3A_163, %dma_wait3A_164] : memref<80x128xf32, #tpu.memory_space<vmem>> -> memref<80x128xf32, #tpu.memory_space<vmem>>
      tpu.wait_dma2 semaphore(%run_scoped3A : memref<!tpu.dma_semaphore, #tpu.memory_space<semaphore_mem>>) src(%dma_wait3A_165 : memref<80x128xf32, #tpu.memory_space<vmem>>) dst(%dma_wait3A_162 : memref<80x128xf32, #tpu.memory_space<hbm>>)
      tpu.yield
    }) : () -> ()
    %mul3A_110 = arith.constant 632 : i32
    %mul3A_111 = arith.muli %arg1, %mul3A_110 : i32
    %add3A_112 = arith.constant 320 : i32
    %add3A_113 = arith.addi %mul3A_111, %add3A_112 : i32
    "tpu.region"() ({
      %run_scoped3A = tpu.sem_alloc : memref<!tpu.dma_semaphore, #tpu.memory_space<semaphore_mem>>
      %dma_start3A_142 = arith.constant 0 : i32
      %dma_start3A_143 = arith.constant 0 : i32
      %dma_start3A_144 = tpu.memref_slice %arg13[%dma_start3A_142, %dma_start3A_143] : memref<80x128xf32, #tpu.memory_space<vmem>> -> memref<80x128xf32, #tpu.memory_space<vmem>>
      %dma_start3A_145 = arith.constant 0 : i32
      %dma_start3A_146 = tpu.memref_slice %arg16[%add3A_113, %dma_start3A_145] : memref<10112x128xf32, #tpu.memory_space<vmem_shared>> -> memref<80x128xf32, #tpu.memory_space<vmem_shared>>
      %dma_start3A_147 = arith.constant 0 : i32
      %dma_start3A_148 = arith.constant 0 : i32
      %dma_start3A_149 = tpu.memref_slice %arg13[%dma_start3A_147, %dma_start3A_148] : memref<80x128xf32, #tpu.memory_space<vmem>> -> memref<80x128xf32, #tpu.memory_space<vmem>>
      %dma_start3A_150 = arith.constant 0 : i32
      %dma_start3A_151 = tpu.memref_slice %arg16[%add3A_113, %dma_start3A_150] : memref<10112x128xf32, #tpu.memory_space<vmem_shared>> -> memref<80x128xf32, #tpu.memory_space<vmem_shared>>
      tpu.enqueue_dma source(%dma_start3A_151 : memref<80x128xf32, #tpu.memory_space<vmem_shared>>) target(%dma_start3A_149 : memref<80x128xf32, #tpu.memory_space<vmem>>) target_semaphore(%run_scoped3A : memref<!tpu.dma_semaphore, #tpu.memory_space<semaphore_mem>>)
      %dma_wait3A_152 = arith.constant 0 : i32
      %dma_wait3A_153 = arith.constant 0 : i32
      %dma_wait3A_154 = tpu.memref_slice %arg13[%dma_wait3A_152, %dma_wait3A_153] : memref<80x128xf32, #tpu.memory_space<vmem>> -> memref<80x128xf32, #tpu.memory_space<vmem>>
      %dma_wait3A_155 = arith.constant 0 : i32
      %dma_wait3A_156 = tpu.memref_slice %arg16[%add3A_113, %dma_wait3A_155] : memref<10112x128xf32, #tpu.memory_space<vmem_shared>> -> memref<80x128xf32, #tpu.memory_space<vmem_shared>>
      %dma_wait3A_157 = arith.constant 0 : i32
      %dma_wait3A_158 = arith.constant 0 : i32
      %dma_wait3A_159 = tpu.memref_slice %arg13[%dma_wait3A_157, %dma_wait3A_158] : memref<80x128xf32, #tpu.memory_space<vmem>> -> memref<80x128xf32, #tpu.memory_space<vmem>>
      %dma_wait3A_160 = arith.constant 0 : i32
      %dma_wait3A_161 = tpu.memref_slice %arg16[%add3A_113, %dma_wait3A_160] : memref<10112x128xf32, #tpu.memory_space<vmem_shared>> -> memref<80x128xf32, #tpu.memory_space<vmem_shared>>
      tpu.wait_dma2 semaphore(%run_scoped3A : memref<!tpu.dma_semaphore, #tpu.memory_space<semaphore_mem>>) src(%dma_wait3A_161 : memref<80x128xf32, #tpu.memory_space<vmem_shared>>) dst(%dma_wait3A_159 : memref<80x128xf32, #tpu.memory_space<vmem>>)
      tpu.yield
    }) : () -> ()
    %mul3A_114 = arith.constant 632 : i32
    %mul3A_115 = arith.muli %arg1, %mul3A_114 : i32
    %add3A_116 = arith.constant 320 : i32
    %add3A_117 = arith.addi %mul3A_115, %add3A_116 : i32
    "tpu.region"() ({
      %run_scoped3A = tpu.sem_alloc : memref<!tpu.dma_semaphore, #tpu.memory_space<semaphore_mem>>
      %dma_start3A_142 = arith.constant 0 : i32
      %dma_start3A_143 = arith.constant 0 : i32
      %dma_start3A_144 = tpu.memref_slice %arg13[%dma_start3A_142, %dma_start3A_143] : memref<80x128xf32, #tpu.memory_space<vmem>> -> memref<80x128xf32, #tpu.memory_space<vmem>>
      %dma_start3A_145 = arith.constant 0 : i32
      %dma_start3A_146 = tpu.memref_slice %arg7[%arg0, %add3A_117, %dma_start3A_145] : memref<2x10112x128xf32, #tpu.memory_space<hbm>> -> memref<1x80x128xf32, #tpu.memory_space<hbm>>
      %dma_start3A_147 = tpu.memref_squeeze %dma_start3A_146 : memref<1x80x128xf32, #tpu.memory_space<hbm>> -> memref<80x128xf32, #tpu.memory_space<hbm>>
      %dma_start3A_148 = arith.constant 0 : i32
      %dma_start3A_149 = tpu.memref_slice %arg7[%arg0, %add3A_117, %dma_start3A_148] : memref<2x10112x128xf32, #tpu.memory_space<hbm>> -> memref<1x80x128xf32, #tpu.memory_space<hbm>>
      %dma_start3A_150 = tpu.memref_squeeze %dma_start3A_149 : memref<1x80x128xf32, #tpu.memory_space<hbm>> -> memref<80x128xf32, #tpu.memory_space<hbm>>
      %dma_start3A_151 = arith.constant 0 : i32
      %dma_start3A_152 = arith.constant 0 : i32
      %dma_start3A_153 = tpu.memref_slice %arg13[%dma_start3A_151, %dma_start3A_152] : memref<80x128xf32, #tpu.memory_space<vmem>> -> memref<80x128xf32, #tpu.memory_space<vmem>>
      tpu.enqueue_dma source(%dma_start3A_153 : memref<80x128xf32, #tpu.memory_space<vmem>>) target(%dma_start3A_150 : memref<80x128xf32, #tpu.memory_space<hbm>>) target_semaphore(%run_scoped3A : memref<!tpu.dma_semaphore, #tpu.memory_space<semaphore_mem>>)
      %dma_wait3A_154 = arith.constant 0 : i32
      %dma_wait3A_155 = arith.constant 0 : i32
      %dma_wait3A_156 = tpu.memref_slice %arg13[%dma_wait3A_154, %dma_wait3A_155] : memref<80x128xf32, #tpu.memory_space<vmem>> -> memref<80x128xf32, #tpu.memory_space<vmem>>
      %dma_wait3A_157 = arith.constant 0 : i32
      %dma_wait3A_158 = tpu.memref_slice %arg7[%arg0, %add3A_117, %dma_wait3A_157] : memref<2x10112x128xf32, #tpu.memory_space<hbm>> -> memref<1x80x128xf32, #tpu.memory_space<hbm>>
      %dma_wait3A_159 = tpu.memref_squeeze %dma_wait3A_158 : memref<1x80x128xf32, #tpu.memory_space<hbm>> -> memref<80x128xf32, #tpu.memory_space<hbm>>
      %dma_wait3A_160 = arith.constant 0 : i32
      %dma_wait3A_161 = tpu.memref_slice %arg7[%arg0, %add3A_117, %dma_wait3A_160] : memref<2x10112x128xf32, #tpu.memory_space<hbm>> -> memref<1x80x128xf32, #tpu.memory_space<hbm>>
      %dma_wait3A_162 = tpu.memref_squeeze %dma_wait3A_161 : memref<1x80x128xf32, #tpu.memory_space<hbm>> -> memref<80x128xf32, #tpu.memory_space<hbm>>
      %dma_wait3A_163 = arith.constant 0 : i32
      %dma_wait3A_164 = arith.constant 0 : i32
      %dma_wait3A_165 = tpu.memref_slice %arg13[%dma_wait3A_163, %dma_wait3A_164] : memref<80x128xf32, #tpu.memory_space<vmem>> -> memref<80x128xf32, #tpu.memory_space<vmem>>
      tpu.wait_dma2 semaphore(%run_scoped3A : memref<!tpu.dma_semaphore, #tpu.memory_space<semaphore_mem>>) src(%dma_wait3A_165 : memref<80x128xf32, #tpu.memory_space<vmem>>) dst(%dma_wait3A_162 : memref<80x128xf32, #tpu.memory_space<hbm>>)
      tpu.yield
    }) : () -> ()
    %mul3A_118 = arith.constant 632 : i32
    %mul3A_119 = arith.muli %arg1, %mul3A_118 : i32
    %add3A_120 = arith.constant 400 : i32
    %add3A_121 = arith.addi %mul3A_119, %add3A_120 : i32
    "tpu.region"() ({
      %run_scoped3A = tpu.sem_alloc : memref<!tpu.dma_semaphore, #tpu.memory_space<semaphore_mem>>
      %dma_start3A_142 = arith.constant 0 : i32
      %dma_start3A_143 = arith.constant 0 : i32
      %dma_start3A_144 = tpu.memref_slice %arg13[%dma_start3A_142, %dma_start3A_143] : memref<80x128xf32, #tpu.memory_space<vmem>> -> memref<80x128xf32, #tpu.memory_space<vmem>>
      %dma_start3A_145 = arith.constant 0 : i32
      %dma_start3A_146 = tpu.memref_slice %arg16[%add3A_121, %dma_start3A_145] : memref<10112x128xf32, #tpu.memory_space<vmem_shared>> -> memref<80x128xf32, #tpu.memory_space<vmem_shared>>
      %dma_start3A_147 = arith.constant 0 : i32
      %dma_start3A_148 = arith.constant 0 : i32
      %dma_start3A_149 = tpu.memref_slice %arg13[%dma_start3A_147, %dma_start3A_148] : memref<80x128xf32, #tpu.memory_space<vmem>> -> memref<80x128xf32, #tpu.memory_space<vmem>>
      %dma_start3A_150 = arith.constant 0 : i32
      %dma_start3A_151 = tpu.memref_slice %arg16[%add3A_121, %dma_start3A_150] : memref<10112x128xf32, #tpu.memory_space<vmem_shared>> -> memref<80x128xf32, #tpu.memory_space<vmem_shared>>
      tpu.enqueue_dma source(%dma_start3A_151 : memref<80x128xf32, #tpu.memory_space<vmem_shared>>) target(%dma_start3A_149 : memref<80x128xf32, #tpu.memory_space<vmem>>) target_semaphore(%run_scoped3A : memref<!tpu.dma_semaphore, #tpu.memory_space<semaphore_mem>>)
      %dma_wait3A_152 = arith.constant 0 : i32
      %dma_wait3A_153 = arith.constant 0 : i32
      %dma_wait3A_154 = tpu.memref_slice %arg13[%dma_wait3A_152, %dma_wait3A_153] : memref<80x128xf32, #tpu.memory_space<vmem>> -> memref<80x128xf32, #tpu.memory_space<vmem>>
      %dma_wait3A_155 = arith.constant 0 : i32
      %dma_wait3A_156 = tpu.memref_slice %arg16[%add3A_121, %dma_wait3A_155] : memref<10112x128xf32, #tpu.memory_space<vmem_shared>> -> memref<80x128xf32, #tpu.memory_space<vmem_shared>>
      %dma_wait3A_157 = arith.constant 0 : i32
      %dma_wait3A_158 = arith.constant 0 : i32
      %dma_wait3A_159 = tpu.memref_slice %arg13[%dma_wait3A_157, %dma_wait3A_158] : memref<80x128xf32, #tpu.memory_space<vmem>> -> memref<80x128xf32, #tpu.memory_space<vmem>>
      %dma_wait3A_160 = arith.constant 0 : i32
      %dma_wait3A_161 = tpu.memref_slice %arg16[%add3A_121, %dma_wait3A_160] : memref<10112x128xf32, #tpu.memory_space<vmem_shared>> -> memref<80x128xf32, #tpu.memory_space<vmem_shared>>
      tpu.wait_dma2 semaphore(%run_scoped3A : memref<!tpu.dma_semaphore, #tpu.memory_space<semaphore_mem>>) src(%dma_wait3A_161 : memref<80x128xf32, #tpu.memory_space<vmem_shared>>) dst(%dma_wait3A_159 : memref<80x128xf32, #tpu.memory_space<vmem>>)
      tpu.yield
    }) : () -> ()
    %mul3A_122 = arith.constant 632 : i32
    %mul3A_123 = arith.muli %arg1, %mul3A_122 : i32
    %add3A_124 = arith.constant 400 : i32
    %add3A_125 = arith.addi %mul3A_123, %add3A_124 : i32
    "tpu.region"() ({
      %run_scoped3A = tpu.sem_alloc : memref<!tpu.dma_semaphore, #tpu.memory_space<semaphore_mem>>
      %dma_start3A_142 = arith.constant 0 : i32
      %dma_start3A_143 = arith.constant 0 : i32
      %dma_start3A_144 = tpu.memref_slice %arg13[%dma_start3A_142, %dma_start3A_143] : memref<80x128xf32, #tpu.memory_space<vmem>> -> memref<80x128xf32, #tpu.memory_space<vmem>>
      %dma_start3A_145 = arith.constant 0 : i32
      %dma_start3A_146 = tpu.memref_slice %arg7[%arg0, %add3A_125, %dma_start3A_145] : memref<2x10112x128xf32, #tpu.memory_space<hbm>> -> memref<1x80x128xf32, #tpu.memory_space<hbm>>
      %dma_start3A_147 = tpu.memref_squeeze %dma_start3A_146 : memref<1x80x128xf32, #tpu.memory_space<hbm>> -> memref<80x128xf32, #tpu.memory_space<hbm>>
      %dma_start3A_148 = arith.constant 0 : i32
      %dma_start3A_149 = tpu.memref_slice %arg7[%arg0, %add3A_125, %dma_start3A_148] : memref<2x10112x128xf32, #tpu.memory_space<hbm>> -> memref<1x80x128xf32, #tpu.memory_space<hbm>>
      %dma_start3A_150 = tpu.memref_squeeze %dma_start3A_149 : memref<1x80x128xf32, #tpu.memory_space<hbm>> -> memref<80x128xf32, #tpu.memory_space<hbm>>
      %dma_start3A_151 = arith.constant 0 : i32
      %dma_start3A_152 = arith.constant 0 : i32
      %dma_start3A_153 = tpu.memref_slice %arg13[%dma_start3A_151, %dma_start3A_152] : memref<80x128xf32, #tpu.memory_space<vmem>> -> memref<80x128xf32, #tpu.memory_space<vmem>>
      tpu.enqueue_dma source(%dma_start3A_153 : memref<80x128xf32, #tpu.memory_space<vmem>>) target(%dma_start3A_150 : memref<80x128xf32, #tpu.memory_space<hbm>>) target_semaphore(%run_scoped3A : memref<!tpu.dma_semaphore, #tpu.memory_space<semaphore_mem>>)
      %dma_wait3A_154 = arith.constant 0 : i32
      %dma_wait3A_155 = arith.constant 0 : i32
      %dma_wait3A_156 = tpu.memref_slice %arg13[%dma_wait3A_154, %dma_wait3A_155] : memref<80x128xf32, #tpu.memory_space<vmem>> -> memref<80x128xf32, #tpu.memory_space<vmem>>
      %dma_wait3A_157 = arith.constant 0 : i32
      %dma_wait3A_158 = tpu.memref_slice %arg7[%arg0, %add3A_125, %dma_wait3A_157] : memref<2x10112x128xf32, #tpu.memory_space<hbm>> -> memref<1x80x128xf32, #tpu.memory_space<hbm>>
      %dma_wait3A_159 = tpu.memref_squeeze %dma_wait3A_158 : memref<1x80x128xf32, #tpu.memory_space<hbm>> -> memref<80x128xf32, #tpu.memory_space<hbm>>
      %dma_wait3A_160 = arith.constant 0 : i32
      %dma_wait3A_161 = tpu.memref_slice %arg7[%arg0, %add3A_125, %dma_wait3A_160] : memref<2x10112x128xf32, #tpu.memory_space<hbm>> -> memref<1x80x128xf32, #tpu.memory_space<hbm>>
      %dma_wait3A_162 = tpu.memref_squeeze %dma_wait3A_161 : memref<1x80x128xf32, #tpu.memory_space<hbm>> -> memref<80x128xf32, #tpu.memory_space<hbm>>
      %dma_wait3A_163 = arith.constant 0 : i32
      %dma_wait3A_164 = arith.constant 0 : i32
      %dma_wait3A_165 = tpu.memref_slice %arg13[%dma_wait3A_163, %dma_wait3A_164] : memref<80x128xf32, #tpu.memory_space<vmem>> -> memref<80x128xf32, #tpu.memory_space<vmem>>
      tpu.wait_dma2 semaphore(%run_scoped3A : memref<!tpu.dma_semaphore, #tpu.memory_space<semaphore_mem>>) src(%dma_wait3A_165 : memref<80x128xf32, #tpu.memory_space<vmem>>) dst(%dma_wait3A_162 : memref<80x128xf32, #tpu.memory_space<hbm>>)
      tpu.yield
    }) : () -> ()
    %mul3A_126 = arith.constant 632 : i32
    %mul3A_127 = arith.muli %arg1, %mul3A_126 : i32
    %add3A_128 = arith.constant 480 : i32
    %add3A_129 = arith.addi %mul3A_127, %add3A_128 : i32
    "tpu.region"() ({
      %run_scoped3A = tpu.sem_alloc : memref<!tpu.dma_semaphore, #tpu.memory_space<semaphore_mem>>
      %dma_start3A_142 = arith.constant 0 : i32
      %dma_start3A_143 = arith.constant 0 : i32
      %dma_start3A_144 = tpu.memref_slice %arg13[%dma_start3A_142, %dma_start3A_143] : memref<80x128xf32, #tpu.memory_space<vmem>> -> memref<80x128xf32, #tpu.memory_space<vmem>>
      %dma_start3A_145 = arith.constant 0 : i32
      %dma_start3A_146 = tpu.memref_slice %arg16[%add3A_129, %dma_start3A_145] : memref<10112x128xf32, #tpu.memory_space<vmem_shared>> -> memref<80x128xf32, #tpu.memory_space<vmem_shared>>
      %dma_start3A_147 = arith.constant 0 : i32
      %dma_start3A_148 = arith.constant 0 : i32
      %dma_start3A_149 = tpu.memref_slice %arg13[%dma_start3A_147, %dma_start3A_148] : memref<80x128xf32, #tpu.memory_space<vmem>> -> memref<80x128xf32, #tpu.memory_space<vmem>>
      %dma_start3A_150 = arith.constant 0 : i32
      %dma_start3A_151 = tpu.memref_slice %arg16[%add3A_129, %dma_start3A_150] : memref<10112x128xf32, #tpu.memory_space<vmem_shared>> -> memref<80x128xf32, #tpu.memory_space<vmem_shared>>
      tpu.enqueue_dma source(%dma_start3A_151 : memref<80x128xf32, #tpu.memory_space<vmem_shared>>) target(%dma_start3A_149 : memref<80x128xf32, #tpu.memory_space<vmem>>) target_semaphore(%run_scoped3A : memref<!tpu.dma_semaphore, #tpu.memory_space<semaphore_mem>>)
      %dma_wait3A_152 = arith.constant 0 : i32
      %dma_wait3A_153 = arith.constant 0 : i32
      %dma_wait3A_154 = tpu.memref_slice %arg13[%dma_wait3A_152, %dma_wait3A_153] : memref<80x128xf32, #tpu.memory_space<vmem>> -> memref<80x128xf32, #tpu.memory_space<vmem>>
      %dma_wait3A_155 = arith.constant 0 : i32
      %dma_wait3A_156 = tpu.memref_slice %arg16[%add3A_129, %dma_wait3A_155] : memref<10112x128xf32, #tpu.memory_space<vmem_shared>> -> memref<80x128xf32, #tpu.memory_space<vmem_shared>>
      %dma_wait3A_157 = arith.constant 0 : i32
      %dma_wait3A_158 = arith.constant 0 : i32
      %dma_wait3A_159 = tpu.memref_slice %arg13[%dma_wait3A_157, %dma_wait3A_158] : memref<80x128xf32, #tpu.memory_space<vmem>> -> memref<80x128xf32, #tpu.memory_space<vmem>>
      %dma_wait3A_160 = arith.constant 0 : i32
      %dma_wait3A_161 = tpu.memref_slice %arg16[%add3A_129, %dma_wait3A_160] : memref<10112x128xf32, #tpu.memory_space<vmem_shared>> -> memref<80x128xf32, #tpu.memory_space<vmem_shared>>
      tpu.wait_dma2 semaphore(%run_scoped3A : memref<!tpu.dma_semaphore, #tpu.memory_space<semaphore_mem>>) src(%dma_wait3A_161 : memref<80x128xf32, #tpu.memory_space<vmem_shared>>) dst(%dma_wait3A_159 : memref<80x128xf32, #tpu.memory_space<vmem>>)
      tpu.yield
    }) : () -> ()
    %mul3A_130 = arith.constant 632 : i32
    %mul3A_131 = arith.muli %arg1, %mul3A_130 : i32
    %add3A_132 = arith.constant 480 : i32
    %add3A_133 = arith.addi %mul3A_131, %add3A_132 : i32
    "tpu.region"() ({
      %run_scoped3A = tpu.sem_alloc : memref<!tpu.dma_semaphore, #tpu.memory_space<semaphore_mem>>
      %dma_start3A_142 = arith.constant 0 : i32
      %dma_start3A_143 = arith.constant 0 : i32
      %dma_start3A_144 = tpu.memref_slice %arg13[%dma_start3A_142, %dma_start3A_143] : memref<80x128xf32, #tpu.memory_space<vmem>> -> memref<80x128xf32, #tpu.memory_space<vmem>>
      %dma_start3A_145 = arith.constant 0 : i32
      %dma_start3A_146 = tpu.memref_slice %arg7[%arg0, %add3A_133, %dma_start3A_145] : memref<2x10112x128xf32, #tpu.memory_space<hbm>> -> memref<1x80x128xf32, #tpu.memory_space<hbm>>
      %dma_start3A_147 = tpu.memref_squeeze %dma_start3A_146 : memref<1x80x128xf32, #tpu.memory_space<hbm>> -> memref<80x128xf32, #tpu.memory_space<hbm>>
      %dma_start3A_148 = arith.constant 0 : i32
      %dma_start3A_149 = tpu.memref_slice %arg7[%arg0, %add3A_133, %dma_start3A_148] : memref<2x10112x128xf32, #tpu.memory_space<hbm>> -> memref<1x80x128xf32, #tpu.memory_space<hbm>>
      %dma_start3A_150 = tpu.memref_squeeze %dma_start3A_149 : memref<1x80x128xf32, #tpu.memory_space<hbm>> -> memref<80x128xf32, #tpu.memory_space<hbm>>
      %dma_start3A_151 = arith.constant 0 : i32
      %dma_start3A_152 = arith.constant 0 : i32
      %dma_start3A_153 = tpu.memref_slice %arg13[%dma_start3A_151, %dma_start3A_152] : memref<80x128xf32, #tpu.memory_space<vmem>> -> memref<80x128xf32, #tpu.memory_space<vmem>>
      tpu.enqueue_dma source(%dma_start3A_153 : memref<80x128xf32, #tpu.memory_space<vmem>>) target(%dma_start3A_150 : memref<80x128xf32, #tpu.memory_space<hbm>>) target_semaphore(%run_scoped3A : memref<!tpu.dma_semaphore, #tpu.memory_space<semaphore_mem>>)
      %dma_wait3A_154 = arith.constant 0 : i32
      %dma_wait3A_155 = arith.constant 0 : i32
      %dma_wait3A_156 = tpu.memref_slice %arg13[%dma_wait3A_154, %dma_wait3A_155] : memref<80x128xf32, #tpu.memory_space<vmem>> -> memref<80x128xf32, #tpu.memory_space<vmem>>
      %dma_wait3A_157 = arith.constant 0 : i32
      %dma_wait3A_158 = tpu.memref_slice %arg7[%arg0, %add3A_133, %dma_wait3A_157] : memref<2x10112x128xf32, #tpu.memory_space<hbm>> -> memref<1x80x128xf32, #tpu.memory_space<hbm>>
      %dma_wait3A_159 = tpu.memref_squeeze %dma_wait3A_158 : memref<1x80x128xf32, #tpu.memory_space<hbm>> -> memref<80x128xf32, #tpu.memory_space<hbm>>
      %dma_wait3A_160 = arith.constant 0 : i32
      %dma_wait3A_161 = tpu.memref_slice %arg7[%arg0, %add3A_133, %dma_wait3A_160] : memref<2x10112x128xf32, #tpu.memory_space<hbm>> -> memref<1x80x128xf32, #tpu.memory_space<hbm>>
      %dma_wait3A_162 = tpu.memref_squeeze %dma_wait3A_161 : memref<1x80x128xf32, #tpu.memory_space<hbm>> -> memref<80x128xf32, #tpu.memory_space<hbm>>
      %dma_wait3A_163 = arith.constant 0 : i32
      %dma_wait3A_164 = arith.constant 0 : i32
      %dma_wait3A_165 = tpu.memref_slice %arg13[%dma_wait3A_163, %dma_wait3A_164] : memref<80x128xf32, #tpu.memory_space<vmem>> -> memref<80x128xf32, #tpu.memory_space<vmem>>
      tpu.wait_dma2 semaphore(%run_scoped3A : memref<!tpu.dma_semaphore, #tpu.memory_space<semaphore_mem>>) src(%dma_wait3A_165 : memref<80x128xf32, #tpu.memory_space<vmem>>) dst(%dma_wait3A_162 : memref<80x128xf32, #tpu.memory_space<hbm>>)
      tpu.yield
    }) : () -> ()
    %mul3A_134 = arith.constant 632 : i32
    %mul3A_135 = arith.muli %arg1, %mul3A_134 : i32
    %add3A_136 = arith.constant 560 : i32
    %add3A_137 = arith.addi %mul3A_135, %add3A_136 : i32
    "tpu.region"() ({
      %run_scoped3A = tpu.sem_alloc : memref<!tpu.dma_semaphore, #tpu.memory_space<semaphore_mem>>
      %dma_start3A_142 = arith.constant 0 : i32
      %dma_start3A_143 = arith.constant 0 : i32
      %dma_start3A_144 = tpu.memref_slice %arg13[%dma_start3A_142, %dma_start3A_143] : memref<80x128xf32, #tpu.memory_space<vmem>> -> memref<72x128xf32, #tpu.memory_space<vmem>>
      %dma_start3A_145 = arith.constant 0 : i32
      %dma_start3A_146 = tpu.memref_slice %arg16[%add3A_137, %dma_start3A_145] : memref<10112x128xf32, #tpu.memory_space<vmem_shared>> -> memref<72x128xf32, #tpu.memory_space<vmem_shared>>
      %dma_start3A_147 = arith.constant 0 : i32
      %dma_start3A_148 = arith.constant 0 : i32
      %dma_start3A_149 = tpu.memref_slice %arg13[%dma_start3A_147, %dma_start3A_148] : memref<80x128xf32, #tpu.memory_space<vmem>> -> memref<72x128xf32, #tpu.memory_space<vmem>>
      %dma_start3A_150 = arith.constant 0 : i32
      %dma_start3A_151 = tpu.memref_slice %arg16[%add3A_137, %dma_start3A_150] : memref<10112x128xf32, #tpu.memory_space<vmem_shared>> -> memref<72x128xf32, #tpu.memory_space<vmem_shared>>
      tpu.enqueue_dma source(%dma_start3A_151 : memref<72x128xf32, #tpu.memory_space<vmem_shared>>) target(%dma_start3A_149 : memref<72x128xf32, #tpu.memory_space<vmem>>) target_semaphore(%run_scoped3A : memref<!tpu.dma_semaphore, #tpu.memory_space<semaphore_mem>>)
      %dma_wait3A_152 = arith.constant 0 : i32
      %dma_wait3A_153 = arith.constant 0 : i32
      %dma_wait3A_154 = tpu.memref_slice %arg13[%dma_wait3A_152, %dma_wait3A_153] : memref<80x128xf32, #tpu.memory_space<vmem>> -> memref<72x128xf32, #tpu.memory_space<vmem>>
      %dma_wait3A_155 = arith.constant 0 : i32
      %dma_wait3A_156 = tpu.memref_slice %arg16[%add3A_137, %dma_wait3A_155] : memref<10112x128xf32, #tpu.memory_space<vmem_shared>> -> memref<72x128xf32, #tpu.memory_space<vmem_shared>>
      %dma_wait3A_157 = arith.constant 0 : i32
      %dma_wait3A_158 = arith.constant 0 : i32
      %dma_wait3A_159 = tpu.memref_slice %arg13[%dma_wait3A_157, %dma_wait3A_158] : memref<80x128xf32, #tpu.memory_space<vmem>> -> memref<72x128xf32, #tpu.memory_space<vmem>>
      %dma_wait3A_160 = arith.constant 0 : i32
      %dma_wait3A_161 = tpu.memref_slice %arg16[%add3A_137, %dma_wait3A_160] : memref<10112x128xf32, #tpu.memory_space<vmem_shared>> -> memref<72x128xf32, #tpu.memory_space<vmem_shared>>
      tpu.wait_dma2 semaphore(%run_scoped3A : memref<!tpu.dma_semaphore, #tpu.memory_space<semaphore_mem>>) src(%dma_wait3A_161 : memref<72x128xf32, #tpu.memory_space<vmem_shared>>) dst(%dma_wait3A_159 : memref<72x128xf32, #tpu.memory_space<vmem>>)
      tpu.yield
    }) : () -> ()
    %mul3A_138 = arith.constant 632 : i32
    %mul3A_139 = arith.muli %arg1, %mul3A_138 : i32
    %add3A_140 = arith.constant 560 : i32
    %add3A_141 = arith.addi %mul3A_139, %add3A_140 : i32
    "tpu.region"() ({
      %run_scoped3A = tpu.sem_alloc : memref<!tpu.dma_semaphore, #tpu.memory_space<semaphore_mem>>
      %dma_start3A_142 = arith.constant 0 : i32
      %dma_start3A_143 = arith.constant 0 : i32
      %dma_start3A_144 = tpu.memref_slice %arg13[%dma_start3A_142, %dma_start3A_143] : memref<80x128xf32, #tpu.memory_space<vmem>> -> memref<72x128xf32, #tpu.memory_space<vmem>>
      %dma_start3A_145 = arith.constant 0 : i32
      %dma_start3A_146 = tpu.memref_slice %arg7[%arg0, %add3A_141, %dma_start3A_145] : memref<2x10112x128xf32, #tpu.memory_space<hbm>> -> memref<1x72x128xf32, #tpu.memory_space<hbm>>
      %dma_start3A_147 = tpu.memref_squeeze %dma_start3A_146 : memref<1x72x128xf32, #tpu.memory_space<hbm>> -> memref<72x128xf32, #tpu.memory_space<hbm>>
      %dma_start3A_148 = arith.constant 0 : i32
      %dma_start3A_149 = tpu.memref_slice %arg7[%arg0, %add3A_141, %dma_start3A_148] : memref<2x10112x128xf32, #tpu.memory_space<hbm>> -> memref<1x72x128xf32, #tpu.memory_space<hbm>>
      %dma_start3A_150 = tpu.memref_squeeze %dma_start3A_149 : memref<1x72x128xf32, #tpu.memory_space<hbm>> -> memref<72x128xf32, #tpu.memory_space<hbm>>
      %dma_start3A_151 = arith.constant 0 : i32
      %dma_start3A_152 = arith.constant 0 : i32
      %dma_start3A_153 = tpu.memref_slice %arg13[%dma_start3A_151, %dma_start3A_152] : memref<80x128xf32, #tpu.memory_space<vmem>> -> memref<72x128xf32, #tpu.memory_space<vmem>>
      tpu.enqueue_dma source(%dma_start3A_153 : memref<72x128xf32, #tpu.memory_space<vmem>>) target(%dma_start3A_150 : memref<72x128xf32, #tpu.memory_space<hbm>>) target_semaphore(%run_scoped3A : memref<!tpu.dma_semaphore, #tpu.memory_space<semaphore_mem>>)
      %dma_wait3A_154 = arith.constant 0 : i32
      %dma_wait3A_155 = arith.constant 0 : i32
      %dma_wait3A_156 = tpu.memref_slice %arg13[%dma_wait3A_154, %dma_wait3A_155] : memref<80x128xf32, #tpu.memory_space<vmem>> -> memref<72x128xf32, #tpu.memory_space<vmem>>
      %dma_wait3A_157 = arith.constant 0 : i32
      %dma_wait3A_158 = tpu.memref_slice %arg7[%arg0, %add3A_141, %dma_wait3A_157] : memref<2x10112x128xf32, #tpu.memory_space<hbm>> -> memref<1x72x128xf32, #tpu.memory_space<hbm>>
      %dma_wait3A_159 = tpu.memref_squeeze %dma_wait3A_158 : memref<1x72x128xf32, #tpu.memory_space<hbm>> -> memref<72x128xf32, #tpu.memory_space<hbm>>
      %dma_wait3A_160 = arith.constant 0 : i32
      %dma_wait3A_161 = tpu.memref_slice %arg7[%arg0, %add3A_141, %dma_wait3A_160] : memref<2x10112x128xf32, #tpu.memory_space<hbm>> -> memref<1x72x128xf32, #tpu.memory_space<hbm>>
      %dma_wait3A_162 = tpu.memref_squeeze %dma_wait3A_161 : memref<1x72x128xf32, #tpu.memory_space<hbm>> -> memref<72x128xf32, #tpu.memory_space<hbm>>
      %dma_wait3A_163 = arith.constant 0 : i32
      %dma_wait3A_164 = arith.constant 0 : i32
      %dma_wait3A_165 = tpu.memref_slice %arg13[%dma_wait3A_163, %dma_wait3A_164] : memref<80x128xf32, #tpu.memory_space<vmem>> -> memref<72x128xf32, #tpu.memory_space<vmem>>
      tpu.wait_dma2 semaphore(%run_scoped3A : memref<!tpu.dma_semaphore, #tpu.memory_space<semaphore_mem>>) src(%dma_wait3A_165 : memref<72x128xf32, #tpu.memory_space<vmem>>) dst(%dma_wait3A_162 : memref<72x128xf32, #tpu.memory_space<hbm>>)
      tpu.yield
    }) : () -> ()
    "tpu.region"() ({
      %run_scoped3A = tpu.sem_alloc : memref<!tpu.dma_semaphore, #tpu.memory_space<semaphore_mem>>
      %dma_start3A_142 = arith.constant 0 : i32
      %dma_start3A_143 = tpu.memref_slice %arg8[%add3A, %dma_start3A_142] : memref<32x10112xf32, #tpu.memory_space<hbm>> -> memref<1x10112xf32, #tpu.memory_space<hbm>>
      %dma_start3A_144 = tpu.memref_squeeze %dma_start3A_143 : memref<1x10112xf32, #tpu.memory_space<hbm>> -> memref<10112xf32, #tpu.memory_space<hbm>>
      %dma_start3A_145 = arith.constant 0 : i32
      %dma_start3A_146 = tpu.memref_slice %arg8[%add3A, %dma_start3A_145] : memref<32x10112xf32, #tpu.memory_space<hbm>> -> memref<1x10112xf32, #tpu.memory_space<hbm>>
      %dma_start3A_147 = tpu.memref_squeeze %dma_start3A_146 : memref<1x10112xf32, #tpu.memory_space<hbm>> -> memref<10112xf32, #tpu.memory_space<hbm>>
      tpu.enqueue_dma source(%arg15 : memref<10112xf32, #tpu.memory_space<vmem>>) target(%dma_start3A_147 : memref<10112xf32, #tpu.memory_space<hbm>>) target_semaphore(%run_scoped3A : memref<!tpu.dma_semaphore, #tpu.memory_space<semaphore_mem>>)
      %dma_wait3A_148 = arith.constant 0 : i32
      %dma_wait3A_149 = tpu.memref_slice %arg8[%add3A, %dma_wait3A_148] : memref<32x10112xf32, #tpu.memory_space<hbm>> -> memref<1x10112xf32, #tpu.memory_space<hbm>>
      %dma_wait3A_150 = tpu.memref_squeeze %dma_wait3A_149 : memref<1x10112xf32, #tpu.memory_space<hbm>> -> memref<10112xf32, #tpu.memory_space<hbm>>
      %dma_wait3A_151 = arith.constant 0 : i32
      %dma_wait3A_152 = tpu.memref_slice %arg8[%add3A, %dma_wait3A_151] : memref<32x10112xf32, #tpu.memory_space<hbm>> -> memref<1x10112xf32, #tpu.memory_space<hbm>>
      %dma_wait3A_153 = tpu.memref_squeeze %dma_wait3A_152 : memref<1x10112xf32, #tpu.memory_space<hbm>> -> memref<10112xf32, #tpu.memory_space<hbm>>
      tpu.wait_dma2 semaphore(%run_scoped3A : memref<!tpu.dma_semaphore, #tpu.memory_space<semaphore_mem>>) src(%arg15 : memref<10112xf32, #tpu.memory_space<vmem>>) dst(%dma_wait3A_153 : memref<10112xf32, #tpu.memory_space<hbm>>)
      tpu.yield
    }) : () -> ()
    return
  }
}

#map = affine_map<(d0, d1) -> (0, 0)>
#map1 = affine_map<(d0, d1) -> (0)>
#map2 = affine_map<(d0, d1) -> (0, 0, 0)>
module attributes {stable_mosaic.version = 14 : i64} {
  func.func @_sc_agg_body(%arg0: i32, %arg1: i32, %arg2: memref<10112x128xf32, #tpu.memory_space<hbm>>, %arg3: memref<327680xi32, #tpu.memory_space<hbm>>, %arg4: memref<327680xi32, #tpu.memory_space<hbm>>, %arg5: memref<128x128xf32, #tpu.memory_space<hbm>>, %arg6: memref<2x10112x128xf32, #tpu.memory_space<hbm>>, %arg7: memref<128xi32, #tpu.memory_space<vmem>>, %arg8: memref<128xi32, #tpu.memory_space<vmem>>, %arg9: memref<128xi32, #tpu.memory_space<vmem>>, %arg10: memref<128xi32, #tpu.memory_space<vmem>>, %arg11: memref<128x128xf32, #tpu.memory_space<vmem>>, %arg12: memref<128x128xf32, #tpu.memory_space<vmem>>, %arg13: memref<10112x128xf32, #tpu.memory_space<vmem_shared>>, %arg14: memref<!tpu.dma_semaphore, #tpu.memory_space<semaphore_mem>>, %arg15: memref<!tpu.dma_semaphore, #tpu.memory_space<semaphore_mem>>) attributes {dimension_semantics = [#tpu.dimension_semantics<core_parallel>, #tpu.dimension_semantics<subcore_parallel>], iteration_bounds = array<i64: 2, 16>, scalar_prefetch = 0 : i64, scratch_operands = 9 : i64, tpu.core_type = #tpu.core_type<sc_vector_subcore>, window_params = [{transform_indices = #map}, {transform_indices = #map1}, {transform_indices = #map1}, {transform_indices = #map}, {transform_indices = #map2}]} {
    %mul3A = arith.constant 2 : i32
    %mul3A_0 = arith.muli %arg1, %mul3A : i32
    %add3A = arith.addi %mul3A_0, %arg0 : i32
    "tpu.region"() ({
      %run_scoped3A = tpu.sem_alloc : memref<!tpu.dma_semaphore, #tpu.memory_space<semaphore_mem>>
      tpu.enqueue_dma source(%arg5 : memref<128x128xf32, #tpu.memory_space<hbm>>) target(%arg11 : memref<128x128xf32, #tpu.memory_space<vmem>>) target_semaphore(%run_scoped3A : memref<!tpu.dma_semaphore, #tpu.memory_space<semaphore_mem>>)
      tpu.wait_dma2 semaphore(%run_scoped3A : memref<!tpu.dma_semaphore, #tpu.memory_space<semaphore_mem>>) src(%arg5 : memref<128x128xf32, #tpu.memory_space<hbm>>) dst(%arg11 : memref<128x128xf32, #tpu.memory_space<vmem>>)
      tpu.yield
    }) : () -> ()
    %mul3A_1 = arith.constant 632 : i32
    %mul3A_2 = arith.muli %arg1, %mul3A_1 : i32
    %add3A_3 = arith.constant 0 : i32
    %add3A_4 = arith.addi %mul3A_2, %add3A_3 : i32
    "tpu.region"() ({
      %run_scoped3A = tpu.sem_alloc : memref<!tpu.dma_semaphore, #tpu.memory_space<semaphore_mem>>
      %dma_start3A_87 = arith.constant 0 : i32
      %dma_start3A_88 = arith.constant 0 : i32
      %dma_start3A_89 = tpu.memref_slice %arg11[%dma_start3A_87, %dma_start3A_88] : memref<128x128xf32, #tpu.memory_space<vmem>> -> memref<128x128xf32, #tpu.memory_space<vmem>>
      %dma_start3A_90 = arith.constant 0 : i32
      %dma_start3A_91 = tpu.memref_slice %arg13[%add3A_4, %dma_start3A_90] : memref<10112x128xf32, #tpu.memory_space<vmem_shared>> -> memref<128x128xf32, #tpu.memory_space<vmem_shared>>
      %dma_start3A_92 = arith.constant 0 : i32
      %dma_start3A_93 = tpu.memref_slice %arg13[%add3A_4, %dma_start3A_92] : memref<10112x128xf32, #tpu.memory_space<vmem_shared>> -> memref<128x128xf32, #tpu.memory_space<vmem_shared>>
      %dma_start3A_94 = arith.constant 0 : i32
      %dma_start3A_95 = arith.constant 0 : i32
      %dma_start3A_96 = tpu.memref_slice %arg11[%dma_start3A_94, %dma_start3A_95] : memref<128x128xf32, #tpu.memory_space<vmem>> -> memref<128x128xf32, #tpu.memory_space<vmem>>
      tpu.enqueue_dma source(%dma_start3A_96 : memref<128x128xf32, #tpu.memory_space<vmem>>) target(%dma_start3A_93 : memref<128x128xf32, #tpu.memory_space<vmem_shared>>) target_semaphore(%run_scoped3A : memref<!tpu.dma_semaphore, #tpu.memory_space<semaphore_mem>>)
      %dma_wait3A_97 = arith.constant 0 : i32
      %dma_wait3A_98 = arith.constant 0 : i32
      %dma_wait3A_99 = tpu.memref_slice %arg11[%dma_wait3A_97, %dma_wait3A_98] : memref<128x128xf32, #tpu.memory_space<vmem>> -> memref<128x128xf32, #tpu.memory_space<vmem>>
      %dma_wait3A_100 = arith.constant 0 : i32
      %dma_wait3A_101 = tpu.memref_slice %arg13[%add3A_4, %dma_wait3A_100] : memref<10112x128xf32, #tpu.memory_space<vmem_shared>> -> memref<128x128xf32, #tpu.memory_space<vmem_shared>>
      %dma_wait3A_102 = arith.constant 0 : i32
      %dma_wait3A_103 = tpu.memref_slice %arg13[%add3A_4, %dma_wait3A_102] : memref<10112x128xf32, #tpu.memory_space<vmem_shared>> -> memref<128x128xf32, #tpu.memory_space<vmem_shared>>
      %dma_wait3A_104 = arith.constant 0 : i32
      %dma_wait3A_105 = arith.constant 0 : i32
      %dma_wait3A_106 = tpu.memref_slice %arg11[%dma_wait3A_104, %dma_wait3A_105] : memref<128x128xf32, #tpu.memory_space<vmem>> -> memref<128x128xf32, #tpu.memory_space<vmem>>
      tpu.wait_dma2 semaphore(%run_scoped3A : memref<!tpu.dma_semaphore, #tpu.memory_space<semaphore_mem>>) src(%dma_wait3A_106 : memref<128x128xf32, #tpu.memory_space<vmem>>) dst(%dma_wait3A_103 : memref<128x128xf32, #tpu.memory_space<vmem_shared>>)
      tpu.yield
    }) : () -> ()
    %mul3A_5 = arith.constant 632 : i32
    %mul3A_6 = arith.muli %arg1, %mul3A_5 : i32
    %add3A_7 = arith.constant 128 : i32
    %add3A_8 = arith.addi %mul3A_6, %add3A_7 : i32
    "tpu.region"() ({
      %run_scoped3A = tpu.sem_alloc : memref<!tpu.dma_semaphore, #tpu.memory_space<semaphore_mem>>
      %dma_start3A_87 = arith.constant 0 : i32
      %dma_start3A_88 = arith.constant 0 : i32
      %dma_start3A_89 = tpu.memref_slice %arg11[%dma_start3A_87, %dma_start3A_88] : memref<128x128xf32, #tpu.memory_space<vmem>> -> memref<128x128xf32, #tpu.memory_space<vmem>>
      %dma_start3A_90 = arith.constant 0 : i32
      %dma_start3A_91 = tpu.memref_slice %arg13[%add3A_8, %dma_start3A_90] : memref<10112x128xf32, #tpu.memory_space<vmem_shared>> -> memref<128x128xf32, #tpu.memory_space<vmem_shared>>
      %dma_start3A_92 = arith.constant 0 : i32
      %dma_start3A_93 = tpu.memref_slice %arg13[%add3A_8, %dma_start3A_92] : memref<10112x128xf32, #tpu.memory_space<vmem_shared>> -> memref<128x128xf32, #tpu.memory_space<vmem_shared>>
      %dma_start3A_94 = arith.constant 0 : i32
      %dma_start3A_95 = arith.constant 0 : i32
      %dma_start3A_96 = tpu.memref_slice %arg11[%dma_start3A_94, %dma_start3A_95] : memref<128x128xf32, #tpu.memory_space<vmem>> -> memref<128x128xf32, #tpu.memory_space<vmem>>
      tpu.enqueue_dma source(%dma_start3A_96 : memref<128x128xf32, #tpu.memory_space<vmem>>) target(%dma_start3A_93 : memref<128x128xf32, #tpu.memory_space<vmem_shared>>) target_semaphore(%run_scoped3A : memref<!tpu.dma_semaphore, #tpu.memory_space<semaphore_mem>>)
      %dma_wait3A_97 = arith.constant 0 : i32
      %dma_wait3A_98 = arith.constant 0 : i32
      %dma_wait3A_99 = tpu.memref_slice %arg11[%dma_wait3A_97, %dma_wait3A_98] : memref<128x128xf32, #tpu.memory_space<vmem>> -> memref<128x128xf32, #tpu.memory_space<vmem>>
      %dma_wait3A_100 = arith.constant 0 : i32
      %dma_wait3A_101 = tpu.memref_slice %arg13[%add3A_8, %dma_wait3A_100] : memref<10112x128xf32, #tpu.memory_space<vmem_shared>> -> memref<128x128xf32, #tpu.memory_space<vmem_shared>>
      %dma_wait3A_102 = arith.constant 0 : i32
      %dma_wait3A_103 = tpu.memref_slice %arg13[%add3A_8, %dma_wait3A_102] : memref<10112x128xf32, #tpu.memory_space<vmem_shared>> -> memref<128x128xf32, #tpu.memory_space<vmem_shared>>
      %dma_wait3A_104 = arith.constant 0 : i32
      %dma_wait3A_105 = arith.constant 0 : i32
      %dma_wait3A_106 = tpu.memref_slice %arg11[%dma_wait3A_104, %dma_wait3A_105] : memref<128x128xf32, #tpu.memory_space<vmem>> -> memref<128x128xf32, #tpu.memory_space<vmem>>
      tpu.wait_dma2 semaphore(%run_scoped3A : memref<!tpu.dma_semaphore, #tpu.memory_space<semaphore_mem>>) src(%dma_wait3A_106 : memref<128x128xf32, #tpu.memory_space<vmem>>) dst(%dma_wait3A_103 : memref<128x128xf32, #tpu.memory_space<vmem_shared>>)
      tpu.yield
    }) : () -> ()
    %mul3A_9 = arith.constant 632 : i32
    %mul3A_10 = arith.muli %arg1, %mul3A_9 : i32
    %add3A_11 = arith.constant 256 : i32
    %add3A_12 = arith.addi %mul3A_10, %add3A_11 : i32
    "tpu.region"() ({
      %run_scoped3A = tpu.sem_alloc : memref<!tpu.dma_semaphore, #tpu.memory_space<semaphore_mem>>
      %dma_start3A_87 = arith.constant 0 : i32
      %dma_start3A_88 = arith.constant 0 : i32
      %dma_start3A_89 = tpu.memref_slice %arg11[%dma_start3A_87, %dma_start3A_88] : memref<128x128xf32, #tpu.memory_space<vmem>> -> memref<128x128xf32, #tpu.memory_space<vmem>>
      %dma_start3A_90 = arith.constant 0 : i32
      %dma_start3A_91 = tpu.memref_slice %arg13[%add3A_12, %dma_start3A_90] : memref<10112x128xf32, #tpu.memory_space<vmem_shared>> -> memref<128x128xf32, #tpu.memory_space<vmem_shared>>
      %dma_start3A_92 = arith.constant 0 : i32
      %dma_start3A_93 = tpu.memref_slice %arg13[%add3A_12, %dma_start3A_92] : memref<10112x128xf32, #tpu.memory_space<vmem_shared>> -> memref<128x128xf32, #tpu.memory_space<vmem_shared>>
      %dma_start3A_94 = arith.constant 0 : i32
      %dma_start3A_95 = arith.constant 0 : i32
      %dma_start3A_96 = tpu.memref_slice %arg11[%dma_start3A_94, %dma_start3A_95] : memref<128x128xf32, #tpu.memory_space<vmem>> -> memref<128x128xf32, #tpu.memory_space<vmem>>
      tpu.enqueue_dma source(%dma_start3A_96 : memref<128x128xf32, #tpu.memory_space<vmem>>) target(%dma_start3A_93 : memref<128x128xf32, #tpu.memory_space<vmem_shared>>) target_semaphore(%run_scoped3A : memref<!tpu.dma_semaphore, #tpu.memory_space<semaphore_mem>>)
      %dma_wait3A_97 = arith.constant 0 : i32
      %dma_wait3A_98 = arith.constant 0 : i32
      %dma_wait3A_99 = tpu.memref_slice %arg11[%dma_wait3A_97, %dma_wait3A_98] : memref<128x128xf32, #tpu.memory_space<vmem>> -> memref<128x128xf32, #tpu.memory_space<vmem>>
      %dma_wait3A_100 = arith.constant 0 : i32
      %dma_wait3A_101 = tpu.memref_slice %arg13[%add3A_12, %dma_wait3A_100] : memref<10112x128xf32, #tpu.memory_space<vmem_shared>> -> memref<128x128xf32, #tpu.memory_space<vmem_shared>>
      %dma_wait3A_102 = arith.constant 0 : i32
      %dma_wait3A_103 = tpu.memref_slice %arg13[%add3A_12, %dma_wait3A_102] : memref<10112x128xf32, #tpu.memory_space<vmem_shared>> -> memref<128x128xf32, #tpu.memory_space<vmem_shared>>
      %dma_wait3A_104 = arith.constant 0 : i32
      %dma_wait3A_105 = arith.constant 0 : i32
      %dma_wait3A_106 = tpu.memref_slice %arg11[%dma_wait3A_104, %dma_wait3A_105] : memref<128x128xf32, #tpu.memory_space<vmem>> -> memref<128x128xf32, #tpu.memory_space<vmem>>
      tpu.wait_dma2 semaphore(%run_scoped3A : memref<!tpu.dma_semaphore, #tpu.memory_space<semaphore_mem>>) src(%dma_wait3A_106 : memref<128x128xf32, #tpu.memory_space<vmem>>) dst(%dma_wait3A_103 : memref<128x128xf32, #tpu.memory_space<vmem_shared>>)
      tpu.yield
    }) : () -> ()
    %mul3A_13 = arith.constant 632 : i32
    %mul3A_14 = arith.muli %arg1, %mul3A_13 : i32
    %add3A_15 = arith.constant 384 : i32
    %add3A_16 = arith.addi %mul3A_14, %add3A_15 : i32
    "tpu.region"() ({
      %run_scoped3A = tpu.sem_alloc : memref<!tpu.dma_semaphore, #tpu.memory_space<semaphore_mem>>
      %dma_start3A_87 = arith.constant 0 : i32
      %dma_start3A_88 = arith.constant 0 : i32
      %dma_start3A_89 = tpu.memref_slice %arg11[%dma_start3A_87, %dma_start3A_88] : memref<128x128xf32, #tpu.memory_space<vmem>> -> memref<128x128xf32, #tpu.memory_space<vmem>>
      %dma_start3A_90 = arith.constant 0 : i32
      %dma_start3A_91 = tpu.memref_slice %arg13[%add3A_16, %dma_start3A_90] : memref<10112x128xf32, #tpu.memory_space<vmem_shared>> -> memref<128x128xf32, #tpu.memory_space<vmem_shared>>
      %dma_start3A_92 = arith.constant 0 : i32
      %dma_start3A_93 = tpu.memref_slice %arg13[%add3A_16, %dma_start3A_92] : memref<10112x128xf32, #tpu.memory_space<vmem_shared>> -> memref<128x128xf32, #tpu.memory_space<vmem_shared>>
      %dma_start3A_94 = arith.constant 0 : i32
      %dma_start3A_95 = arith.constant 0 : i32
      %dma_start3A_96 = tpu.memref_slice %arg11[%dma_start3A_94, %dma_start3A_95] : memref<128x128xf32, #tpu.memory_space<vmem>> -> memref<128x128xf32, #tpu.memory_space<vmem>>
      tpu.enqueue_dma source(%dma_start3A_96 : memref<128x128xf32, #tpu.memory_space<vmem>>) target(%dma_start3A_93 : memref<128x128xf32, #tpu.memory_space<vmem_shared>>) target_semaphore(%run_scoped3A : memref<!tpu.dma_semaphore, #tpu.memory_space<semaphore_mem>>)
      %dma_wait3A_97 = arith.constant 0 : i32
      %dma_wait3A_98 = arith.constant 0 : i32
      %dma_wait3A_99 = tpu.memref_slice %arg11[%dma_wait3A_97, %dma_wait3A_98] : memref<128x128xf32, #tpu.memory_space<vmem>> -> memref<128x128xf32, #tpu.memory_space<vmem>>
      %dma_wait3A_100 = arith.constant 0 : i32
      %dma_wait3A_101 = tpu.memref_slice %arg13[%add3A_16, %dma_wait3A_100] : memref<10112x128xf32, #tpu.memory_space<vmem_shared>> -> memref<128x128xf32, #tpu.memory_space<vmem_shared>>
      %dma_wait3A_102 = arith.constant 0 : i32
      %dma_wait3A_103 = tpu.memref_slice %arg13[%add3A_16, %dma_wait3A_102] : memref<10112x128xf32, #tpu.memory_space<vmem_shared>> -> memref<128x128xf32, #tpu.memory_space<vmem_shared>>
      %dma_wait3A_104 = arith.constant 0 : i32
      %dma_wait3A_105 = arith.constant 0 : i32
      %dma_wait3A_106 = tpu.memref_slice %arg11[%dma_wait3A_104, %dma_wait3A_105] : memref<128x128xf32, #tpu.memory_space<vmem>> -> memref<128x128xf32, #tpu.memory_space<vmem>>
      tpu.wait_dma2 semaphore(%run_scoped3A : memref<!tpu.dma_semaphore, #tpu.memory_space<semaphore_mem>>) src(%dma_wait3A_106 : memref<128x128xf32, #tpu.memory_space<vmem>>) dst(%dma_wait3A_103 : memref<128x128xf32, #tpu.memory_space<vmem_shared>>)
      tpu.yield
    }) : () -> ()
    %mul3A_17 = arith.constant 632 : i32
    %mul3A_18 = arith.muli %arg1, %mul3A_17 : i32
    %add3A_19 = arith.constant 512 : i32
    %add3A_20 = arith.addi %mul3A_18, %add3A_19 : i32
    "tpu.region"() ({
      %run_scoped3A = tpu.sem_alloc : memref<!tpu.dma_semaphore, #tpu.memory_space<semaphore_mem>>
      %dma_start3A_87 = arith.constant 0 : i32
      %dma_start3A_88 = arith.constant 0 : i32
      %dma_start3A_89 = tpu.memref_slice %arg11[%dma_start3A_87, %dma_start3A_88] : memref<128x128xf32, #tpu.memory_space<vmem>> -> memref<120x128xf32, #tpu.memory_space<vmem>>
      %dma_start3A_90 = arith.constant 0 : i32
      %dma_start3A_91 = tpu.memref_slice %arg13[%add3A_20, %dma_start3A_90] : memref<10112x128xf32, #tpu.memory_space<vmem_shared>> -> memref<120x128xf32, #tpu.memory_space<vmem_shared>>
      %dma_start3A_92 = arith.constant 0 : i32
      %dma_start3A_93 = tpu.memref_slice %arg13[%add3A_20, %dma_start3A_92] : memref<10112x128xf32, #tpu.memory_space<vmem_shared>> -> memref<120x128xf32, #tpu.memory_space<vmem_shared>>
      %dma_start3A_94 = arith.constant 0 : i32
      %dma_start3A_95 = arith.constant 0 : i32
      %dma_start3A_96 = tpu.memref_slice %arg11[%dma_start3A_94, %dma_start3A_95] : memref<128x128xf32, #tpu.memory_space<vmem>> -> memref<120x128xf32, #tpu.memory_space<vmem>>
      tpu.enqueue_dma source(%dma_start3A_96 : memref<120x128xf32, #tpu.memory_space<vmem>>) target(%dma_start3A_93 : memref<120x128xf32, #tpu.memory_space<vmem_shared>>) target_semaphore(%run_scoped3A : memref<!tpu.dma_semaphore, #tpu.memory_space<semaphore_mem>>)
      %dma_wait3A_97 = arith.constant 0 : i32
      %dma_wait3A_98 = arith.constant 0 : i32
      %dma_wait3A_99 = tpu.memref_slice %arg11[%dma_wait3A_97, %dma_wait3A_98] : memref<128x128xf32, #tpu.memory_space<vmem>> -> memref<120x128xf32, #tpu.memory_space<vmem>>
      %dma_wait3A_100 = arith.constant 0 : i32
      %dma_wait3A_101 = tpu.memref_slice %arg13[%add3A_20, %dma_wait3A_100] : memref<10112x128xf32, #tpu.memory_space<vmem_shared>> -> memref<120x128xf32, #tpu.memory_space<vmem_shared>>
      %dma_wait3A_102 = arith.constant 0 : i32
      %dma_wait3A_103 = tpu.memref_slice %arg13[%add3A_20, %dma_wait3A_102] : memref<10112x128xf32, #tpu.memory_space<vmem_shared>> -> memref<120x128xf32, #tpu.memory_space<vmem_shared>>
      %dma_wait3A_104 = arith.constant 0 : i32
      %dma_wait3A_105 = arith.constant 0 : i32
      %dma_wait3A_106 = tpu.memref_slice %arg11[%dma_wait3A_104, %dma_wait3A_105] : memref<128x128xf32, #tpu.memory_space<vmem>> -> memref<120x128xf32, #tpu.memory_space<vmem>>
      tpu.wait_dma2 semaphore(%run_scoped3A : memref<!tpu.dma_semaphore, #tpu.memory_space<semaphore_mem>>) src(%dma_wait3A_106 : memref<120x128xf32, #tpu.memory_space<vmem>>) dst(%dma_wait3A_103 : memref<120x128xf32, #tpu.memory_space<vmem_shared>>)
      tpu.yield
    }) : () -> ()
    %barrier3A = arith.constant 0 : index
    tpu.barrier barrier_id(%barrier3A)
    %broadcast_in_dim3A = arith.constant 1.000000e+00 : f32
    %broadcast_in_dim3A_21 = vector.broadcast %broadcast_in_dim3A : f32 to vector<16xf32>
    %mul3A_22 = arith.constant 10240 : i32
    %mul3A_23 = arith.muli %add3A, %mul3A_22 : i32
    %add3A_24 = arith.constant 0 : i32
    %add3A_25 = arith.addi %mul3A_23, %add3A_24 : i32
    %multiple_of3A = tpu.assume_multiple %add3A_25, 128 : i32
    "tpu.region"() ({
      %run_scoped3A = tpu.sem_alloc : memref<!tpu.dma_semaphore, #tpu.memory_space<semaphore_mem>>
      %dma_start3A_87 = tpu.memref_slice %arg3[%multiple_of3A] : memref<327680xi32, #tpu.memory_space<hbm>> -> memref<128xi32, #tpu.memory_space<hbm>>
      %dma_start3A_88 = tpu.memref_slice %arg3[%multiple_of3A] : memref<327680xi32, #tpu.memory_space<hbm>> -> memref<128xi32, #tpu.memory_space<hbm>>
      tpu.enqueue_dma source(%dma_start3A_88 : memref<128xi32, #tpu.memory_space<hbm>>) target(%arg7 : memref<128xi32, #tpu.memory_space<vmem>>) target_semaphore(%run_scoped3A : memref<!tpu.dma_semaphore, #tpu.memory_space<semaphore_mem>>)
      %dma_wait3A_89 = tpu.memref_slice %arg3[%multiple_of3A] : memref<327680xi32, #tpu.memory_space<hbm>> -> memref<128xi32, #tpu.memory_space<hbm>>
      %dma_wait3A_90 = tpu.memref_slice %arg3[%multiple_of3A] : memref<327680xi32, #tpu.memory_space<hbm>> -> memref<128xi32, #tpu.memory_space<hbm>>
      tpu.wait_dma2 semaphore(%run_scoped3A : memref<!tpu.dma_semaphore, #tpu.memory_space<semaphore_mem>>) src(%dma_wait3A_90 : memref<128xi32, #tpu.memory_space<hbm>>) dst(%arg7 : memref<128xi32, #tpu.memory_space<vmem>>)
      tpu.yield
    }) : () -> ()
    "tpu.region"() ({
      %run_scoped3A = tpu.sem_alloc : memref<!tpu.dma_semaphore, #tpu.memory_space<semaphore_mem>>
      %dma_start3A_87 = tpu.memref_slice %arg4[%multiple_of3A] : memref<327680xi32, #tpu.memory_space<hbm>> -> memref<128xi32, #tpu.memory_space<hbm>>
      %dma_start3A_88 = tpu.memref_slice %arg4[%multiple_of3A] : memref<327680xi32, #tpu.memory_space<hbm>> -> memref<128xi32, #tpu.memory_space<hbm>>
      tpu.enqueue_dma source(%dma_start3A_88 : memref<128xi32, #tpu.memory_space<hbm>>) target(%arg9 : memref<128xi32, #tpu.memory_space<vmem>>) target_semaphore(%run_scoped3A : memref<!tpu.dma_semaphore, #tpu.memory_space<semaphore_mem>>)
      %dma_wait3A_89 = tpu.memref_slice %arg4[%multiple_of3A] : memref<327680xi32, #tpu.memory_space<hbm>> -> memref<128xi32, #tpu.memory_space<hbm>>
      %dma_wait3A_90 = tpu.memref_slice %arg4[%multiple_of3A] : memref<327680xi32, #tpu.memory_space<hbm>> -> memref<128xi32, #tpu.memory_space<hbm>>
      tpu.wait_dma2 semaphore(%run_scoped3A : memref<!tpu.dma_semaphore, #tpu.memory_space<semaphore_mem>>) src(%dma_wait3A_90 : memref<128xi32, #tpu.memory_space<hbm>>) dst(%arg9 : memref<128xi32, #tpu.memory_space<vmem>>)
      tpu.yield
    }) : () -> ()
    %dma_start3A = arith.constant 0 : i32
    %dma_start3A_26 = arith.constant 0 : i32
    %dma_start3A_27 = tpu.memref_slice %arg2[%dma_start3A, %dma_start3A_26] : memref<10112x128xf32, #tpu.memory_space<hbm>> -> memref<10112x128xf32, #tpu.memory_space<hbm>>
    tpu.enqueue_indirect_dma source(%dma_start3A_27 : memref<10112x128xf32, #tpu.memory_space<hbm>>) target(%arg11 : memref<128x128xf32, #tpu.memory_space<vmem>>) offsets(%arg7 : memref<128xi32, #tpu.memory_space<vmem>>) semaphore(%arg14 : memref<!tpu.dma_semaphore, #tpu.memory_space<semaphore_mem>>)
    %scan3A = arith.constant 0 : i32
    %scan3A_28 = arith.constant 0 : i32
    %scan3A_29 = arith.constant 39 : i32
    %scan3A_30 = arith.addi %scan3A_28, %scan3A_29 : i32
    %scan3A_31 = arith.constant 1 : i32
    scf.for %scan3A_87 = %scan3A_28 to %scan3A_30 step %scan3A_31  : i32 {
      %mul3A_88 = arith.constant 2 : i32
      %mul3A_89 = arith.muli %scan3A_87, %mul3A_88 : i32
      %add3A_90 = arith.constant 1 : i32
      %add3A_91 = arith.addi %mul3A_89, %add3A_90 : i32
      %mul3A_92 = arith.constant 10240 : i32
      %mul3A_93 = arith.muli %add3A, %mul3A_92 : i32
      %mul3A_94 = arith.constant 128 : i32
      %mul3A_95 = arith.muli %add3A_91, %mul3A_94 : i32
      %add3A_96 = arith.addi %mul3A_93, %mul3A_95 : i32
      %multiple_of3A_97 = tpu.assume_multiple %add3A_96, 128 : i32
      "tpu.region"() ({
        %run_scoped3A = tpu.sem_alloc : memref<!tpu.dma_semaphore, #tpu.memory_space<semaphore_mem>>
        %dma_start3A_118 = tpu.memref_slice %arg3[%multiple_of3A_97] : memref<327680xi32, #tpu.memory_space<hbm>> -> memref<128xi32, #tpu.memory_space<hbm>>
        %dma_start3A_119 = tpu.memref_slice %arg3[%multiple_of3A_97] : memref<327680xi32, #tpu.memory_space<hbm>> -> memref<128xi32, #tpu.memory_space<hbm>>
        tpu.enqueue_dma source(%dma_start3A_119 : memref<128xi32, #tpu.memory_space<hbm>>) target(%arg8 : memref<128xi32, #tpu.memory_space<vmem>>) target_semaphore(%run_scoped3A : memref<!tpu.dma_semaphore, #tpu.memory_space<semaphore_mem>>)
        %dma_wait3A_120 = tpu.memref_slice %arg3[%multiple_of3A_97] : memref<327680xi32, #tpu.memory_space<hbm>> -> memref<128xi32, #tpu.memory_space<hbm>>
        %dma_wait3A_121 = tpu.memref_slice %arg3[%multiple_of3A_97] : memref<327680xi32, #tpu.memory_space<hbm>> -> memref<128xi32, #tpu.memory_space<hbm>>
        tpu.wait_dma2 semaphore(%run_scoped3A : memref<!tpu.dma_semaphore, #tpu.memory_space<semaphore_mem>>) src(%dma_wait3A_121 : memref<128xi32, #tpu.memory_space<hbm>>) dst(%arg8 : memref<128xi32, #tpu.memory_space<vmem>>)
        tpu.yield
      }) : () -> ()
      "tpu.region"() ({
        %run_scoped3A = tpu.sem_alloc : memref<!tpu.dma_semaphore, #tpu.memory_space<semaphore_mem>>
        %dma_start3A_118 = tpu.memref_slice %arg4[%multiple_of3A_97] : memref<327680xi32, #tpu.memory_space<hbm>> -> memref<128xi32, #tpu.memory_space<hbm>>
        %dma_start3A_119 = tpu.memref_slice %arg4[%multiple_of3A_97] : memref<327680xi32, #tpu.memory_space<hbm>> -> memref<128xi32, #tpu.memory_space<hbm>>
        tpu.enqueue_dma source(%dma_start3A_119 : memref<128xi32, #tpu.memory_space<hbm>>) target(%arg10 : memref<128xi32, #tpu.memory_space<vmem>>) target_semaphore(%run_scoped3A : memref<!tpu.dma_semaphore, #tpu.memory_space<semaphore_mem>>)
        %dma_wait3A_120 = tpu.memref_slice %arg4[%multiple_of3A_97] : memref<327680xi32, #tpu.memory_space<hbm>> -> memref<128xi32, #tpu.memory_space<hbm>>
        %dma_wait3A_121 = tpu.memref_slice %arg4[%multiple_of3A_97] : memref<327680xi32, #tpu.memory_space<hbm>> -> memref<128xi32, #tpu.memory_space<hbm>>
        tpu.wait_dma2 semaphore(%run_scoped3A : memref<!tpu.dma_semaphore, #tpu.memory_space<semaphore_mem>>) src(%dma_wait3A_121 : memref<128xi32, #tpu.memory_space<hbm>>) dst(%arg10 : memref<128xi32, #tpu.memory_space<vmem>>)
        tpu.yield
      }) : () -> ()
      %dma_start3A_98 = arith.constant 0 : i32
      %dma_start3A_99 = arith.constant 0 : i32
      %dma_start3A_100 = tpu.memref_slice %arg2[%dma_start3A_98, %dma_start3A_99] : memref<10112x128xf32, #tpu.memory_space<hbm>> -> memref<10112x128xf32, #tpu.memory_space<hbm>>
      tpu.enqueue_indirect_dma source(%dma_start3A_100 : memref<10112x128xf32, #tpu.memory_space<hbm>>) target(%arg12 : memref<128x128xf32, #tpu.memory_space<vmem>>) offsets(%arg8 : memref<128xi32, #tpu.memory_space<vmem>>) semaphore(%arg15 : memref<!tpu.dma_semaphore, #tpu.memory_space<semaphore_mem>>)
      %dma_wait3A_101 = arith.constant 0 : i32
      %dma_wait3A_102 = arith.constant 0 : i32
      %dma_wait3A_103 = tpu.memref_slice %arg2[%dma_wait3A_101, %dma_wait3A_102] : memref<10112x128xf32, #tpu.memory_space<hbm>> -> memref<10112x128xf32, #tpu.memory_space<hbm>>
      tpu.wait_indirect_dma semaphore(%arg14 : memref<!tpu.dma_semaphore, #tpu.memory_space<semaphore_mem>>) src(%dma_wait3A_103 : memref<10112x128xf32, #tpu.memory_space<hbm>>) dst(%arg11 : memref<128x128xf32, #tpu.memory_space<vmem>>)
      "tpu.region"() ({
        %run_scoped3A = tpu.sem_alloc : memref<!tpu.dma_semaphore, #tpu.memory_space<semaphore_mem>>
        %dma_start3A_118 = arith.constant 0 : i32
        %dma_start3A_119 = arith.constant 0 : i32
        %dma_start3A_120 = tpu.memref_slice %arg13[%dma_start3A_118, %dma_start3A_119] : memref<10112x128xf32, #tpu.memory_space<vmem_shared>> -> memref<10112x128xf32, #tpu.memory_space<vmem_shared>>
        tpu.enqueue_indirect_dma source(%arg11 : memref<128x128xf32, #tpu.memory_space<vmem>>) target(%dma_start3A_120 : memref<10112x128xf32, #tpu.memory_space<vmem_shared>>) offsets(%arg9 : memref<128xi32, #tpu.memory_space<vmem>>) semaphore(%run_scoped3A : memref<!tpu.dma_semaphore, #tpu.memory_space<semaphore_mem>>) {add = true}
        %dma_wait3A_121 = arith.constant 0 : i32
        %dma_wait3A_122 = arith.constant 0 : i32
        %dma_wait3A_123 = tpu.memref_slice %arg13[%dma_wait3A_121, %dma_wait3A_122] : memref<10112x128xf32, #tpu.memory_space<vmem_shared>> -> memref<10112x128xf32, #tpu.memory_space<vmem_shared>>
        tpu.wait_indirect_dma semaphore(%run_scoped3A : memref<!tpu.dma_semaphore, #tpu.memory_space<semaphore_mem>>) src(%arg11 : memref<128x128xf32, #tpu.memory_space<vmem>>) dst(%dma_wait3A_123 : memref<10112x128xf32, #tpu.memory_space<vmem_shared>>)
        tpu.yield
      }) : () -> ()
      %add3A_104 = arith.constant 2 : i32
      %add3A_105 = arith.addi %mul3A_89, %add3A_104 : i32
      %mul3A_106 = arith.constant 10240 : i32
      %mul3A_107 = arith.muli %add3A, %mul3A_106 : i32
      %mul3A_108 = arith.constant 128 : i32
      %mul3A_109 = arith.muli %add3A_105, %mul3A_108 : i32
      %add3A_110 = arith.addi %mul3A_107, %mul3A_109 : i32
      %multiple_of3A_111 = tpu.assume_multiple %add3A_110, 128 : i32
      "tpu.region"() ({
        %run_scoped3A = tpu.sem_alloc : memref<!tpu.dma_semaphore, #tpu.memory_space<semaphore_mem>>
        %dma_start3A_118 = tpu.memref_slice %arg3[%multiple_of3A_111] : memref<327680xi32, #tpu.memory_space<hbm>> -> memref<128xi32, #tpu.memory_space<hbm>>
        %dma_start3A_119 = tpu.memref_slice %arg3[%multiple_of3A_111] : memref<327680xi32, #tpu.memory_space<hbm>> -> memref<128xi32, #tpu.memory_space<hbm>>
        tpu.enqueue_dma source(%dma_start3A_119 : memref<128xi32, #tpu.memory_space<hbm>>) target(%arg7 : memref<128xi32, #tpu.memory_space<vmem>>) target_semaphore(%run_scoped3A : memref<!tpu.dma_semaphore, #tpu.memory_space<semaphore_mem>>)
        %dma_wait3A_120 = tpu.memref_slice %arg3[%multiple_of3A_111] : memref<327680xi32, #tpu.memory_space<hbm>> -> memref<128xi32, #tpu.memory_space<hbm>>
        %dma_wait3A_121 = tpu.memref_slice %arg3[%multiple_of3A_111] : memref<327680xi32, #tpu.memory_space<hbm>> -> memref<128xi32, #tpu.memory_space<hbm>>
        tpu.wait_dma2 semaphore(%run_scoped3A : memref<!tpu.dma_semaphore, #tpu.memory_space<semaphore_mem>>) src(%dma_wait3A_121 : memref<128xi32, #tpu.memory_space<hbm>>) dst(%arg7 : memref<128xi32, #tpu.memory_space<vmem>>)
        tpu.yield
      }) : () -> ()
      "tpu.region"() ({
        %run_scoped3A = tpu.sem_alloc : memref<!tpu.dma_semaphore, #tpu.memory_space<semaphore_mem>>
        %dma_start3A_118 = tpu.memref_slice %arg4[%multiple_of3A_111] : memref<327680xi32, #tpu.memory_space<hbm>> -> memref<128xi32, #tpu.memory_space<hbm>>
        %dma_start3A_119 = tpu.memref_slice %arg4[%multiple_of3A_111] : memref<327680xi32, #tpu.memory_space<hbm>> -> memref<128xi32, #tpu.memory_space<hbm>>
        tpu.enqueue_dma source(%dma_start3A_119 : memref<128xi32, #tpu.memory_space<hbm>>) target(%arg9 : memref<128xi32, #tpu.memory_space<vmem>>) target_semaphore(%run_scoped3A : memref<!tpu.dma_semaphore, #tpu.memory_space<semaphore_mem>>)
        %dma_wait3A_120 = tpu.memref_slice %arg4[%multiple_of3A_111] : memref<327680xi32, #tpu.memory_space<hbm>> -> memref<128xi32, #tpu.memory_space<hbm>>
        %dma_wait3A_121 = tpu.memref_slice %arg4[%multiple_of3A_111] : memref<327680xi32, #tpu.memory_space<hbm>> -> memref<128xi32, #tpu.memory_space<hbm>>
        tpu.wait_dma2 semaphore(%run_scoped3A : memref<!tpu.dma_semaphore, #tpu.memory_space<semaphore_mem>>) src(%dma_wait3A_121 : memref<128xi32, #tpu.memory_space<hbm>>) dst(%arg9 : memref<128xi32, #tpu.memory_space<vmem>>)
        tpu.yield
      }) : () -> ()
      %dma_start3A_112 = arith.constant 0 : i32
      %dma_start3A_113 = arith.constant 0 : i32
      %dma_start3A_114 = tpu.memref_slice %arg2[%dma_start3A_112, %dma_start3A_113] : memref<10112x128xf32, #tpu.memory_space<hbm>> -> memref<10112x128xf32, #tpu.memory_space<hbm>>
      tpu.enqueue_indirect_dma source(%dma_start3A_114 : memref<10112x128xf32, #tpu.memory_space<hbm>>) target(%arg11 : memref<128x128xf32, #tpu.memory_space<vmem>>) offsets(%arg7 : memref<128xi32, #tpu.memory_space<vmem>>) semaphore(%arg14 : memref<!tpu.dma_semaphore, #tpu.memory_space<semaphore_mem>>)
      %dma_wait3A_115 = arith.constant 0 : i32
      %dma_wait3A_116 = arith.constant 0 : i32
      %dma_wait3A_117 = tpu.memref_slice %arg2[%dma_wait3A_115, %dma_wait3A_116] : memref<10112x128xf32, #tpu.memory_space<hbm>> -> memref<10112x128xf32, #tpu.memory_space<hbm>>
      tpu.wait_indirect_dma semaphore(%arg15 : memref<!tpu.dma_semaphore, #tpu.memory_space<semaphore_mem>>) src(%dma_wait3A_117 : memref<10112x128xf32, #tpu.memory_space<hbm>>) dst(%arg12 : memref<128x128xf32, #tpu.memory_space<vmem>>)
      "tpu.region"() ({
        %run_scoped3A = tpu.sem_alloc : memref<!tpu.dma_semaphore, #tpu.memory_space<semaphore_mem>>
        %dma_start3A_118 = arith.constant 0 : i32
        %dma_start3A_119 = arith.constant 0 : i32
        %dma_start3A_120 = tpu.memref_slice %arg13[%dma_start3A_118, %dma_start3A_119] : memref<10112x128xf32, #tpu.memory_space<vmem_shared>> -> memref<10112x128xf32, #tpu.memory_space<vmem_shared>>
        tpu.enqueue_indirect_dma source(%arg12 : memref<128x128xf32, #tpu.memory_space<vmem>>) target(%dma_start3A_120 : memref<10112x128xf32, #tpu.memory_space<vmem_shared>>) offsets(%arg10 : memref<128xi32, #tpu.memory_space<vmem>>) semaphore(%run_scoped3A : memref<!tpu.dma_semaphore, #tpu.memory_space<semaphore_mem>>) {add = true}
        %dma_wait3A_121 = arith.constant 0 : i32
        %dma_wait3A_122 = arith.constant 0 : i32
        %dma_wait3A_123 = tpu.memref_slice %arg13[%dma_wait3A_121, %dma_wait3A_122] : memref<10112x128xf32, #tpu.memory_space<vmem_shared>> -> memref<10112x128xf32, #tpu.memory_space<vmem_shared>>
        tpu.wait_indirect_dma semaphore(%run_scoped3A : memref<!tpu.dma_semaphore, #tpu.memory_space<semaphore_mem>>) src(%arg12 : memref<128x128xf32, #tpu.memory_space<vmem>>) dst(%dma_wait3A_123 : memref<10112x128xf32, #tpu.memory_space<vmem_shared>>)
        tpu.yield
      }) : () -> ()
    }
    %scan3A_32 = arith.constant 39 : i32
    %mul3A_33 = arith.constant 10240 : i32
    %mul3A_34 = arith.muli %add3A, %mul3A_33 : i32
    %add3A_35 = arith.constant 10112 : i32
    %add3A_36 = arith.addi %mul3A_34, %add3A_35 : i32
    %multiple_of3A_37 = tpu.assume_multiple %add3A_36, 128 : i32
    "tpu.region"() ({
      %run_scoped3A = tpu.sem_alloc : memref<!tpu.dma_semaphore, #tpu.memory_space<semaphore_mem>>
      %dma_start3A_87 = tpu.memref_slice %arg3[%multiple_of3A_37] : memref<327680xi32, #tpu.memory_space<hbm>> -> memref<128xi32, #tpu.memory_space<hbm>>
      %dma_start3A_88 = tpu.memref_slice %arg3[%multiple_of3A_37] : memref<327680xi32, #tpu.memory_space<hbm>> -> memref<128xi32, #tpu.memory_space<hbm>>
      tpu.enqueue_dma source(%dma_start3A_88 : memref<128xi32, #tpu.memory_space<hbm>>) target(%arg8 : memref<128xi32, #tpu.memory_space<vmem>>) target_semaphore(%run_scoped3A : memref<!tpu.dma_semaphore, #tpu.memory_space<semaphore_mem>>)
      %dma_wait3A_89 = tpu.memref_slice %arg3[%multiple_of3A_37] : memref<327680xi32, #tpu.memory_space<hbm>> -> memref<128xi32, #tpu.memory_space<hbm>>
      %dma_wait3A_90 = tpu.memref_slice %arg3[%multiple_of3A_37] : memref<327680xi32, #tpu.memory_space<hbm>> -> memref<128xi32, #tpu.memory_space<hbm>>
      tpu.wait_dma2 semaphore(%run_scoped3A : memref<!tpu.dma_semaphore, #tpu.memory_space<semaphore_mem>>) src(%dma_wait3A_90 : memref<128xi32, #tpu.memory_space<hbm>>) dst(%arg8 : memref<128xi32, #tpu.memory_space<vmem>>)
      tpu.yield
    }) : () -> ()
    "tpu.region"() ({
      %run_scoped3A = tpu.sem_alloc : memref<!tpu.dma_semaphore, #tpu.memory_space<semaphore_mem>>
      %dma_start3A_87 = tpu.memref_slice %arg4[%multiple_of3A_37] : memref<327680xi32, #tpu.memory_space<hbm>> -> memref<128xi32, #tpu.memory_space<hbm>>
      %dma_start3A_88 = tpu.memref_slice %arg4[%multiple_of3A_37] : memref<327680xi32, #tpu.memory_space<hbm>> -> memref<128xi32, #tpu.memory_space<hbm>>
      tpu.enqueue_dma source(%dma_start3A_88 : memref<128xi32, #tpu.memory_space<hbm>>) target(%arg10 : memref<128xi32, #tpu.memory_space<vmem>>) target_semaphore(%run_scoped3A : memref<!tpu.dma_semaphore, #tpu.memory_space<semaphore_mem>>)
      %dma_wait3A_89 = tpu.memref_slice %arg4[%multiple_of3A_37] : memref<327680xi32, #tpu.memory_space<hbm>> -> memref<128xi32, #tpu.memory_space<hbm>>
      %dma_wait3A_90 = tpu.memref_slice %arg4[%multiple_of3A_37] : memref<327680xi32, #tpu.memory_space<hbm>> -> memref<128xi32, #tpu.memory_space<hbm>>
      tpu.wait_dma2 semaphore(%run_scoped3A : memref<!tpu.dma_semaphore, #tpu.memory_space<semaphore_mem>>) src(%dma_wait3A_90 : memref<128xi32, #tpu.memory_space<hbm>>) dst(%arg10 : memref<128xi32, #tpu.memory_space<vmem>>)
      tpu.yield
    }) : () -> ()
    %dma_start3A_38 = arith.constant 0 : i32
    %dma_start3A_39 = arith.constant 0 : i32
    %dma_start3A_40 = tpu.memref_slice %arg2[%dma_start3A_38, %dma_start3A_39] : memref<10112x128xf32, #tpu.memory_space<hbm>> -> memref<10112x128xf32, #tpu.memory_space<hbm>>
    tpu.enqueue_indirect_dma source(%dma_start3A_40 : memref<10112x128xf32, #tpu.memory_space<hbm>>) target(%arg12 : memref<128x128xf32, #tpu.memory_space<vmem>>) offsets(%arg8 : memref<128xi32, #tpu.memory_space<vmem>>) semaphore(%arg15 : memref<!tpu.dma_semaphore, #tpu.memory_space<semaphore_mem>>)
    %dma_wait3A = arith.constant 0 : i32
    %dma_wait3A_41 = arith.constant 0 : i32
    %dma_wait3A_42 = tpu.memref_slice %arg2[%dma_wait3A, %dma_wait3A_41] : memref<10112x128xf32, #tpu.memory_space<hbm>> -> memref<10112x128xf32, #tpu.memory_space<hbm>>
    tpu.wait_indirect_dma semaphore(%arg14 : memref<!tpu.dma_semaphore, #tpu.memory_space<semaphore_mem>>) src(%dma_wait3A_42 : memref<10112x128xf32, #tpu.memory_space<hbm>>) dst(%arg11 : memref<128x128xf32, #tpu.memory_space<vmem>>)
    "tpu.region"() ({
      %run_scoped3A = tpu.sem_alloc : memref<!tpu.dma_semaphore, #tpu.memory_space<semaphore_mem>>
      %dma_start3A_87 = arith.constant 0 : i32
      %dma_start3A_88 = arith.constant 0 : i32
      %dma_start3A_89 = tpu.memref_slice %arg13[%dma_start3A_87, %dma_start3A_88] : memref<10112x128xf32, #tpu.memory_space<vmem_shared>> -> memref<10112x128xf32, #tpu.memory_space<vmem_shared>>
      tpu.enqueue_indirect_dma source(%arg11 : memref<128x128xf32, #tpu.memory_space<vmem>>) target(%dma_start3A_89 : memref<10112x128xf32, #tpu.memory_space<vmem_shared>>) offsets(%arg9 : memref<128xi32, #tpu.memory_space<vmem>>) semaphore(%run_scoped3A : memref<!tpu.dma_semaphore, #tpu.memory_space<semaphore_mem>>) {add = true}
      %dma_wait3A_90 = arith.constant 0 : i32
      %dma_wait3A_91 = arith.constant 0 : i32
      %dma_wait3A_92 = tpu.memref_slice %arg13[%dma_wait3A_90, %dma_wait3A_91] : memref<10112x128xf32, #tpu.memory_space<vmem_shared>> -> memref<10112x128xf32, #tpu.memory_space<vmem_shared>>
      tpu.wait_indirect_dma semaphore(%run_scoped3A : memref<!tpu.dma_semaphore, #tpu.memory_space<semaphore_mem>>) src(%arg11 : memref<128x128xf32, #tpu.memory_space<vmem>>) dst(%dma_wait3A_92 : memref<10112x128xf32, #tpu.memory_space<vmem_shared>>)
      tpu.yield
    }) : () -> ()
    %dma_wait3A_43 = arith.constant 0 : i32
    %dma_wait3A_44 = arith.constant 0 : i32
    %dma_wait3A_45 = tpu.memref_slice %arg2[%dma_wait3A_43, %dma_wait3A_44] : memref<10112x128xf32, #tpu.memory_space<hbm>> -> memref<10112x128xf32, #tpu.memory_space<hbm>>
    tpu.wait_indirect_dma semaphore(%arg15 : memref<!tpu.dma_semaphore, #tpu.memory_space<semaphore_mem>>) src(%dma_wait3A_45 : memref<10112x128xf32, #tpu.memory_space<hbm>>) dst(%arg12 : memref<128x128xf32, #tpu.memory_space<vmem>>)
    "tpu.region"() ({
      %run_scoped3A = tpu.sem_alloc : memref<!tpu.dma_semaphore, #tpu.memory_space<semaphore_mem>>
      %dma_start3A_87 = arith.constant 0 : i32
      %dma_start3A_88 = arith.constant 0 : i32
      %dma_start3A_89 = tpu.memref_slice %arg13[%dma_start3A_87, %dma_start3A_88] : memref<10112x128xf32, #tpu.memory_space<vmem_shared>> -> memref<10112x128xf32, #tpu.memory_space<vmem_shared>>
      tpu.enqueue_indirect_dma source(%arg12 : memref<128x128xf32, #tpu.memory_space<vmem>>) target(%dma_start3A_89 : memref<10112x128xf32, #tpu.memory_space<vmem_shared>>) offsets(%arg10 : memref<128xi32, #tpu.memory_space<vmem>>) semaphore(%run_scoped3A : memref<!tpu.dma_semaphore, #tpu.memory_space<semaphore_mem>>) {add = true}
      %dma_wait3A_90 = arith.constant 0 : i32
      %dma_wait3A_91 = arith.constant 0 : i32
      %dma_wait3A_92 = tpu.memref_slice %arg13[%dma_wait3A_90, %dma_wait3A_91] : memref<10112x128xf32, #tpu.memory_space<vmem_shared>> -> memref<10112x128xf32, #tpu.memory_space<vmem_shared>>
      tpu.wait_indirect_dma semaphore(%run_scoped3A : memref<!tpu.dma_semaphore, #tpu.memory_space<semaphore_mem>>) src(%arg12 : memref<128x128xf32, #tpu.memory_space<vmem>>) dst(%dma_wait3A_92 : memref<10112x128xf32, #tpu.memory_space<vmem_shared>>)
      tpu.yield
    }) : () -> ()
    %barrier3A_46 = arith.constant 0 : index
    tpu.barrier barrier_id(%barrier3A_46)
    %mul3A_47 = arith.constant 632 : i32
    %mul3A_48 = arith.muli %arg1, %mul3A_47 : i32
    %add3A_49 = arith.constant 0 : i32
    %add3A_50 = arith.addi %mul3A_48, %add3A_49 : i32
    "tpu.region"() ({
      %run_scoped3A = tpu.sem_alloc : memref<!tpu.dma_semaphore, #tpu.memory_space<semaphore_mem>>
      %dma_start3A_87 = arith.constant 0 : i32
      %dma_start3A_88 = arith.constant 0 : i32
      %dma_start3A_89 = tpu.memref_slice %arg11[%dma_start3A_87, %dma_start3A_88] : memref<128x128xf32, #tpu.memory_space<vmem>> -> memref<128x128xf32, #tpu.memory_space<vmem>>
      %dma_start3A_90 = arith.constant 0 : i32
      %dma_start3A_91 = tpu.memref_slice %arg13[%add3A_50, %dma_start3A_90] : memref<10112x128xf32, #tpu.memory_space<vmem_shared>> -> memref<128x128xf32, #tpu.memory_space<vmem_shared>>
      %dma_start3A_92 = arith.constant 0 : i32
      %dma_start3A_93 = arith.constant 0 : i32
      %dma_start3A_94 = tpu.memref_slice %arg11[%dma_start3A_92, %dma_start3A_93] : memref<128x128xf32, #tpu.memory_space<vmem>> -> memref<128x128xf32, #tpu.memory_space<vmem>>
      %dma_start3A_95 = arith.constant 0 : i32
      %dma_start3A_96 = tpu.memref_slice %arg13[%add3A_50, %dma_start3A_95] : memref<10112x128xf32, #tpu.memory_space<vmem_shared>> -> memref<128x128xf32, #tpu.memory_space<vmem_shared>>
      tpu.enqueue_dma source(%dma_start3A_96 : memref<128x128xf32, #tpu.memory_space<vmem_shared>>) target(%dma_start3A_94 : memref<128x128xf32, #tpu.memory_space<vmem>>) target_semaphore(%run_scoped3A : memref<!tpu.dma_semaphore, #tpu.memory_space<semaphore_mem>>)
      %dma_wait3A_97 = arith.constant 0 : i32
      %dma_wait3A_98 = arith.constant 0 : i32
      %dma_wait3A_99 = tpu.memref_slice %arg11[%dma_wait3A_97, %dma_wait3A_98] : memref<128x128xf32, #tpu.memory_space<vmem>> -> memref<128x128xf32, #tpu.memory_space<vmem>>
      %dma_wait3A_100 = arith.constant 0 : i32
      %dma_wait3A_101 = tpu.memref_slice %arg13[%add3A_50, %dma_wait3A_100] : memref<10112x128xf32, #tpu.memory_space<vmem_shared>> -> memref<128x128xf32, #tpu.memory_space<vmem_shared>>
      %dma_wait3A_102 = arith.constant 0 : i32
      %dma_wait3A_103 = arith.constant 0 : i32
      %dma_wait3A_104 = tpu.memref_slice %arg11[%dma_wait3A_102, %dma_wait3A_103] : memref<128x128xf32, #tpu.memory_space<vmem>> -> memref<128x128xf32, #tpu.memory_space<vmem>>
      %dma_wait3A_105 = arith.constant 0 : i32
      %dma_wait3A_106 = tpu.memref_slice %arg13[%add3A_50, %dma_wait3A_105] : memref<10112x128xf32, #tpu.memory_space<vmem_shared>> -> memref<128x128xf32, #tpu.memory_space<vmem_shared>>
      tpu.wait_dma2 semaphore(%run_scoped3A : memref<!tpu.dma_semaphore, #tpu.memory_space<semaphore_mem>>) src(%dma_wait3A_106 : memref<128x128xf32, #tpu.memory_space<vmem_shared>>) dst(%dma_wait3A_104 : memref<128x128xf32, #tpu.memory_space<vmem>>)
      tpu.yield
    }) : () -> ()
    %mul3A_51 = arith.constant 632 : i32
    %mul3A_52 = arith.muli %arg1, %mul3A_51 : i32
    %add3A_53 = arith.constant 0 : i32
    %add3A_54 = arith.addi %mul3A_52, %add3A_53 : i32
    "tpu.region"() ({
      %run_scoped3A = tpu.sem_alloc : memref<!tpu.dma_semaphore, #tpu.memory_space<semaphore_mem>>
      %dma_start3A_87 = arith.constant 0 : i32
      %dma_start3A_88 = arith.constant 0 : i32
      %dma_start3A_89 = tpu.memref_slice %arg11[%dma_start3A_87, %dma_start3A_88] : memref<128x128xf32, #tpu.memory_space<vmem>> -> memref<128x128xf32, #tpu.memory_space<vmem>>
      %dma_start3A_90 = arith.constant 0 : i32
      %dma_start3A_91 = tpu.memref_slice %arg6[%arg0, %add3A_54, %dma_start3A_90] : memref<2x10112x128xf32, #tpu.memory_space<hbm>> -> memref<1x128x128xf32, #tpu.memory_space<hbm>>
      %dma_start3A_92 = tpu.memref_squeeze %dma_start3A_91 : memref<1x128x128xf32, #tpu.memory_space<hbm>> -> memref<128x128xf32, #tpu.memory_space<hbm>>
      %dma_start3A_93 = arith.constant 0 : i32
      %dma_start3A_94 = tpu.memref_slice %arg6[%arg0, %add3A_54, %dma_start3A_93] : memref<2x10112x128xf32, #tpu.memory_space<hbm>> -> memref<1x128x128xf32, #tpu.memory_space<hbm>>
      %dma_start3A_95 = tpu.memref_squeeze %dma_start3A_94 : memref<1x128x128xf32, #tpu.memory_space<hbm>> -> memref<128x128xf32, #tpu.memory_space<hbm>>
      %dma_start3A_96 = arith.constant 0 : i32
      %dma_start3A_97 = arith.constant 0 : i32
      %dma_start3A_98 = tpu.memref_slice %arg11[%dma_start3A_96, %dma_start3A_97] : memref<128x128xf32, #tpu.memory_space<vmem>> -> memref<128x128xf32, #tpu.memory_space<vmem>>
      tpu.enqueue_dma source(%dma_start3A_98 : memref<128x128xf32, #tpu.memory_space<vmem>>) target(%dma_start3A_95 : memref<128x128xf32, #tpu.memory_space<hbm>>) target_semaphore(%run_scoped3A : memref<!tpu.dma_semaphore, #tpu.memory_space<semaphore_mem>>)
      %dma_wait3A_99 = arith.constant 0 : i32
      %dma_wait3A_100 = arith.constant 0 : i32
      %dma_wait3A_101 = tpu.memref_slice %arg11[%dma_wait3A_99, %dma_wait3A_100] : memref<128x128xf32, #tpu.memory_space<vmem>> -> memref<128x128xf32, #tpu.memory_space<vmem>>
      %dma_wait3A_102 = arith.constant 0 : i32
      %dma_wait3A_103 = tpu.memref_slice %arg6[%arg0, %add3A_54, %dma_wait3A_102] : memref<2x10112x128xf32, #tpu.memory_space<hbm>> -> memref<1x128x128xf32, #tpu.memory_space<hbm>>
      %dma_wait3A_104 = tpu.memref_squeeze %dma_wait3A_103 : memref<1x128x128xf32, #tpu.memory_space<hbm>> -> memref<128x128xf32, #tpu.memory_space<hbm>>
      %dma_wait3A_105 = arith.constant 0 : i32
      %dma_wait3A_106 = tpu.memref_slice %arg6[%arg0, %add3A_54, %dma_wait3A_105] : memref<2x10112x128xf32, #tpu.memory_space<hbm>> -> memref<1x128x128xf32, #tpu.memory_space<hbm>>
      %dma_wait3A_107 = tpu.memref_squeeze %dma_wait3A_106 : memref<1x128x128xf32, #tpu.memory_space<hbm>> -> memref<128x128xf32, #tpu.memory_space<hbm>>
      %dma_wait3A_108 = arith.constant 0 : i32
      %dma_wait3A_109 = arith.constant 0 : i32
      %dma_wait3A_110 = tpu.memref_slice %arg11[%dma_wait3A_108, %dma_wait3A_109] : memref<128x128xf32, #tpu.memory_space<vmem>> -> memref<128x128xf32, #tpu.memory_space<vmem>>
      tpu.wait_dma2 semaphore(%run_scoped3A : memref<!tpu.dma_semaphore, #tpu.memory_space<semaphore_mem>>) src(%dma_wait3A_110 : memref<128x128xf32, #tpu.memory_space<vmem>>) dst(%dma_wait3A_107 : memref<128x128xf32, #tpu.memory_space<hbm>>)
      tpu.yield
    }) : () -> ()
    %mul3A_55 = arith.constant 632 : i32
    %mul3A_56 = arith.muli %arg1, %mul3A_55 : i32
    %add3A_57 = arith.constant 128 : i32
    %add3A_58 = arith.addi %mul3A_56, %add3A_57 : i32
    "tpu.region"() ({
      %run_scoped3A = tpu.sem_alloc : memref<!tpu.dma_semaphore, #tpu.memory_space<semaphore_mem>>
      %dma_start3A_87 = arith.constant 0 : i32
      %dma_start3A_88 = arith.constant 0 : i32
      %dma_start3A_89 = tpu.memref_slice %arg11[%dma_start3A_87, %dma_start3A_88] : memref<128x128xf32, #tpu.memory_space<vmem>> -> memref<128x128xf32, #tpu.memory_space<vmem>>
      %dma_start3A_90 = arith.constant 0 : i32
      %dma_start3A_91 = tpu.memref_slice %arg13[%add3A_58, %dma_start3A_90] : memref<10112x128xf32, #tpu.memory_space<vmem_shared>> -> memref<128x128xf32, #tpu.memory_space<vmem_shared>>
      %dma_start3A_92 = arith.constant 0 : i32
      %dma_start3A_93 = arith.constant 0 : i32
      %dma_start3A_94 = tpu.memref_slice %arg11[%dma_start3A_92, %dma_start3A_93] : memref<128x128xf32, #tpu.memory_space<vmem>> -> memref<128x128xf32, #tpu.memory_space<vmem>>
      %dma_start3A_95 = arith.constant 0 : i32
      %dma_start3A_96 = tpu.memref_slice %arg13[%add3A_58, %dma_start3A_95] : memref<10112x128xf32, #tpu.memory_space<vmem_shared>> -> memref<128x128xf32, #tpu.memory_space<vmem_shared>>
      tpu.enqueue_dma source(%dma_start3A_96 : memref<128x128xf32, #tpu.memory_space<vmem_shared>>) target(%dma_start3A_94 : memref<128x128xf32, #tpu.memory_space<vmem>>) target_semaphore(%run_scoped3A : memref<!tpu.dma_semaphore, #tpu.memory_space<semaphore_mem>>)
      %dma_wait3A_97 = arith.constant 0 : i32
      %dma_wait3A_98 = arith.constant 0 : i32
      %dma_wait3A_99 = tpu.memref_slice %arg11[%dma_wait3A_97, %dma_wait3A_98] : memref<128x128xf32, #tpu.memory_space<vmem>> -> memref<128x128xf32, #tpu.memory_space<vmem>>
      %dma_wait3A_100 = arith.constant 0 : i32
      %dma_wait3A_101 = tpu.memref_slice %arg13[%add3A_58, %dma_wait3A_100] : memref<10112x128xf32, #tpu.memory_space<vmem_shared>> -> memref<128x128xf32, #tpu.memory_space<vmem_shared>>
      %dma_wait3A_102 = arith.constant 0 : i32
      %dma_wait3A_103 = arith.constant 0 : i32
      %dma_wait3A_104 = tpu.memref_slice %arg11[%dma_wait3A_102, %dma_wait3A_103] : memref<128x128xf32, #tpu.memory_space<vmem>> -> memref<128x128xf32, #tpu.memory_space<vmem>>
      %dma_wait3A_105 = arith.constant 0 : i32
      %dma_wait3A_106 = tpu.memref_slice %arg13[%add3A_58, %dma_wait3A_105] : memref<10112x128xf32, #tpu.memory_space<vmem_shared>> -> memref<128x128xf32, #tpu.memory_space<vmem_shared>>
      tpu.wait_dma2 semaphore(%run_scoped3A : memref<!tpu.dma_semaphore, #tpu.memory_space<semaphore_mem>>) src(%dma_wait3A_106 : memref<128x128xf32, #tpu.memory_space<vmem_shared>>) dst(%dma_wait3A_104 : memref<128x128xf32, #tpu.memory_space<vmem>>)
      tpu.yield
    }) : () -> ()
    %mul3A_59 = arith.constant 632 : i32
    %mul3A_60 = arith.muli %arg1, %mul3A_59 : i32
    %add3A_61 = arith.constant 128 : i32
    %add3A_62 = arith.addi %mul3A_60, %add3A_61 : i32
    "tpu.region"() ({
      %run_scoped3A = tpu.sem_alloc : memref<!tpu.dma_semaphore, #tpu.memory_space<semaphore_mem>>
      %dma_start3A_87 = arith.constant 0 : i32
      %dma_start3A_88 = arith.constant 0 : i32
      %dma_start3A_89 = tpu.memref_slice %arg11[%dma_start3A_87, %dma_start3A_88] : memref<128x128xf32, #tpu.memory_space<vmem>> -> memref<128x128xf32, #tpu.memory_space<vmem>>
      %dma_start3A_90 = arith.constant 0 : i32
      %dma_start3A_91 = tpu.memref_slice %arg6[%arg0, %add3A_62, %dma_start3A_90] : memref<2x10112x128xf32, #tpu.memory_space<hbm>> -> memref<1x128x128xf32, #tpu.memory_space<hbm>>
      %dma_start3A_92 = tpu.memref_squeeze %dma_start3A_91 : memref<1x128x128xf32, #tpu.memory_space<hbm>> -> memref<128x128xf32, #tpu.memory_space<hbm>>
      %dma_start3A_93 = arith.constant 0 : i32
      %dma_start3A_94 = tpu.memref_slice %arg6[%arg0, %add3A_62, %dma_start3A_93] : memref<2x10112x128xf32, #tpu.memory_space<hbm>> -> memref<1x128x128xf32, #tpu.memory_space<hbm>>
      %dma_start3A_95 = tpu.memref_squeeze %dma_start3A_94 : memref<1x128x128xf32, #tpu.memory_space<hbm>> -> memref<128x128xf32, #tpu.memory_space<hbm>>
      %dma_start3A_96 = arith.constant 0 : i32
      %dma_start3A_97 = arith.constant 0 : i32
      %dma_start3A_98 = tpu.memref_slice %arg11[%dma_start3A_96, %dma_start3A_97] : memref<128x128xf32, #tpu.memory_space<vmem>> -> memref<128x128xf32, #tpu.memory_space<vmem>>
      tpu.enqueue_dma source(%dma_start3A_98 : memref<128x128xf32, #tpu.memory_space<vmem>>) target(%dma_start3A_95 : memref<128x128xf32, #tpu.memory_space<hbm>>) target_semaphore(%run_scoped3A : memref<!tpu.dma_semaphore, #tpu.memory_space<semaphore_mem>>)
      %dma_wait3A_99 = arith.constant 0 : i32
      %dma_wait3A_100 = arith.constant 0 : i32
      %dma_wait3A_101 = tpu.memref_slice %arg11[%dma_wait3A_99, %dma_wait3A_100] : memref<128x128xf32, #tpu.memory_space<vmem>> -> memref<128x128xf32, #tpu.memory_space<vmem>>
      %dma_wait3A_102 = arith.constant 0 : i32
      %dma_wait3A_103 = tpu.memref_slice %arg6[%arg0, %add3A_62, %dma_wait3A_102] : memref<2x10112x128xf32, #tpu.memory_space<hbm>> -> memref<1x128x128xf32, #tpu.memory_space<hbm>>
      %dma_wait3A_104 = tpu.memref_squeeze %dma_wait3A_103 : memref<1x128x128xf32, #tpu.memory_space<hbm>> -> memref<128x128xf32, #tpu.memory_space<hbm>>
      %dma_wait3A_105 = arith.constant 0 : i32
      %dma_wait3A_106 = tpu.memref_slice %arg6[%arg0, %add3A_62, %dma_wait3A_105] : memref<2x10112x128xf32, #tpu.memory_space<hbm>> -> memref<1x128x128xf32, #tpu.memory_space<hbm>>
      %dma_wait3A_107 = tpu.memref_squeeze %dma_wait3A_106 : memref<1x128x128xf32, #tpu.memory_space<hbm>> -> memref<128x128xf32, #tpu.memory_space<hbm>>
      %dma_wait3A_108 = arith.constant 0 : i32
      %dma_wait3A_109 = arith.constant 0 : i32
      %dma_wait3A_110 = tpu.memref_slice %arg11[%dma_wait3A_108, %dma_wait3A_109] : memref<128x128xf32, #tpu.memory_space<vmem>> -> memref<128x128xf32, #tpu.memory_space<vmem>>
      tpu.wait_dma2 semaphore(%run_scoped3A : memref<!tpu.dma_semaphore, #tpu.memory_space<semaphore_mem>>) src(%dma_wait3A_110 : memref<128x128xf32, #tpu.memory_space<vmem>>) dst(%dma_wait3A_107 : memref<128x128xf32, #tpu.memory_space<hbm>>)
      tpu.yield
    }) : () -> ()
    %mul3A_63 = arith.constant 632 : i32
    %mul3A_64 = arith.muli %arg1, %mul3A_63 : i32
    %add3A_65 = arith.constant 256 : i32
    %add3A_66 = arith.addi %mul3A_64, %add3A_65 : i32
    "tpu.region"() ({
      %run_scoped3A = tpu.sem_alloc : memref<!tpu.dma_semaphore, #tpu.memory_space<semaphore_mem>>
      %dma_start3A_87 = arith.constant 0 : i32
      %dma_start3A_88 = arith.constant 0 : i32
      %dma_start3A_89 = tpu.memref_slice %arg11[%dma_start3A_87, %dma_start3A_88] : memref<128x128xf32, #tpu.memory_space<vmem>> -> memref<128x128xf32, #tpu.memory_space<vmem>>
      %dma_start3A_90 = arith.constant 0 : i32
      %dma_start3A_91 = tpu.memref_slice %arg13[%add3A_66, %dma_start3A_90] : memref<10112x128xf32, #tpu.memory_space<vmem_shared>> -> memref<128x128xf32, #tpu.memory_space<vmem_shared>>
      %dma_start3A_92 = arith.constant 0 : i32
      %dma_start3A_93 = arith.constant 0 : i32
      %dma_start3A_94 = tpu.memref_slice %arg11[%dma_start3A_92, %dma_start3A_93] : memref<128x128xf32, #tpu.memory_space<vmem>> -> memref<128x128xf32, #tpu.memory_space<vmem>>
      %dma_start3A_95 = arith.constant 0 : i32
      %dma_start3A_96 = tpu.memref_slice %arg13[%add3A_66, %dma_start3A_95] : memref<10112x128xf32, #tpu.memory_space<vmem_shared>> -> memref<128x128xf32, #tpu.memory_space<vmem_shared>>
      tpu.enqueue_dma source(%dma_start3A_96 : memref<128x128xf32, #tpu.memory_space<vmem_shared>>) target(%dma_start3A_94 : memref<128x128xf32, #tpu.memory_space<vmem>>) target_semaphore(%run_scoped3A : memref<!tpu.dma_semaphore, #tpu.memory_space<semaphore_mem>>)
      %dma_wait3A_97 = arith.constant 0 : i32
      %dma_wait3A_98 = arith.constant 0 : i32
      %dma_wait3A_99 = tpu.memref_slice %arg11[%dma_wait3A_97, %dma_wait3A_98] : memref<128x128xf32, #tpu.memory_space<vmem>> -> memref<128x128xf32, #tpu.memory_space<vmem>>
      %dma_wait3A_100 = arith.constant 0 : i32
      %dma_wait3A_101 = tpu.memref_slice %arg13[%add3A_66, %dma_wait3A_100] : memref<10112x128xf32, #tpu.memory_space<vmem_shared>> -> memref<128x128xf32, #tpu.memory_space<vmem_shared>>
      %dma_wait3A_102 = arith.constant 0 : i32
      %dma_wait3A_103 = arith.constant 0 : i32
      %dma_wait3A_104 = tpu.memref_slice %arg11[%dma_wait3A_102, %dma_wait3A_103] : memref<128x128xf32, #tpu.memory_space<vmem>> -> memref<128x128xf32, #tpu.memory_space<vmem>>
      %dma_wait3A_105 = arith.constant 0 : i32
      %dma_wait3A_106 = tpu.memref_slice %arg13[%add3A_66, %dma_wait3A_105] : memref<10112x128xf32, #tpu.memory_space<vmem_shared>> -> memref<128x128xf32, #tpu.memory_space<vmem_shared>>
      tpu.wait_dma2 semaphore(%run_scoped3A : memref<!tpu.dma_semaphore, #tpu.memory_space<semaphore_mem>>) src(%dma_wait3A_106 : memref<128x128xf32, #tpu.memory_space<vmem_shared>>) dst(%dma_wait3A_104 : memref<128x128xf32, #tpu.memory_space<vmem>>)
      tpu.yield
    }) : () -> ()
    %mul3A_67 = arith.constant 632 : i32
    %mul3A_68 = arith.muli %arg1, %mul3A_67 : i32
    %add3A_69 = arith.constant 256 : i32
    %add3A_70 = arith.addi %mul3A_68, %add3A_69 : i32
    "tpu.region"() ({
      %run_scoped3A = tpu.sem_alloc : memref<!tpu.dma_semaphore, #tpu.memory_space<semaphore_mem>>
      %dma_start3A_87 = arith.constant 0 : i32
      %dma_start3A_88 = arith.constant 0 : i32
      %dma_start3A_89 = tpu.memref_slice %arg11[%dma_start3A_87, %dma_start3A_88] : memref<128x128xf32, #tpu.memory_space<vmem>> -> memref<128x128xf32, #tpu.memory_space<vmem>>
      %dma_start3A_90 = arith.constant 0 : i32
      %dma_start3A_91 = tpu.memref_slice %arg6[%arg0, %add3A_70, %dma_start3A_90] : memref<2x10112x128xf32, #tpu.memory_space<hbm>> -> memref<1x128x128xf32, #tpu.memory_space<hbm>>
      %dma_start3A_92 = tpu.memref_squeeze %dma_start3A_91 : memref<1x128x128xf32, #tpu.memory_space<hbm>> -> memref<128x128xf32, #tpu.memory_space<hbm>>
      %dma_start3A_93 = arith.constant 0 : i32
      %dma_start3A_94 = tpu.memref_slice %arg6[%arg0, %add3A_70, %dma_start3A_93] : memref<2x10112x128xf32, #tpu.memory_space<hbm>> -> memref<1x128x128xf32, #tpu.memory_space<hbm>>
      %dma_start3A_95 = tpu.memref_squeeze %dma_start3A_94 : memref<1x128x128xf32, #tpu.memory_space<hbm>> -> memref<128x128xf32, #tpu.memory_space<hbm>>
      %dma_start3A_96 = arith.constant 0 : i32
      %dma_start3A_97 = arith.constant 0 : i32
      %dma_start3A_98 = tpu.memref_slice %arg11[%dma_start3A_96, %dma_start3A_97] : memref<128x128xf32, #tpu.memory_space<vmem>> -> memref<128x128xf32, #tpu.memory_space<vmem>>
      tpu.enqueue_dma source(%dma_start3A_98 : memref<128x128xf32, #tpu.memory_space<vmem>>) target(%dma_start3A_95 : memref<128x128xf32, #tpu.memory_space<hbm>>) target_semaphore(%run_scoped3A : memref<!tpu.dma_semaphore, #tpu.memory_space<semaphore_mem>>)
      %dma_wait3A_99 = arith.constant 0 : i32
      %dma_wait3A_100 = arith.constant 0 : i32
      %dma_wait3A_101 = tpu.memref_slice %arg11[%dma_wait3A_99, %dma_wait3A_100] : memref<128x128xf32, #tpu.memory_space<vmem>> -> memref<128x128xf32, #tpu.memory_space<vmem>>
      %dma_wait3A_102 = arith.constant 0 : i32
      %dma_wait3A_103 = tpu.memref_slice %arg6[%arg0, %add3A_70, %dma_wait3A_102] : memref<2x10112x128xf32, #tpu.memory_space<hbm>> -> memref<1x128x128xf32, #tpu.memory_space<hbm>>
      %dma_wait3A_104 = tpu.memref_squeeze %dma_wait3A_103 : memref<1x128x128xf32, #tpu.memory_space<hbm>> -> memref<128x128xf32, #tpu.memory_space<hbm>>
      %dma_wait3A_105 = arith.constant 0 : i32
      %dma_wait3A_106 = tpu.memref_slice %arg6[%arg0, %add3A_70, %dma_wait3A_105] : memref<2x10112x128xf32, #tpu.memory_space<hbm>> -> memref<1x128x128xf32, #tpu.memory_space<hbm>>
      %dma_wait3A_107 = tpu.memref_squeeze %dma_wait3A_106 : memref<1x128x128xf32, #tpu.memory_space<hbm>> -> memref<128x128xf32, #tpu.memory_space<hbm>>
      %dma_wait3A_108 = arith.constant 0 : i32
      %dma_wait3A_109 = arith.constant 0 : i32
      %dma_wait3A_110 = tpu.memref_slice %arg11[%dma_wait3A_108, %dma_wait3A_109] : memref<128x128xf32, #tpu.memory_space<vmem>> -> memref<128x128xf32, #tpu.memory_space<vmem>>
      tpu.wait_dma2 semaphore(%run_scoped3A : memref<!tpu.dma_semaphore, #tpu.memory_space<semaphore_mem>>) src(%dma_wait3A_110 : memref<128x128xf32, #tpu.memory_space<vmem>>) dst(%dma_wait3A_107 : memref<128x128xf32, #tpu.memory_space<hbm>>)
      tpu.yield
    }) : () -> ()
    %mul3A_71 = arith.constant 632 : i32
    %mul3A_72 = arith.muli %arg1, %mul3A_71 : i32
    %add3A_73 = arith.constant 384 : i32
    %add3A_74 = arith.addi %mul3A_72, %add3A_73 : i32
    "tpu.region"() ({
      %run_scoped3A = tpu.sem_alloc : memref<!tpu.dma_semaphore, #tpu.memory_space<semaphore_mem>>
      %dma_start3A_87 = arith.constant 0 : i32
      %dma_start3A_88 = arith.constant 0 : i32
      %dma_start3A_89 = tpu.memref_slice %arg11[%dma_start3A_87, %dma_start3A_88] : memref<128x128xf32, #tpu.memory_space<vmem>> -> memref<128x128xf32, #tpu.memory_space<vmem>>
      %dma_start3A_90 = arith.constant 0 : i32
      %dma_start3A_91 = tpu.memref_slice %arg13[%add3A_74, %dma_start3A_90] : memref<10112x128xf32, #tpu.memory_space<vmem_shared>> -> memref<128x128xf32, #tpu.memory_space<vmem_shared>>
      %dma_start3A_92 = arith.constant 0 : i32
      %dma_start3A_93 = arith.constant 0 : i32
      %dma_start3A_94 = tpu.memref_slice %arg11[%dma_start3A_92, %dma_start3A_93] : memref<128x128xf32, #tpu.memory_space<vmem>> -> memref<128x128xf32, #tpu.memory_space<vmem>>
      %dma_start3A_95 = arith.constant 0 : i32
      %dma_start3A_96 = tpu.memref_slice %arg13[%add3A_74, %dma_start3A_95] : memref<10112x128xf32, #tpu.memory_space<vmem_shared>> -> memref<128x128xf32, #tpu.memory_space<vmem_shared>>
      tpu.enqueue_dma source(%dma_start3A_96 : memref<128x128xf32, #tpu.memory_space<vmem_shared>>) target(%dma_start3A_94 : memref<128x128xf32, #tpu.memory_space<vmem>>) target_semaphore(%run_scoped3A : memref<!tpu.dma_semaphore, #tpu.memory_space<semaphore_mem>>)
      %dma_wait3A_97 = arith.constant 0 : i32
      %dma_wait3A_98 = arith.constant 0 : i32
      %dma_wait3A_99 = tpu.memref_slice %arg11[%dma_wait3A_97, %dma_wait3A_98] : memref<128x128xf32, #tpu.memory_space<vmem>> -> memref<128x128xf32, #tpu.memory_space<vmem>>
      %dma_wait3A_100 = arith.constant 0 : i32
      %dma_wait3A_101 = tpu.memref_slice %arg13[%add3A_74, %dma_wait3A_100] : memref<10112x128xf32, #tpu.memory_space<vmem_shared>> -> memref<128x128xf32, #tpu.memory_space<vmem_shared>>
      %dma_wait3A_102 = arith.constant 0 : i32
      %dma_wait3A_103 = arith.constant 0 : i32
      %dma_wait3A_104 = tpu.memref_slice %arg11[%dma_wait3A_102, %dma_wait3A_103] : memref<128x128xf32, #tpu.memory_space<vmem>> -> memref<128x128xf32, #tpu.memory_space<vmem>>
      %dma_wait3A_105 = arith.constant 0 : i32
      %dma_wait3A_106 = tpu.memref_slice %arg13[%add3A_74, %dma_wait3A_105] : memref<10112x128xf32, #tpu.memory_space<vmem_shared>> -> memref<128x128xf32, #tpu.memory_space<vmem_shared>>
      tpu.wait_dma2 semaphore(%run_scoped3A : memref<!tpu.dma_semaphore, #tpu.memory_space<semaphore_mem>>) src(%dma_wait3A_106 : memref<128x128xf32, #tpu.memory_space<vmem_shared>>) dst(%dma_wait3A_104 : memref<128x128xf32, #tpu.memory_space<vmem>>)
      tpu.yield
    }) : () -> ()
    %mul3A_75 = arith.constant 632 : i32
    %mul3A_76 = arith.muli %arg1, %mul3A_75 : i32
    %add3A_77 = arith.constant 384 : i32
    %add3A_78 = arith.addi %mul3A_76, %add3A_77 : i32
    "tpu.region"() ({
      %run_scoped3A = tpu.sem_alloc : memref<!tpu.dma_semaphore, #tpu.memory_space<semaphore_mem>>
      %dma_start3A_87 = arith.constant 0 : i32
      %dma_start3A_88 = arith.constant 0 : i32
      %dma_start3A_89 = tpu.memref_slice %arg11[%dma_start3A_87, %dma_start3A_88] : memref<128x128xf32, #tpu.memory_space<vmem>> -> memref<128x128xf32, #tpu.memory_space<vmem>>
      %dma_start3A_90 = arith.constant 0 : i32
      %dma_start3A_91 = tpu.memref_slice %arg6[%arg0, %add3A_78, %dma_start3A_90] : memref<2x10112x128xf32, #tpu.memory_space<hbm>> -> memref<1x128x128xf32, #tpu.memory_space<hbm>>
      %dma_start3A_92 = tpu.memref_squeeze %dma_start3A_91 : memref<1x128x128xf32, #tpu.memory_space<hbm>> -> memref<128x128xf32, #tpu.memory_space<hbm>>
      %dma_start3A_93 = arith.constant 0 : i32
      %dma_start3A_94 = tpu.memref_slice %arg6[%arg0, %add3A_78, %dma_start3A_93] : memref<2x10112x128xf32, #tpu.memory_space<hbm>> -> memref<1x128x128xf32, #tpu.memory_space<hbm>>
      %dma_start3A_95 = tpu.memref_squeeze %dma_start3A_94 : memref<1x128x128xf32, #tpu.memory_space<hbm>> -> memref<128x128xf32, #tpu.memory_space<hbm>>
      %dma_start3A_96 = arith.constant 0 : i32
      %dma_start3A_97 = arith.constant 0 : i32
      %dma_start3A_98 = tpu.memref_slice %arg11[%dma_start3A_96, %dma_start3A_97] : memref<128x128xf32, #tpu.memory_space<vmem>> -> memref<128x128xf32, #tpu.memory_space<vmem>>
      tpu.enqueue_dma source(%dma_start3A_98 : memref<128x128xf32, #tpu.memory_space<vmem>>) target(%dma_start3A_95 : memref<128x128xf32, #tpu.memory_space<hbm>>) target_semaphore(%run_scoped3A : memref<!tpu.dma_semaphore, #tpu.memory_space<semaphore_mem>>)
      %dma_wait3A_99 = arith.constant 0 : i32
      %dma_wait3A_100 = arith.constant 0 : i32
      %dma_wait3A_101 = tpu.memref_slice %arg11[%dma_wait3A_99, %dma_wait3A_100] : memref<128x128xf32, #tpu.memory_space<vmem>> -> memref<128x128xf32, #tpu.memory_space<vmem>>
      %dma_wait3A_102 = arith.constant 0 : i32
      %dma_wait3A_103 = tpu.memref_slice %arg6[%arg0, %add3A_78, %dma_wait3A_102] : memref<2x10112x128xf32, #tpu.memory_space<hbm>> -> memref<1x128x128xf32, #tpu.memory_space<hbm>>
      %dma_wait3A_104 = tpu.memref_squeeze %dma_wait3A_103 : memref<1x128x128xf32, #tpu.memory_space<hbm>> -> memref<128x128xf32, #tpu.memory_space<hbm>>
      %dma_wait3A_105 = arith.constant 0 : i32
      %dma_wait3A_106 = tpu.memref_slice %arg6[%arg0, %add3A_78, %dma_wait3A_105] : memref<2x10112x128xf32, #tpu.memory_space<hbm>> -> memref<1x128x128xf32, #tpu.memory_space<hbm>>
      %dma_wait3A_107 = tpu.memref_squeeze %dma_wait3A_106 : memref<1x128x128xf32, #tpu.memory_space<hbm>> -> memref<128x128xf32, #tpu.memory_space<hbm>>
      %dma_wait3A_108 = arith.constant 0 : i32
      %dma_wait3A_109 = arith.constant 0 : i32
      %dma_wait3A_110 = tpu.memref_slice %arg11[%dma_wait3A_108, %dma_wait3A_109] : memref<128x128xf32, #tpu.memory_space<vmem>> -> memref<128x128xf32, #tpu.memory_space<vmem>>
      tpu.wait_dma2 semaphore(%run_scoped3A : memref<!tpu.dma_semaphore, #tpu.memory_space<semaphore_mem>>) src(%dma_wait3A_110 : memref<128x128xf32, #tpu.memory_space<vmem>>) dst(%dma_wait3A_107 : memref<128x128xf32, #tpu.memory_space<hbm>>)
      tpu.yield
    }) : () -> ()
    %mul3A_79 = arith.constant 632 : i32
    %mul3A_80 = arith.muli %arg1, %mul3A_79 : i32
    %add3A_81 = arith.constant 512 : i32
    %add3A_82 = arith.addi %mul3A_80, %add3A_81 : i32
    "tpu.region"() ({
      %run_scoped3A = tpu.sem_alloc : memref<!tpu.dma_semaphore, #tpu.memory_space<semaphore_mem>>
      %dma_start3A_87 = arith.constant 0 : i32
      %dma_start3A_88 = arith.constant 0 : i32
      %dma_start3A_89 = tpu.memref_slice %arg11[%dma_start3A_87, %dma_start3A_88] : memref<128x128xf32, #tpu.memory_space<vmem>> -> memref<120x128xf32, #tpu.memory_space<vmem>>
      %dma_start3A_90 = arith.constant 0 : i32
      %dma_start3A_91 = tpu.memref_slice %arg13[%add3A_82, %dma_start3A_90] : memref<10112x128xf32, #tpu.memory_space<vmem_shared>> -> memref<120x128xf32, #tpu.memory_space<vmem_shared>>
      %dma_start3A_92 = arith.constant 0 : i32
      %dma_start3A_93 = arith.constant 0 : i32
      %dma_start3A_94 = tpu.memref_slice %arg11[%dma_start3A_92, %dma_start3A_93] : memref<128x128xf32, #tpu.memory_space<vmem>> -> memref<120x128xf32, #tpu.memory_space<vmem>>
      %dma_start3A_95 = arith.constant 0 : i32
      %dma_start3A_96 = tpu.memref_slice %arg13[%add3A_82, %dma_start3A_95] : memref<10112x128xf32, #tpu.memory_space<vmem_shared>> -> memref<120x128xf32, #tpu.memory_space<vmem_shared>>
      tpu.enqueue_dma source(%dma_start3A_96 : memref<120x128xf32, #tpu.memory_space<vmem_shared>>) target(%dma_start3A_94 : memref<120x128xf32, #tpu.memory_space<vmem>>) target_semaphore(%run_scoped3A : memref<!tpu.dma_semaphore, #tpu.memory_space<semaphore_mem>>)
      %dma_wait3A_97 = arith.constant 0 : i32
      %dma_wait3A_98 = arith.constant 0 : i32
      %dma_wait3A_99 = tpu.memref_slice %arg11[%dma_wait3A_97, %dma_wait3A_98] : memref<128x128xf32, #tpu.memory_space<vmem>> -> memref<120x128xf32, #tpu.memory_space<vmem>>
      %dma_wait3A_100 = arith.constant 0 : i32
      %dma_wait3A_101 = tpu.memref_slice %arg13[%add3A_82, %dma_wait3A_100] : memref<10112x128xf32, #tpu.memory_space<vmem_shared>> -> memref<120x128xf32, #tpu.memory_space<vmem_shared>>
      %dma_wait3A_102 = arith.constant 0 : i32
      %dma_wait3A_103 = arith.constant 0 : i32
      %dma_wait3A_104 = tpu.memref_slice %arg11[%dma_wait3A_102, %dma_wait3A_103] : memref<128x128xf32, #tpu.memory_space<vmem>> -> memref<120x128xf32, #tpu.memory_space<vmem>>
      %dma_wait3A_105 = arith.constant 0 : i32
      %dma_wait3A_106 = tpu.memref_slice %arg13[%add3A_82, %dma_wait3A_105] : memref<10112x128xf32, #tpu.memory_space<vmem_shared>> -> memref<120x128xf32, #tpu.memory_space<vmem_shared>>
      tpu.wait_dma2 semaphore(%run_scoped3A : memref<!tpu.dma_semaphore, #tpu.memory_space<semaphore_mem>>) src(%dma_wait3A_106 : memref<120x128xf32, #tpu.memory_space<vmem_shared>>) dst(%dma_wait3A_104 : memref<120x128xf32, #tpu.memory_space<vmem>>)
      tpu.yield
    }) : () -> ()
    %mul3A_83 = arith.constant 632 : i32
    %mul3A_84 = arith.muli %arg1, %mul3A_83 : i32
    %add3A_85 = arith.constant 512 : i32
    %add3A_86 = arith.addi %mul3A_84, %add3A_85 : i32
    "tpu.region"() ({
      %run_scoped3A = tpu.sem_alloc : memref<!tpu.dma_semaphore, #tpu.memory_space<semaphore_mem>>
      %dma_start3A_87 = arith.constant 0 : i32
      %dma_start3A_88 = arith.constant 0 : i32
      %dma_start3A_89 = tpu.memref_slice %arg11[%dma_start3A_87, %dma_start3A_88] : memref<128x128xf32, #tpu.memory_space<vmem>> -> memref<120x128xf32, #tpu.memory_space<vmem>>
      %dma_start3A_90 = arith.constant 0 : i32
      %dma_start3A_91 = tpu.memref_slice %arg6[%arg0, %add3A_86, %dma_start3A_90] : memref<2x10112x128xf32, #tpu.memory_space<hbm>> -> memref<1x120x128xf32, #tpu.memory_space<hbm>>
      %dma_start3A_92 = tpu.memref_squeeze %dma_start3A_91 : memref<1x120x128xf32, #tpu.memory_space<hbm>> -> memref<120x128xf32, #tpu.memory_space<hbm>>
      %dma_start3A_93 = arith.constant 0 : i32
      %dma_start3A_94 = tpu.memref_slice %arg6[%arg0, %add3A_86, %dma_start3A_93] : memref<2x10112x128xf32, #tpu.memory_space<hbm>> -> memref<1x120x128xf32, #tpu.memory_space<hbm>>
      %dma_start3A_95 = tpu.memref_squeeze %dma_start3A_94 : memref<1x120x128xf32, #tpu.memory_space<hbm>> -> memref<120x128xf32, #tpu.memory_space<hbm>>
      %dma_start3A_96 = arith.constant 0 : i32
      %dma_start3A_97 = arith.constant 0 : i32
      %dma_start3A_98 = tpu.memref_slice %arg11[%dma_start3A_96, %dma_start3A_97] : memref<128x128xf32, #tpu.memory_space<vmem>> -> memref<120x128xf32, #tpu.memory_space<vmem>>
      tpu.enqueue_dma source(%dma_start3A_98 : memref<120x128xf32, #tpu.memory_space<vmem>>) target(%dma_start3A_95 : memref<120x128xf32, #tpu.memory_space<hbm>>) target_semaphore(%run_scoped3A : memref<!tpu.dma_semaphore, #tpu.memory_space<semaphore_mem>>)
      %dma_wait3A_99 = arith.constant 0 : i32
      %dma_wait3A_100 = arith.constant 0 : i32
      %dma_wait3A_101 = tpu.memref_slice %arg11[%dma_wait3A_99, %dma_wait3A_100] : memref<128x128xf32, #tpu.memory_space<vmem>> -> memref<120x128xf32, #tpu.memory_space<vmem>>
      %dma_wait3A_102 = arith.constant 0 : i32
      %dma_wait3A_103 = tpu.memref_slice %arg6[%arg0, %add3A_86, %dma_wait3A_102] : memref<2x10112x128xf32, #tpu.memory_space<hbm>> -> memref<1x120x128xf32, #tpu.memory_space<hbm>>
      %dma_wait3A_104 = tpu.memref_squeeze %dma_wait3A_103 : memref<1x120x128xf32, #tpu.memory_space<hbm>> -> memref<120x128xf32, #tpu.memory_space<hbm>>
      %dma_wait3A_105 = arith.constant 0 : i32
      %dma_wait3A_106 = tpu.memref_slice %arg6[%arg0, %add3A_86, %dma_wait3A_105] : memref<2x10112x128xf32, #tpu.memory_space<hbm>> -> memref<1x120x128xf32, #tpu.memory_space<hbm>>
      %dma_wait3A_107 = tpu.memref_squeeze %dma_wait3A_106 : memref<1x120x128xf32, #tpu.memory_space<hbm>> -> memref<120x128xf32, #tpu.memory_space<hbm>>
      %dma_wait3A_108 = arith.constant 0 : i32
      %dma_wait3A_109 = arith.constant 0 : i32
      %dma_wait3A_110 = tpu.memref_slice %arg11[%dma_wait3A_108, %dma_wait3A_109] : memref<128x128xf32, #tpu.memory_space<vmem>> -> memref<120x128xf32, #tpu.memory_space<vmem>>
      tpu.wait_dma2 semaphore(%run_scoped3A : memref<!tpu.dma_semaphore, #tpu.memory_space<semaphore_mem>>) src(%dma_wait3A_110 : memref<120x128xf32, #tpu.memory_space<vmem>>) dst(%dma_wait3A_107 : memref<120x128xf32, #tpu.memory_space<hbm>>)
      tpu.yield
    }) : () -> ()
    return
  }
}

module attributes {stable_mosaic.version = 14 : i64} {
  func.func @_tc1_body(%arg0: i32, %arg1: memref<1x632x128xf32, #tpu.memory_space<vmem>>, %arg2: memref<1x632x128xf32, #tpu.memory_space<vmem>>, %arg3: memref<632x32xf32, #tpu.memory_space<vmem>>, %arg4: memref<632x128xf32, #tpu.memory_space<vmem>>, %arg5: memref<128x128xf32, #tpu.memory_space<vmem>>, %arg6: memref<1x128xf32, #tpu.memory_space<vmem>>, %arg7: memref<128x128xf32, #tpu.memory_space<vmem>>, %arg8: memref<632x128xf32, #tpu.memory_space<vmem>>, %arg9: memref<632x8xf32, #tpu.memory_space<vmem>>) attributes {dimension_semantics = [#tpu.dimension_semantics<arbitrary>], iteration_bounds = array<i64: 16>, scalar_prefetch = 0 : i64, scratch_operands = 0 : i64, tpu.core_type = #tpu.core_type<tc>, window_params = [{transform_indices = @transform_0, window_bounds = array<i64: 1, 632, 128>}, {transform_indices = @transform_1, window_bounds = array<i64: 1, 632, 128>}, {transform_indices = @transform_2, window_bounds = array<i64: 632, 32>}, {transform_indices = @transform_3, window_bounds = array<i64: 632, 128>}, {pipeline_mode = #tpu.pipeline_mode<synchronous>, transform_indices = @transform_4, window_bounds = array<i64: 128, 128>}, {pipeline_mode = #tpu.pipeline_mode<synchronous>, transform_indices = @transform_5, window_bounds = array<i64: 1, 128>}, {pipeline_mode = #tpu.pipeline_mode<synchronous>, transform_indices = @transform_6, window_bounds = array<i64: 128, 128>}, {transform_indices = @transform_7, window_bounds = array<i64: 632, 128>}, {transform_indices = @transform_8, window_bounds = array<i64: 632, 8>}]} {
    %get3A = arith.constant 0 : index
    %get3A_0 = arith.constant 0 : index
    %get3A_1 = arith.constant 0 : index
    %get3A_2 = vector.load %arg1[%get3A, %get3A_0, %get3A_1] : memref<1x632x128xf32, #tpu.memory_space<vmem>>, vector<1x632x128xf32>
    %get3A_3 = vector.shape_cast %get3A_2 : vector<1x632x128xf32> to vector<632x128xf32>
    %get3A_4 = arith.constant 0 : index
    %get3A_5 = arith.constant 0 : index
    %get3A_6 = arith.constant 0 : index
    %get3A_7 = vector.load %arg2[%get3A_4, %get3A_5, %get3A_6] : memref<1x632x128xf32, #tpu.memory_space<vmem>>, vector<1x632x128xf32>
    %get3A_8 = vector.shape_cast %get3A_7 : vector<1x632x128xf32> to vector<632x128xf32>
    %add3A = arith.addf %get3A_3, %get3A_8 : vector<632x128xf32>
    %get3A_9 = arith.constant 0 : index
    %get3A_10 = arith.constant 0 : index
    %get3A_11 = vector.load %arg3[%get3A_9, %get3A_10] : memref<632x32xf32, #tpu.memory_space<vmem>>, vector<632x32xf32>
    %reduce_sum3A = arith.constant dense<0.000000e+00> : vector<632xf32>
    %reduce_sum3A_12 = vector.multi_reduction <add>, %get3A_11, %reduce_sum3A [1] : vector<632x32xf32> to vector<632xf32>
    %broadcast_in_dim3A = vector.shape_cast %reduce_sum3A_12 : vector<632xf32> to vector<632x1xf32>
    %max3A = arith.constant 1.000000e+00 : f32
    %max3A_13 = vector.broadcast %max3A : f32 to vector<632x1xf32>
    %max3A_14 = arith.maximumf %broadcast_in_dim3A, %max3A_13 : vector<632x1xf32>
    %div3A = arith.constant 1.000000e+00 : f32
    %div3A_15 = vector.broadcast %div3A : f32 to vector<632x1xf32>
    %div3A_16 = arith.divf %div3A_15, %max3A_14 : vector<632x1xf32>
    %mul3A = vector.broadcast %div3A_16 : vector<632x1xf32> to vector<632x128xf32>
    %mul3A_17 = arith.mulf %add3A, %mul3A : vector<632x128xf32>
    %get3A_18 = arith.constant 0 : index
    %get3A_19 = arith.constant 0 : index
    %get3A_20 = vector.load %arg5[%get3A_18, %get3A_19] : memref<128x128xf32, #tpu.memory_space<vmem>>, vector<128x128xf32>
    %dot_general3A = arith.constant dense<0.000000e+00> : vector<632x128xf32>
    %dot_general3A_21 = tpu.matmul %mul3A_17, %get3A_20, %dot_general3A {dimension_numbers = #tpu.dot_dimension_numbers<[1], [0], [0], [1], [0, 0, 1, 1], [], []>, transpose_lhs_hint = false} : vector<632x128xf32>, vector<128x128xf32>, vector<632x128xf32> -> vector<632x128xf32>
    %get3A_22 = arith.constant 0 : index
    %get3A_23 = arith.constant 0 : index
    %get3A_24 = vector.load %arg4[%get3A_22, %get3A_23] : memref<632x128xf32, #tpu.memory_space<vmem>>, vector<632x128xf32>
    %get3A_25 = arith.constant 0 : index
    %get3A_26 = arith.constant 0 : index
    %get3A_27 = vector.load %arg7[%get3A_25, %get3A_26] : memref<128x128xf32, #tpu.memory_space<vmem>>, vector<128x128xf32>
    %dot_general3A_28 = arith.constant dense<0.000000e+00> : vector<632x128xf32>
    %dot_general3A_29 = tpu.matmul %get3A_24, %get3A_27, %dot_general3A_28 {dimension_numbers = #tpu.dot_dimension_numbers<[1], [0], [0], [1], [0, 0, 1, 1], [], []>, transpose_lhs_hint = false} : vector<632x128xf32>, vector<128x128xf32>, vector<632x128xf32> -> vector<632x128xf32>
    %add3A_30 = arith.addf %dot_general3A_21, %dot_general3A_29 : vector<632x128xf32>
    %get3A_31 = arith.constant 0 : index
    %get3A_32 = arith.constant 0 : index
    %get3A_33 = vector.load %arg6[%get3A_31, %get3A_32] : memref<1x128xf32, #tpu.memory_space<vmem>>, vector<1x128xf32>
    %add3A_34 = vector.broadcast %get3A_33 : vector<1x128xf32> to vector<632x128xf32>
    %add3A_35 = arith.addf %add3A_30, %add3A_34 : vector<632x128xf32>
    %max3A_36 = arith.constant 0.000000e+00 : f32
    %max3A_37 = vector.broadcast %max3A_36 : f32 to vector<632x128xf32>
    %max3A_38 = arith.maximumf %add3A_35, %max3A_37 : vector<632x128xf32>
    %swap3A = arith.constant 0 : index
    %swap3A_39 = arith.constant 0 : index
    %swap3A_40 = vector.load %arg8[%swap3A, %swap3A_39] : memref<632x128xf32, #tpu.memory_space<vmem>>, vector<632x128xf32>
    tpu.vector_store %arg8[%swap3A, %swap3A_39], %max3A_38 {strides = array<i32>} : memref<632x128xf32, #tpu.memory_space<vmem>>, vector<632x128xf32>,
    %broadcast_in_dim3A_41 = vector.shape_cast %div3A_16 : vector<632x1xf32> to vector<632x1xf32>
    %broadcast_in_dim3A_42 = vector.broadcast %broadcast_in_dim3A_41 : vector<632x1xf32> to vector<632x8xf32>
    %swap3A_43 = arith.constant 0 : index
    %swap3A_44 = arith.constant 0 : index
    %swap3A_45 = vector.load %arg9[%swap3A_43, %swap3A_44] : memref<632x8xf32, #tpu.memory_space<vmem>>, vector<632x8xf32>
    tpu.vector_store %arg9[%swap3A_43, %swap3A_44], %broadcast_in_dim3A_42 {strides = array<i32>} : memref<632x8xf32, #tpu.memory_space<vmem>>, vector<632x8xf32>,
    return
  }
  func.func @transform_0(%arg0: i32) -> (i32, i32, i32) {
    %c0_i32 = arith.constant 0 : i32
    %c0_i32_0 = arith.constant 0 : i32
    %c0_i32_1 = arith.constant 0 : i32
    return %c0_i32, %arg0, %c0_i32_0 : i32, i32, i32
  }
  func.func @transform_1(%arg0: i32) -> (i32, i32, i32) {
    %c1_i32 = arith.constant 1 : i32
    %c0_i32 = arith.constant 0 : i32
    %c0_i32_0 = arith.constant 0 : i32
    return %c1_i32, %arg0, %c0_i32 : i32, i32, i32
  }
  func.func @transform_2(%arg0: i32) -> (i32, i32) {
    %c0_i32 = arith.constant 0 : i32
    %c0_i32_0 = arith.constant 0 : i32
    return %arg0, %c0_i32 : i32, i32
  }
  func.func @transform_3(%arg0: i32) -> (i32, i32) {
    %c0_i32 = arith.constant 0 : i32
    %c0_i32_0 = arith.constant 0 : i32
    return %arg0, %c0_i32 : i32, i32
  }
  func.func @transform_4(%arg0: i32) -> (i32, i32) {
    %c0_i32 = arith.constant 0 : i32
    %c0_i32_0 = arith.constant 0 : i32
    %c0_i32_1 = arith.constant 0 : i32
    return %c0_i32, %c0_i32_0 : i32, i32
  }
  func.func @transform_5(%arg0: i32) -> (i32, i32) {
    %c0_i32 = arith.constant 0 : i32
    %c0_i32_0 = arith.constant 0 : i32
    %c0_i32_1 = arith.constant 0 : i32
    return %c0_i32, %c0_i32_0 : i32, i32
  }
  func.func @transform_6(%arg0: i32) -> (i32, i32) {
    %c0_i32 = arith.constant 0 : i32
    %c0_i32_0 = arith.constant 0 : i32
    %c0_i32_1 = arith.constant 0 : i32
    return %c0_i32, %c0_i32_0 : i32, i32
  }
  func.func @transform_7(%arg0: i32) -> (i32, i32) {
    %c0_i32 = arith.constant 0 : i32
    %c0_i32_0 = arith.constant 0 : i32
    return %arg0, %c0_i32 : i32, i32
  }
  func.func @transform_8(%arg0: i32) -> (i32, i32) {
    %c0_i32 = arith.constant 0 : i32
    %c0_i32_0 = arith.constant 0 : i32
    return %arg0, %c0_i32 : i32, i32
  }
}

module attributes {stable_mosaic.version = 14 : i64} {
  func.func @_tc2_body(%arg0: i32, %arg1: memref<1x632x128xf32, #tpu.memory_space<vmem>>, %arg2: memref<1x632x128xf32, #tpu.memory_space<vmem>>, %arg3: memref<632x8xf32, #tpu.memory_space<vmem>>, %arg4: memref<632x128xf32, #tpu.memory_space<vmem>>, %arg5: memref<128x128xf32, #tpu.memory_space<vmem>>, %arg6: memref<1x128xf32, #tpu.memory_space<vmem>>, %arg7: memref<128x128xf32, #tpu.memory_space<vmem>>, %arg8: memref<632x128xf32, #tpu.memory_space<vmem>>) attributes {dimension_semantics = [#tpu.dimension_semantics<arbitrary>], iteration_bounds = array<i64: 16>, scalar_prefetch = 0 : i64, scratch_operands = 0 : i64, tpu.core_type = #tpu.core_type<tc>, window_params = [{transform_indices = @transform_0, window_bounds = array<i64: 1, 632, 128>}, {transform_indices = @transform_1, window_bounds = array<i64: 1, 632, 128>}, {transform_indices = @transform_2, window_bounds = array<i64: 632, 8>}, {transform_indices = @transform_3, window_bounds = array<i64: 632, 128>}, {pipeline_mode = #tpu.pipeline_mode<synchronous>, transform_indices = @transform_4, window_bounds = array<i64: 128, 128>}, {pipeline_mode = #tpu.pipeline_mode<synchronous>, transform_indices = @transform_5, window_bounds = array<i64: 1, 128>}, {pipeline_mode = #tpu.pipeline_mode<synchronous>, transform_indices = @transform_6, window_bounds = array<i64: 128, 128>}, {transform_indices = @transform_7, window_bounds = array<i64: 632, 128>}]} {
    %get3A = arith.constant 0 : index
    %get3A_0 = arith.constant 0 : index
    %get3A_1 = arith.constant 0 : index
    %get3A_2 = vector.load %arg1[%get3A, %get3A_0, %get3A_1] : memref<1x632x128xf32, #tpu.memory_space<vmem>>, vector<1x632x128xf32>
    %get3A_3 = vector.shape_cast %get3A_2 : vector<1x632x128xf32> to vector<632x128xf32>
    %get3A_4 = arith.constant 0 : index
    %get3A_5 = arith.constant 0 : index
    %get3A_6 = arith.constant 0 : index
    %get3A_7 = vector.load %arg2[%get3A_4, %get3A_5, %get3A_6] : memref<1x632x128xf32, #tpu.memory_space<vmem>>, vector<1x632x128xf32>
    %get3A_8 = vector.shape_cast %get3A_7 : vector<1x632x128xf32> to vector<632x128xf32>
    %add3A = arith.addf %get3A_3, %get3A_8 : vector<632x128xf32>
    %get3A_9 = arith.constant 0 : index
    %get3A_10 = arith.constant 0 : index
    %get3A_11 = vector.load %arg3[%get3A_9, %get3A_10] : memref<632x8xf32, #tpu.memory_space<vmem>>, vector<632x1xf32>
    %mul3A = vector.broadcast %get3A_11 : vector<632x1xf32> to vector<632x128xf32>
    %mul3A_12 = arith.mulf %add3A, %mul3A : vector<632x128xf32>
    %get3A_13 = arith.constant 0 : index
    %get3A_14 = arith.constant 0 : index
    %get3A_15 = vector.load %arg5[%get3A_13, %get3A_14] : memref<128x128xf32, #tpu.memory_space<vmem>>, vector<128x128xf32>
    %dot_general3A = arith.constant dense<0.000000e+00> : vector<632x128xf32>
    %dot_general3A_16 = tpu.matmul %mul3A_12, %get3A_15, %dot_general3A {dimension_numbers = #tpu.dot_dimension_numbers<[1], [0], [0], [1], [0, 0, 1, 1], [], []>, transpose_lhs_hint = false} : vector<632x128xf32>, vector<128x128xf32>, vector<632x128xf32> -> vector<632x128xf32>
    %get3A_17 = arith.constant 0 : index
    %get3A_18 = arith.constant 0 : index
    %get3A_19 = vector.load %arg4[%get3A_17, %get3A_18] : memref<632x128xf32, #tpu.memory_space<vmem>>, vector<632x128xf32>
    %get3A_20 = arith.constant 0 : index
    %get3A_21 = arith.constant 0 : index
    %get3A_22 = vector.load %arg7[%get3A_20, %get3A_21] : memref<128x128xf32, #tpu.memory_space<vmem>>, vector<128x128xf32>
    %dot_general3A_23 = arith.constant dense<0.000000e+00> : vector<632x128xf32>
    %dot_general3A_24 = tpu.matmul %get3A_19, %get3A_22, %dot_general3A_23 {dimension_numbers = #tpu.dot_dimension_numbers<[1], [0], [0], [1], [0, 0, 1, 1], [], []>, transpose_lhs_hint = false} : vector<632x128xf32>, vector<128x128xf32>, vector<632x128xf32> -> vector<632x128xf32>
    %add3A_25 = arith.addf %dot_general3A_16, %dot_general3A_24 : vector<632x128xf32>
    %get3A_26 = arith.constant 0 : index
    %get3A_27 = arith.constant 0 : index
    %get3A_28 = vector.load %arg6[%get3A_26, %get3A_27] : memref<1x128xf32, #tpu.memory_space<vmem>>, vector<1x128xf32>
    %add3A_29 = vector.broadcast %get3A_28 : vector<1x128xf32> to vector<632x128xf32>
    %add3A_30 = arith.addf %add3A_25, %add3A_29 : vector<632x128xf32>
    %swap3A = arith.constant 0 : index
    %swap3A_31 = arith.constant 0 : index
    %swap3A_32 = vector.load %arg8[%swap3A, %swap3A_31] : memref<632x128xf32, #tpu.memory_space<vmem>>, vector<632x128xf32>
    tpu.vector_store %arg8[%swap3A, %swap3A_31], %add3A_30 {strides = array<i32>} : memref<632x128xf32, #tpu.memory_space<vmem>>, vector<632x128xf32>,
    return
  }
  func.func @transform_0(%arg0: i32) -> (i32, i32, i32) {
    %c0_i32 = arith.constant 0 : i32
    %c0_i32_0 = arith.constant 0 : i32
    %c0_i32_1 = arith.constant 0 : i32
    return %c0_i32, %arg0, %c0_i32_0 : i32, i32, i32
  }
  func.func @transform_1(%arg0: i32) -> (i32, i32, i32) {
    %c1_i32 = arith.constant 1 : i32
    %c0_i32 = arith.constant 0 : i32
    %c0_i32_0 = arith.constant 0 : i32
    return %c1_i32, %arg0, %c0_i32 : i32, i32, i32
  }
  func.func @transform_2(%arg0: i32) -> (i32, i32) {
    %c0_i32 = arith.constant 0 : i32
    %c0_i32_0 = arith.constant 0 : i32
    return %arg0, %c0_i32 : i32, i32
  }
  func.func @transform_3(%arg0: i32) -> (i32, i32) {
    %c0_i32 = arith.constant 0 : i32
    %c0_i32_0 = arith.constant 0 : i32
    return %arg0, %c0_i32 : i32, i32
  }
  func.func @transform_4(%arg0: i32) -> (i32, i32) {
    %c0_i32 = arith.constant 0 : i32
    %c0_i32_0 = arith.constant 0 : i32
    %c0_i32_1 = arith.constant 0 : i32
    return %c0_i32, %c0_i32_0 : i32, i32
  }
  func.func @transform_5(%arg0: i32) -> (i32, i32) {
    %c0_i32 = arith.constant 0 : i32
    %c0_i32_0 = arith.constant 0 : i32
    %c0_i32_1 = arith.constant 0 : i32
    return %c0_i32, %c0_i32_0 : i32, i32
  }
  func.func @transform_6(%arg0: i32) -> (i32, i32) {
    %c0_i32 = arith.constant 0 : i32
    %c0_i32_0 = arith.constant 0 : i32
    %c0_i32_1 = arith.constant 0 : i32
    return %c0_i32, %c0_i32_0 : i32, i32
  }
  func.func @transform_7(%arg0: i32) -> (i32, i32) {
    %c0_i32 = arith.constant 0 : i32
    %c0_i32_0 = arith.constant 0 : i32
    return %arg0, %c0_i32 : i32, i32
  }
}

</mosaic_0001>

<sc_bundles>
// kernel: kernel.6.cloned.1.call-start
scs
__scs_entry_jumppad:
0x0: {  	(pc) =	sbr.rel $0x88, $3  }
0x1: {  	(tag) =	ssettag $0x0;
	lr =	simm.s32 $0x1  }
0x2: {  	[smem:$0x3F99] =	sst lr;
	_ =	strace $0xD0000000  }
0x3: {  	_ = 	snop  }
0x4: {  	_ = 	snop  }
0x5: {  	_ = 	snop  }
0x6: {  	_ = 	snop  }
0x7: {  	_ = 	snop  }
__scs_overlays_trampoline_lowered:
0x8: {  	[smem:$0x3FA8] =	sst s0  }
0x9: {  	[smem:$0x3FA9] =	sst s1  }
0xa: {  	[smem:$0x3FAA] =	sst s2  }
0xb: {  	[smem:$0x3FAB] =	sst s3  }
0xc: {  	[smem:$0x3FAC] =	sst s4  }
0xd: {  	[smem:$0x3FAD] =	sst s5  }
0xe: {  	[smem:$0x3FAE] =	sst s6  }
0xf: {  	[smem:$0x3FAF] =	sst s7  }
0x10: {  	[smem:$0x3FB0] =	sst s8  }
0x11: {  	[smem:$0x3FB1] =	sst s9;
	s0 =	simm.s32 @!p0 $0x0  }
0x12: {  	s1 =	sld [smem:$0x3F97];
	s0 =	simm.s32 @p0 $0x1  }
0x13: {  	[smem:$0x3FB2] =	sst s0;
	s0 =	simm.s32 @!p1 $0x0  }
0x14: {  	s2 =	sld [smem:$0x3F96];
	s0 =	simm.s32 @p1 $0x1  }
0x15: {  	[smem:$0x3FB3] =	sst s0;
	s0 =	simm.s32 @!p2 $0x0  }
0x16: {  	s3 =	sld [smem:$0x3FDB];
	s0 =	simm.s32 @p2 $0x1  }
0x17: {  	s4 =	simm.s32 $0x1BF5;
	[smem:$0x3FB5] =	sst s0  }
0x18: {  	s0 =	sld [smem:$0x3F98];
	_ =	swait.ge [sflag:s4], $0x0  }
0x19: {  	s7 =	sld [smem:$0x3F99]  }
0x1a: {  	s8 =	sadd.s32 $0xFFFFE003, lr  }
0x1b: {  	s9 =	sadd.s32 $0xFFFFFEF7, lr;
	s5 =	simm.s32 $0xFFFFFFFF;
	p2 =	slt.u32 s8, $0xFFFFF086  }
0x1c: {  	p1 =	slt.u32 s9, $0xF7A;
	s5 =	simm.s32 @!p2 $0x0  }
0x1d: {  	s5 =	simm.s32 @p1 $0x1;
	p0 =	seq.s32 s7, s2  }
0x1e: {  	s7 =	smul.u32 @!p0 $0xF7A, s2;
	p2 =	seq.s32 @!p0 s5, $0x0  }
0x1f: {  	s9 =	smul.u32 $0xF7A, s1;
	s8 =	simm.s32 @!p0 $0x1BF5;
	p2 =	por !p2, p0  }
0x20: {  	[sflag:s8] =	ssyncset.s32 @!p0 $0xFFFFF086;
	s6 =	sadd.s32 @!p0 s3, s7;
	s7 =	simm.s32 @!p0 $0x108  }
0x21: {  	s3 =	sadd.s32 s3, s9;
	s6 =	sadd.s32 @!p0 $0x88, s6;
	s7 =	simm.s32 @p2 $0x1082  }
0x22: {  	[simem:s7], [sflag:s8] =	dma.local @!p0 [hbm:s6], $0xF7A  }
0x23: {  	s9 =	sor.u32 $0xD0000000, s2;
	s6 =	simm.s32 $0x108;
	_ =	swait.ge @!p0 [sflag:s8], $0x0  }
0x24: {  	s3 =	sadd.s32 $0x88, s3;
	s6 =	simm.s32 @!p1 $0x1082;
	[sflag:s4] =	ssyncset.s32 $0xFFFFF086  }
0x25: {  	[simem:s6], [sflag:s4] =	dma.local [hbm:s3], $0xF7A  }
0x26: {  	[smem:$0x3F99] =	sst s1;
	(tag) =	ssettag s2;
	_ =	strace s9  }
0x27: {  	s1 =	sld [smem:$0x3FA9]  }
0x28: {  	s2 =	sld [smem:$0x3FAA]  }
0x29: {  	s4 =	sld [smem:$0x3FAC]  }
0x2a: {  	p0 =	seq.s32 s5, $0x0;
	s5 =	sld [smem:$0x3FAD]  }
0x2b: {  	s6 =	sld [smem:$0x3FAE]  }
0x2c: {  	s7 =	sld [smem:$0x3FAF]  }
0x2d: {  	s3 =	simm.s32 $0x108;
	s8 =	sld [smem:$0x3FB0]  }
0x2e: {  	s3 =	simm.s32 @!p0 $0x1082;
	s9 =	sld [smem:$0x3FB1]  }
0x2f: {  	lr =	sadd.s32 s0, s3;
	s0 =	sld [smem:$0x3FA8]  }
0x30: {  	s3 =	sld [smem:$0x3FAB]  }
0x31: {  	[smem:$0x3FB4] =	sst s10  }
0x32: {  	s10 =	sld [smem:$0x3FB2];
	_ =	sdelay $0x3  }
0x33: {  	p0 =	seq.s32 s10, $0x1;
	s10 =	sld [smem:$0x3FB4];
	_ =	sdelay $0x3  }
0x34: {  	[smem:$0x3FB4] =	sst s10  }
0x35: {  	s10 =	sld [smem:$0x3FB3];
	_ =	sdelay $0x3  }
0x36: {  	p1 =	seq.s32 s10, $0x1;
	s10 =	sld [smem:$0x3FB4];
	_ =	sdelay $0x3  }
0x37: {  	[smem:$0x3FB4] =	sst s10  }
0x38: {  	s10 =	sld [smem:$0x3FB5]  }
0x39: {  	_ = 	snop;
	(pc) =	sbr.ind lr, $3  }
0x3a: {  	_ = 	snop  }
0x3b: {  	_ = 	snop  }
0x3c: {  	p2 =	seq.s32 s10, $0x1;
	s10 =	sld [smem:$0x3FB4]  }
0x3d: {  	_ =	shalt  }
0x3e: {  	_ =	shalt  }
0x3f: {  	_ =	shalt  }
0x40: {  	_ =	shalt  }
0x41: {  	_ =	shalt  }
0x42: {  	_ =	shalt  }
0x43: {  	_ =	shalt  }
0x44: {  	_ =	shalt  }
0x45: {  	_ =	shalt  }
0x46: {  	_ =	shalt  }
0x47: {  	_ =	shalt  }
0x48: {  	_ =	shalt  }
0x49: {  	_ =	shalt  }
0x4a: {  	_ =	shalt  }
0x4b: {  	_ =	shalt  }
0x4c: {  	_ =	shalt  }
0x4d: {  	_ =	shalt  }
0x4e: {  	_ =	shalt  }
0x4f: {  	_ =	shalt  }
0x50: {  	_ =	shalt  }
0x51: {  	_ =	shalt  }
0x52: {  	_ =	shalt  }
0x53: {  	_ =	shalt  }
0x54: {  	_ =	shalt  }
0x55: {  	_ =	shalt  }
0x56: {  	_ =	shalt  }
0x57: {  	_ =	shalt  }
0x58: {  	_ =	shalt  }
0x59: {  	_ =	shalt  }
0x5a: {  	_ =	shalt  }
0x5b: {  	_ =	shalt  }
0x5c: {  	_ =	shalt  }
0x5d: {  	_ =	shalt  }
0x5e: {  	_ =	shalt  }
0x5f: {  	_ =	shalt  }
0x60: {  	_ =	shalt  }
0x61: {  	_ =	shalt  }
0x62: {  	_ =	shalt  }
0x63: {  	_ =	shalt  }
0x64: {  	_ =	shalt  }
0x65: {  	_ =	shalt  }
0x66: {  	_ =	shalt  }
0x67: {  	_ =	shalt  }
0x68: {  	_ =	shalt  }
0x69: {  	_ =	shalt  }
0x6a: {  	_ =	shalt  }
0x6b: {  	_ =	shalt  }
0x6c: {  	_ =	shalt  }
0x6d: {  	_ =	shalt  }
0x6e: {  	_ =	shalt  }
0x6f: {  	_ =	shalt  }
0x70: {  	_ =	shalt  }
0x71: {  	_ =	shalt  }
0x72: {  	_ =	shalt  }
0x73: {  	_ =	shalt  }
0x74: {  	_ =	shalt  }
0x75: {  	_ =	shalt  }
0x76: {  	_ =	shalt  }
0x77: {  	_ =	shalt  }
0x78: {  	_ =	shalt  }
0x79: {  	_ =	shalt  }
0x7a: {  	_ =	shalt  }
0x7b: {  	_ =	shalt  }
0x7c: {  	_ =	shalt  }
0x7d: {  	_ =	shalt  }
0x7e: {  	_ =	shalt  }
0x7f: {  	_ =	shalt  }
0x80: {  	_ =	shalt  }
0x81: {  	_ =	shalt  }
0x82: {  	_ =	shalt  }
0x83: {  	_ =	shalt  }
0x84: {  	_ =	shalt  }
0x85: {  	_ =	shalt  }
0x86: {  	_ =	shalt  }
0x87: {  	_ =	shalt  }
.Lfunc_end0:
.L_simem_size_0:
called_computation_lowered:
.L_overlay_start_0:
0x88: {  	s2 =	sld [smem:$0x3FD9]  }
0x89: {  	s3 =	sld [smem:$0x3FFE];
	_ =	sdelay $0x1  }
0x8a: {  	s1 =	srdreg.scid  }
0x8b: {  	s0 =	sand.u32 $0x1, s1  }
0x8c: {  	s17 =	sshll.u32 s0, $0xA;
	s2 =	sadd.s32 s3, s2  }
0x8d: {  	s2 =	sadd.s32 s2, s17  }
0x8e: {  	[smem:$0x3FC0] =	sst s2  }
0x8f: {  	_ = 	snop  }
0x90: {  	s2 =	sld [smem:$0x3FD0];
	(tm) =	ssettm $0x1  }
0x91: {  	s18 =	sld [smem:$0x3FFB];
	_ =	sdelay $0x3  }
0x92: {  	_ =	strace s18  }
0x93: {  	s3 =	sld [smem:$0x3FFC];
	_ =	sdelay $0x3  }
0x94: {  	_ =	strace s3  }
0x95: {  	s3 =	sld [smem:$0x3FFD];
	_ =	sdelay $0x3  }
0x96: {  	_ =	strace s3  }
0x97: {  	_ =	strace $0x8FFFFFFF  }
0x98: {  	s19 =	sld [smem:$0x3FDB];
	_ =	sdelay $0x1  }
0x99: {  	s4 =	simm.s32 $_scs_section_size  }
0x9a: {  	s5 =	simm.s32 $_size__tile_overlayer_lowered;
	s6 =	simm.s32 $_tile_overlayer_lowered  }
0x9b: {  	s22 =	simm.s32 $0x1BFF;
	s21 =	sshll.u32 s6, $0x1;
	s3 =	sadd.s32 s4, s19  }
0x9c: {  	s7 =	simm.s32 $0x0;
	s20 =	sshll.u32 s5, $0x1;
	s5 =	sadd.s32 s21, s3  }
0x9d: {  	[timem:s7], [sflag:s22] =	dma.local [hbm:s5], s20  }
0x9e: {  	_ =	swait.ge [sflag:s22], s20  }
0x9f: {  	s4 =	ssub.s32 $0x0, s20;
	[sflag:s22] =	ssyncset.done $0x0  }
0xa0: {  	[sflag:s22] =	ssyncadd.s32 s4;
	_ =	sdelay $0x1  }
0xa1: {  	s23 =	simm.s32 $0x1B8B  }
0xa2: {  	_ =	swait.ge [sflag:s23], $0x1  }
0xa3: {  	[sflag:s23] =	ssyncset.done $0x0  }
0xa4: {  	s25 =	simm.s32 $0x1B8E;
	s24 =	sld [smem:$0x3FFE];
	[sflag:s23] =	ssyncadd.s32 $0xFFFFFFFF  }
0xa5: {  	s26 =	simm.s32 $execute0_lowered;
	[smem:$0x3FD2] =	sst s25  }
0xa6: {  	s5 =	sshll.u32 s26, $0x1;
	_ =	strace $0x80000046;
	[dreg:$0x1] =	wrdreg $0xFFFFFFFF  }
0xa7: {  	s28 =	simm.s32 $_size_execute0_lowered;
	s3 =	sadd.s32 s3, s5;
	[dreg:$0x0] =	wrdreg $0x0  }
0xa8: {  	s5 =	sshll.u32 s28, $0x1;
	[dreg:$0x2] =	wrdreg s3  }
0xa9: {  	[dreg:$0x3] =	wrdreg s5  }
0xaa: {  	[dreg:$0x4] =	wrdreg $0xC0  }
0xab: {  	_ =	task [dreg:s7], $0x5FFFF  }
0xac: {  	[dreg:$0x1] =	wrdreg $0xFFFFFFFF  }
0xad: {  	[dreg:$0x0] =	wrdreg $0x60  }
0xae: {  	[dreg:$0x2] =	wrdreg s24  }
0xaf: {  	[dreg:$0x3] =	wrdreg s2  }
0xb0: {  	[dreg:$0x4] =	wrdreg $0x79800  }
0xb1: {  	[dreg:$0x5] =	wrdreg $0x9  }
0xb2: {  	_ =	task.clear_ibuf [dreg:s7], $0x6FFFF;
	_ =	strace $0x90000046  }
0xb3: {  	s29 =	simm.s32 $0x9;
	_ =	strace $0x80000048  }
0xb4: {  	_ =	swait.ge [sflag:s29], $0x1  }
0xb5: {  	[sflag:s29] =	ssyncadd.s32 $0xFFFFFFFF  }
0xb6: {  	_ =	strace $0x90000048  }
0xb7: {  	_ =	sfence  }
0xb8: {  	s30 =	sld [smem:$0x0];
	_ =	sdelay $0x2  }
0xb9: {  	s31 =	sshll.u32 s1, $0xD;
	s1 =	sshrl.u32 s1, $0x2  }
0xba: {  	s3 =	sand.u32 $0x4000, s31;
	s1 =	sadd.s32 s1, s30  }
0xbb: {  	s0 =	sor.u32 s3, s0;
	s1 =	sshll.u32 s1, $0x11  }
0xbc: {  	s0 =	sor.u32 s1, s0  }
0xbd: {  	s0 =	sadd.s32 $0x8F2B, s0  }
0xbe: {  	[sflag:s0] =	ssyncadd.remote.s32 $0x1  }
0xbf: {  	_ =	sfence.sel $0xFFFF  }
0xc0: {  	[dreg:$0x0] =	wrdreg $0xFFFFFFFF;
	(pc) =	sbr.abs _section_cstart, $3  }
0xc1: {  	[dreg:$0x1] =	wrdreg $0xFFFFFFFF  }
0xc2: {  	_ =	task.clear_ibuf [dreg:s7], $0x2FFFF;
	_ =	strace $0x9FFFFFFF  }
0xc3: {  	(tm) =	ssettm $0x7FFFFFFF  }
tec
execute0_lowered:
.L_overlay_start_1:
0x0: {  	(tag) =	ssettag $0x1  }
0x1: {  	s0 =	rddreg [dreg:$0x0]  }
0x2: {  	s2 =	rddreg [dreg:$0x1]  }
0x3: {  	s1 =	simm.s32 $0x0;
	s3 =	srdreg.scid;
	s19 =	stileid.u32  }
0x4: {  	[smem:$0x7FF] =	sst s1;
	s4 =	sand.u32 $0x1, s3;
	s14 =	sshll.u32 s19, $0x1  }
0x5: {  	s5 =	sshrl.u32 s19, $0x2;
	s6 =	sadd.s32 $0x2000, s0;
	s9 =	smul.u32 $0x13C00, s19  }
0x6: {  	s10 =	sadd.s32 $0x3E200, s0;
	s7 =	sor.u32 s4, s14;
	s8 =	ssub.s32 $0x2, s4  }
0x7: {  	s15 =	smul.u32 $0x13C00, s5;
	s16 =	sshll.u32 s7, $0x7;
	s11 =	sshrl.u32 s8, $0x1  }
0x8: {  	s12 =	sadd.s32 $0x7800, s9;
	s7 =	smul.u32 $0x2800, s7;
	s13 =	sadd.s32 $0xA000, s9  }
0x9: {  	s14 =	sadd.s32 $0xC800, s9;
	s30 =	sadd.s32 $0xF000, s9;
	s31 =	sadd.s32 $0x11800, s9  }
0xa: {  	s5 =	sand.u32 $0x380, s16;
	s3 =	ssub.s32 s8, s11;
	s8 =	sadd.s32 $0x2800, s9  }
0xb: {  	s5 =	sor.u32 s15, s5;
	s15 =	smul.u32 $0x13C000, s4;
	s7 =	sshrl.u32 s7, $0x3  }
0xc: {  	s11 =	sadd.s32 $0x5000, s9;
	s4 =	smul.u32 $0x2800, s4;
	s16 =	sadd.s32 s2, s7  }
0xd: {  	[dreg:$0x4] =	wrdreg s16;
	s9 =	sadd.s32 s9, s15;
	s17 =	sadd.s32 s15, s8  }
0xe: {  	s21 =	sadd.s32 s15, s12;
	s22 =	sadd.s32 s15, s13;
	s25 =	sadd.s32 s15, s14  }
0xf: {  	s26 =	sadd.s32 s15, s30;
	s9 =	sshrl.u32 s9, $0x3;
	s16 =	sshrl.u32 s17, $0x3  }
0x10: {  	s17 =	sadd.s32 s15, s11;
	s15 =	sadd.s32 s15, s31;
	s9 =	sadd.s32 s10, s9  }
0x11: {  	s18 =	sadd.s32 s10, s16;
	s20 =	sshrl.u32 s17, $0x3;
	[dreg:$0x5] =	wrdreg s9  }
0x12: {  	s16 =	sshrl.u32 s21, $0x3;
	s17 =	sshrl.u32 s22, $0x3;
	[dreg:$0x6] =	wrdreg s18  }
0x13: {  	s18 =	smul.u32 $0x5000, s19;
	s9 =	sadd.s32 s10, s20;
	s23 =	sadd.s32 s10, s16  }
0x14: {  	s24 =	sadd.s32 s10, s17;
	s16 =	sshrl.u32 s26, $0x3;
	[dreg:$0x7] =	wrdreg s9  }
0x15: {  	s17 =	sshrl.u32 s15, $0x3;
	s26 =	sadd.s32 $0x33E00, s0;
	[dreg:$0x8] =	wrdreg s23  }
0x16: {  	[dreg:$0x9] =	wrdreg s24;
	s9 =	sshrl.u32 s25, $0x3;
	s16 =	sadd.s32 s10, s16  }
0x17: {  	s23 =	smul.u32 $0x4F000, s19;
	s24 =	sshrl.u32 s5, $0x3;
	s5 =	simm.s32 $0x100  }
0x18: {  	s4 =	sadd.s32 s4, s18;
	s9 =	sadd.s32 s10, s9;
	[dreg:$0xb] =	wrdreg s16  }
0x19: {  	s18 =	sadd.s32 $0x4F6, s7;
	s7 =	sadd.s32 s6, s7;
	[dreg:$0xa] =	wrdreg s9  }
0x1a: {  	s9 =	sadd.s32 s10, s17;
	s20 =	sor.u32 $0xA0, s4;
	[dreg:$0xd] =	wrdreg s7  }
0x1b: {  	s22 =	sadd.s32 s2, s18;
	s4 =	sor.u32 $0x50, s4;
	s17 =	rddreg [dreg:$0x2]  }
0x1c: {  	s25 =	sshrl.u32 s23, $0x2;
	s7 =	simm.s32 $0x80;
	[dreg:$0xc] =	wrdreg s9  }
0x1d: {  	s10 =	simm.s32 $0x1;
	s21 =	sshrl.u32 s20, $0x3;
	[dreg:$0xe] =	wrdreg s22  }
0x1e: {  	s9 =	sadd.s32 s6, s18;
	s4 =	sshrl.u32 s4, $0x3;
	s20 =	sadd.s32 $0xC000, s0  }
0x1f: {  	s22 =	sadd.s32 $0x33800, s0;
	s23 =	sadd.s32 s25, s17;
	s25 =	sadd.s32 s11, s17  }
0x20: {  	s28 =	sadd.s32 s13, s17;
	s29 =	sadd.s32 s14, s17;
	s30 =	sadd.s32 s30, s17  }
0x21: {  	s31 =	sadd.s32 s31, s17;
	s11 =	simm.s32 $0x2;
	[dreg:$0xf] =	wrdreg s9  }
0x22: {  	s15 =	sadd.s32 s21, s6;
	s16 =	sadd.s32 s21, s2;
	s18 =	sadd.s32 s4, s6  }
0x23: {  	s19 =	sadd.s32 s4, s2;
	s2 =	sadd.s32 s24, s0;
	s24 =	sadd.s32 s8, s17  }
0x24: {  	s0 =	smax.u32 s3, $0x1;
	s3 =	simm.s32 $0x3;
	s4 =	simm.s32 $0x5200  }
0x25: {  	s6 =	simm.s32 $0x50;
	s8 =	simm.s32 $0x180;
	s9 =	simm.s32 $0x2A00  }
0x26: {  	_ =	strace $0x80000047;
	[dreg:$0x10] =	wrdreg s26;
	s26 =	sadd.s32 s12, s17  }
0x27: {  	v0 =	vimm.f32 $1.000000000e+00;
	s14 =	sadd.s32 $0x34400, s2;
	s2 =	simm.s32 $0x200;
	s12 =	simm.s32 $0x0  }
.LBB2_1:
0x28: {  	s13 =	rddreg [dreg:$0x10]  }
0x29: {  	[tilespmem:s2], [sflag:$0x3] =	stream.linear.gather [hbm4b:s13+s1], $0x2800, $0x38;
	[tilespmem:$0x1B580] =	vst v63  }
0x2a: {  	_ =	swait.ge [sflag:s3], $0x2800  }
0x2b: {  	[sflag:s3] =	ssyncset.done $0x0  }
0x2c: {  	[sflag:s3] =	ssyncadd.s32 $0xFFFFD800  }
0x2d: {  	[spmem:s23] =	stream.linear.scatter [tilespmem:s2], [sflag:$0x3], $0x2800, $0x38;
	[tilespmem:$0x1B580] =	vst v63  }
0x2e: {  	_ =	swait.ge [sflag:s3], $0x2800  }
0x2f: {  	[sflag:s3] =	ssyncset.done $0x0  }
0x30: {  	[sflag:s3] =	ssyncadd.s32 $0xFFFFD800  }
0x31: {  	[spmem:s24] =	stream.linear.scatter [tilespmem:s2], [sflag:$0x3], $0x2800, $0x38;
	[tilespmem:$0x1B580] =	vst v63  }
0x32: {  	_ =	swait.ge [sflag:s3], $0x2800  }
0x33: {  	[sflag:s3] =	ssyncset.done $0x0  }
0x34: {  	[sflag:s3] =	ssyncadd.s32 $0xFFFFD800  }
0x35: {  	[spmem:s25] =	stream.linear.scatter [tilespmem:s2], [sflag:$0x3], $0x2800, $0x38;
	[tilespmem:$0x1B580] =	vst v63  }
0x36: {  	_ =	swait.ge [sflag:s3], $0x2800  }
0x37: {  	[sflag:s3] =	ssyncset.done $0x0  }
0x38: {  	[sflag:s3] =	ssyncadd.s32 $0xFFFFD800  }
0x39: {  	[spmem:s26] =	stream.linear.scatter [tilespmem:s2], [sflag:$0x3], $0x2800, $0x38;
	[tilespmem:$0x1B580] =	vst v63  }
0x3a: {  	_ =	swait.ge [sflag:s3], $0x2800  }
0x3b: {  	[sflag:s3] =	ssyncset.done $0x0  }
0x3c: {  	[sflag:s3] =	ssyncadd.s32 $0xFFFFD800  }
0x3d: {  	[spmem:s28] =	stream.linear.scatter [tilespmem:s2], [sflag:$0x3], $0x2800, $0x38;
	[tilespmem:$0x1B580] =	vst v63  }
0x3e: {  	_ =	swait.ge [sflag:s3], $0x2800  }
0x3f: {  	[sflag:s3] =	ssyncset.done $0x0  }
0x40: {  	[sflag:s3] =	ssyncadd.s32 $0xFFFFD800  }
0x41: {  	[spmem:s29] =	stream.linear.scatter [tilespmem:s2], [sflag:$0x3], $0x2800, $0x38;
	[tilespmem:$0x1B580] =	vst v63  }
0x42: {  	_ =	swait.ge [sflag:s3], $0x2800  }
0x43: {  	[sflag:s3] =	ssyncset.done $0x0  }
0x44: {  	[sflag:s3] =	ssyncadd.s32 $0xFFFFD800  }
0x45: {  	[spmem:s30] =	stream.linear.scatter [tilespmem:s2], [sflag:$0x3], $0x2800, $0x38;
	[tilespmem:$0x1B580] =	vst v63  }
0x46: {  	_ =	swait.ge [sflag:s3], $0x2800  }
0x47: {  	[sflag:s3] =	ssyncset.done $0x0  }
0x48: {  	[sflag:s3] =	ssyncadd.s32 $0xFFFFD800  }
0x49: {  	[spmem:s31] =	stream.linear.scatter [tilespmem:s2], [sflag:$0x3], $0x2400, $0x38;
	[tilespmem:$0x1B580] =	vst v63  }
0x4a: {  	_ =	swait.ge [sflag:s3], $0x2400  }
0x4b: {  	[sflag:s3] =	ssyncset.done $0x0  }
0x4c: {  	[sflag:s3] =	ssyncadd.s32 $0xFFFFDC00  }
0x4d: {  	[tilespmem:s4], [sflag:$0x3] =	stream.linear.gather [hbm4b:s22+s1], $0x2780, $0x38;
	[tilespmem:$0x1B580] =	vst v63  }
0x4e: {  	_ =	swait.ge [sflag:s3], $0x2780  }
0x4f: {  	[sflag:s3] =	ssyncset.done $0x0  }
0x50: {  	[sflag:s3] =	ssyncadd.s32 $0xFFFFD880  }
0x51: {  	[bflag:$0x0] =	sbarrier.arrive $0xFFFF  }
0x52: {  	s21 =	rddreg [dreg:$0x4]  }
0x53: {  	[tilespmem:s1], [sflag:$0x3] =	stream.linear.gather [hbm4b:s21+s1], $0x50, $0x38;
	[tilespmem:$0x1B580] =	vst v63  }
0x54: {  	_ =	swait.ge [sflag:s3], $0x50  }
0x55: {  	[sflag:s3] =	ssyncset.done $0x0  }
0x56: {  	s21 =	rddreg [dreg:$0xd];
	[sflag:s3] =	ssyncadd.s32 $0xFFFFFFB0  }
0x57: {  	[tilespmem:s5], [sflag:$0x3] =	stream.linear.gather [hbm4b:s21+s1], $0x50, $0x38;
	[tilespmem:$0x1B580] =	vst v63  }
0x58: {  	_ =	swait.ge [sflag:s3], $0x50  }
0x59: {  	[sflag:s3] =	ssyncset.done $0x0  }
0x5a: {  	s13 =	simm.s32 $0x0;
	[sflag:s3] =	ssyncadd.s32 $0xFFFFFFB0  }
0x5b: {  	[tilespmem:s2], [sflag:$0x1] =	stream.indirect.gather [hbm4b:s20+s6], $0x80, s1, s6, $0xb8;
	[tilespmem:$0x1B580] =	vst v63  }
.LBB2_2:
0x5c: {  	s21 =	sadd.s32 s13, s19  }
0x5d: {  	[tilespmem:s7], [sflag:$0x3] =	stream.linear.gather [hbm4b:s21+s1], $0x50, $0x38;
	[tilespmem:$0x1B580] =	vst v63  }
0x5e: {  	_ =	swait.ge [sflag:s3], $0x50  }
0x5f: {  	[sflag:s3] =	ssyncset.done $0x0  }
0x60: {  	s21 =	sadd.s32 s13, s18;
	[sflag:s3] =	ssyncadd.s32 $0xFFFFFFB0  }
0x61: {  	[tilespmem:s8], [sflag:$0x3] =	stream.linear.gather [hbm4b:s21+s1], $0x50, $0x38;
	[tilespmem:$0x1B580] =	vst v63  }
0x62: {  	_ =	swait.ge [sflag:s3], $0x50  }
0x63: {  	[sflag:s3] =	ssyncset.done $0x0  }
0x64: {  	[sflag:s3] =	ssyncadd.s32 $0xFFFFFFB0  }
0x65: {  	[tilespmem:s9], [sflag:$0x2] =	stream.indirect.gather [hbm4b:s20+s6], $0x80, s7, s6, $0xb8;
	[tilespmem:$0x1B580] =	vst v63  }
0x66: {  	_ =	swait.ge [sflag:s10], $0x2800  }
0x67: {  	[sflag:s10] =	ssyncset.done $0x0  }
0x68: {  	[sflag:s10] =	ssyncadd.s32 $0xFFFFD800  }
0x69: {  	[spmem:s17] =	stream.indirect.scatter.add.f32 [tilespmem:s2], [sflag:$0x3], $0x80, s5, s6, $0xb8;
	[tilespmem:$0x1B580] =	vst v63  }
0x6a: {  	_ =	swait.ge [sflag:s3], $0x2800  }
0x6b: {  	[sflag:s3] =	ssyncset.done $0x0  }
0x6c: {  	[sflag:s3] =	ssyncadd.s32 $0xFFFFD800  }
0x6d: {  	v1 =	vld [tilespmem:$0x100];
	_ =	sdelay $0x7  }
0x6e: {  	[tilespmem:v1+s4+$0x0] =	vst.idx.add.f32.msk $0xffff, v0  }
0x6f: {  	v1 =	vld [tilespmem:$0x110];
	_ =	sdelay $0x7  }
0x70: {  	[tilespmem:v1+s4+$0x0] =	vst.idx.add.f32.msk $0xffff, v0  }
0x71: {  	v1 =	vld [tilespmem:$0x120];
	_ =	sdelay $0x7  }
0x72: {  	[tilespmem:v1+s4+$0x0] =	vst.idx.add.f32.msk $0xffff, v0  }
0x73: {  	v1 =	vld [tilespmem:$0x130];
	_ =	sdelay $0x7  }
0x74: {  	[tilespmem:v1+s4+$0x0] =	vst.idx.add.f32.msk $0xffff, v0  }
0x75: {  	v1 =	vld [tilespmem:$0x140];
	_ =	sdelay $0x7  }
0x76: {  	s21 =	sadd.s32 s13, s16;
	[tilespmem:v1+s4+$0x0] =	vst.idx.add.f32.msk $0xffff, v0  }
0x77: {  	[tilespmem:s1], [sflag:$0x3] =	stream.linear.gather [hbm4b:s21+s1], $0x50, $0x38;
	[tilespmem:$0x1B580] =	vst v63  }
0x78: {  	_ =	swait.ge [sflag:s3], $0x50  }
0x79: {  	[sflag:s3] =	ssyncset.done $0x0  }
0x7a: {  	s21 =	sadd.s32 s13, s15;
	[sflag:s3] =	ssyncadd.s32 $0xFFFFFFB0  }
0x7b: {  	[tilespmem:s5], [sflag:$0x3] =	stream.linear.gather [hbm4b:s21+s1], $0x50, $0x38;
	[tilespmem:$0x1B580] =	vst v63  }
0x7c: {  	_ =	swait.ge [sflag:s3], $0x50  }
0x7d: {  	[sflag:s3] =	ssyncset.done $0x0  }
0x7e: {  	[sflag:s3] =	ssyncadd.s32 $0xFFFFFFB0  }
0x7f: {  	[tilespmem:s2], [sflag:$0x1] =	stream.indirect.gather [hbm4b:s20+s6], $0x80, s1, s6, $0xb8;
	[tilespmem:$0x1B580] =	vst v63  }
0x80: {  	_ =	swait.ge [sflag:s11], $0x2800  }
0x81: {  	[sflag:s11] =	ssyncset.done $0x0  }
0x82: {  	[sflag:s11] =	ssyncadd.s32 $0xFFFFD800  }
0x83: {  	[spmem:s17] =	stream.indirect.scatter.add.f32 [tilespmem:s9], [sflag:$0x3], $0x80, s8, s6, $0xb8;
	[tilespmem:$0x1B580] =	vst v63  }
0x84: {  	_ =	swait.ge [sflag:s3], $0x2800  }
0x85: {  	[sflag:s3] =	ssyncset.done $0x0  }
0x86: {  	[sflag:s3] =	ssyncadd.s32 $0xFFFFD800  }
0x87: {  	v1 =	vld [tilespmem:$0x180];
	_ =	sdelay $0x7  }
0x88: {  	[tilespmem:v1+s4+$0x0] =	vst.idx.add.f32.msk $0xffff, v0  }
0x89: {  	v1 =	vld [tilespmem:$0x190];
	_ =	sdelay $0x7  }
0x8a: {  	[tilespmem:v1+s4+$0x0] =	vst.idx.add.f32.msk $0xffff, v0  }
0x8b: {  	v1 =	vld [tilespmem:$0x1A0];
	_ =	sdelay $0x7  }
0x8c: {  	[tilespmem:v1+s4+$0x0] =	vst.idx.add.f32.msk $0xffff, v0  }
0x8d: {  	v1 =	vld [tilespmem:$0x1B0];
	_ =	sdelay $0x7  }
0x8e: {  	[tilespmem:v1+s4+$0x0] =	vst.idx.add.f32.msk $0xffff, v0  }
0x8f: {  	v1 =	vld [tilespmem:$0x1C0];
	_ =	sdelay $0x2  }
0x90: {  	p0 =	sne.s32 s13, $0x4D8  }
.Ltmp0:
0x91: {  	_ = 	snop;
	(pc) =	sbr.rel @p0 .LBB2_2-.Ltmp0, $2  }
0x92: {  	_ =	sdelay $0x2  }
0x93: {  	s13 =	sadd.s32 $0x14, s13;
	[tilespmem:v1+s4+$0x0] =	vst.idx.add.f32.msk $0xffff, v0  }
0x94: {  	s13 =	rddreg [dreg:$0xe]  }
0x95: {  	[tilespmem:s7], [sflag:$0x3] =	stream.linear.gather [hbm4b:s13+s1], $0x50, $0x38;
	[tilespmem:$0x1B580] =	vst v63  }
0x96: {  	_ =	swait.ge [sflag:s3], $0x50  }
0x97: {  	[sflag:s3] =	ssyncset.done $0x0  }
0x98: {  	s21 =	rddreg [dreg:$0xf];
	[sflag:s3] =	ssyncadd.s32 $0xFFFFFFB0  }
0x99: {  	[tilespmem:s8], [sflag:$0x3] =	stream.linear.gather [hbm4b:s21+s1], $0x50, $0x38;
	[tilespmem:$0x1B580] =	vst v63  }
0x9a: {  	_ =	swait.ge [sflag:s3], $0x50  }
0x9b: {  	[sflag:s3] =	ssyncset.done $0x0  }
0x9c: {  	[sflag:s3] =	ssyncadd.s32 $0xFFFFFFB0  }
0x9d: {  	[tilespmem:s9], [sflag:$0x2] =	stream.indirect.gather [hbm4b:s20+s6], $0x80, s7, s6, $0xb8;
	[tilespmem:$0x1B580] =	vst v63  }
0x9e: {  	_ =	swait.ge [sflag:s10], $0x2800  }
0x9f: {  	[sflag:s10] =	ssyncset.done $0x0  }
0xa0: {  	[sflag:s10] =	ssyncadd.s32 $0xFFFFD800  }
0xa1: {  	[spmem:s17] =	stream.indirect.scatter.add.f32 [tilespmem:s2], [sflag:$0x3], $0x80, s5, s6, $0xb8;
	[tilespmem:$0x1B580] =	vst v63  }
0xa2: {  	_ =	swait.ge [sflag:s3], $0x2800  }
0xa3: {  	[sflag:s3] =	ssyncset.done $0x0  }
0xa4: {  	[sflag:s3] =	ssyncadd.s32 $0xFFFFD800  }
0xa5: {  	v1 =	vld [tilespmem:$0x100];
	_ =	sdelay $0x7  }
0xa6: {  	[tilespmem:v1+s4+$0x0] =	vst.idx.add.f32.msk $0xffff, v0  }
0xa7: {  	v1 =	vld [tilespmem:$0x110];
	_ =	sdelay $0x7  }
0xa8: {  	[tilespmem:v1+s4+$0x0] =	vst.idx.add.f32.msk $0xffff, v0  }
0xa9: {  	v1 =	vld [tilespmem:$0x120];
	_ =	sdelay $0x7  }
0xaa: {  	[tilespmem:v1+s4+$0x0] =	vst.idx.add.f32.msk $0xffff, v0  }
0xab: {  	v1 =	vld [tilespmem:$0x130];
	_ =	sdelay $0x7  }
0xac: {  	[tilespmem:v1+s4+$0x0] =	vst.idx.add.f32.msk $0xffff, v0  }
0xad: {  	v1 =	vld [tilespmem:$0x140];
	_ =	sdelay $0x7  }
0xae: {  	[tilespmem:v1+s4+$0x0] =	vst.idx.add.f32.msk $0xffff, v0  }
0xaf: {  	_ =	swait.ge [sflag:s11], $0x2800  }
0xb0: {  	[sflag:s11] =	ssyncset.done $0x0  }
0xb1: {  	[sflag:s11] =	ssyncadd.s32 $0xFFFFD800  }
0xb2: {  	[spmem:s17] =	stream.indirect.scatter.add.f32 [tilespmem:s9], [sflag:$0x3], $0x80, s8, s6, $0xb8;
	[tilespmem:$0x1B580] =	vst v63  }
0xb3: {  	_ =	swait.ge [sflag:s3], $0x2800  }
0xb4: {  	[sflag:s3] =	ssyncset.done $0x0  }
0xb5: {  	[sflag:s3] =	ssyncadd.s32 $0xFFFFD800  }
0xb6: {  	v1 =	vld [tilespmem:$0x180];
	_ =	sdelay $0x7  }
0xb7: {  	[tilespmem:v1+s4+$0x0] =	vst.idx.add.f32.msk $0xffff, v0  }
0xb8: {  	v1 =	vld [tilespmem:$0x190];
	_ =	sdelay $0x7  }
0xb9: {  	[tilespmem:v1+s4+$0x0] =	vst.idx.add.f32.msk $0xffff, v0  }
0xba: {  	v1 =	vld [tilespmem:$0x1A0];
	_ =	sdelay $0x7  }
0xbb: {  	[tilespmem:v1+s4+$0x0] =	vst.idx.add.f32.msk $0xffff, v0  }
0xbc: {  	v1 =	vld [tilespmem:$0x1B0];
	_ =	sdelay $0x7  }
0xbd: {  	[tilespmem:v1+s4+$0x0] =	vst.idx.add.f32.msk $0xffff, v0  }
0xbe: {  	v1 =	vld [tilespmem:$0x1C0];
	_ =	sdelay $0x7  }
0xbf: {  	[tilespmem:v1+s4+$0x0] =	vst.idx.add.f32.msk $0xffff, v0  }
0xc0: {  	[bflag:$0x0] =	sbarrier.arrive $0xFFFF  }
0xc1: {  	[tilespmem:s2], [sflag:$0x3] =	stream.linear.gather [spmem:s23], $0x2800, $0x38;
	[tilespmem:$0x1B580] =	vst v63  }
0xc2: {  	_ =	swait.ge [sflag:s3], $0x2800  }
0xc3: {  	[sflag:s3] =	ssyncset.done $0x0  }
0xc4: {  	s21 =	rddreg [dreg:$0x5];
	[sflag:s3] =	ssyncadd.s32 $0xFFFFD800  }
0xc5: {  	[hbm4b:s21+s1] =	stream.linear.scatter [tilespmem:s2], [sflag:$0x3], $0x2800, $0x38;
	[tilespmem:$0x1B580] =	vst v63  }
0xc6: {  	_ =	swait.ge [sflag:s3], $0x2800  }
0xc7: {  	[sflag:s3] =	ssyncset.done $0x0  }
0xc8: {  	[sflag:s3] =	ssyncadd.s32 $0xFFFFD800  }
0xc9: {  	[tilespmem:s2], [sflag:$0x3] =	stream.linear.gather [spmem:s24], $0x2800, $0x38;
	[tilespmem:$0x1B580] =	vst v63  }
0xca: {  	_ =	swait.ge [sflag:s3], $0x2800  }
0xcb: {  	[sflag:s3] =	ssyncset.done $0x0  }
0xcc: {  	s21 =	rddreg [dreg:$0x6];
	[sflag:s3] =	ssyncadd.s32 $0xFFFFD800  }
0xcd: {  	[hbm4b:s21+s1] =	stream.linear.scatter [tilespmem:s2], [sflag:$0x3], $0x2800, $0x38;
	[tilespmem:$0x1B580] =	vst v63  }
0xce: {  	_ =	swait.ge [sflag:s3], $0x2800  }
0xcf: {  	[sflag:s3] =	ssyncset.done $0x0  }
0xd0: {  	[sflag:s3] =	ssyncadd.s32 $0xFFFFD800  }
0xd1: {  	[tilespmem:s2], [sflag:$0x3] =	stream.linear.gather [spmem:s25], $0x2800, $0x38;
	[tilespmem:$0x1B580] =	vst v63  }
0xd2: {  	_ =	swait.ge [sflag:s3], $0x2800  }
0xd3: {  	[sflag:s3] =	ssyncset.done $0x0  }
0xd4: {  	s21 =	rddreg [dreg:$0x7];
	[sflag:s3] =	ssyncadd.s32 $0xFFFFD800  }
0xd5: {  	[hbm4b:s21+s1] =	stream.linear.scatter [tilespmem:s2], [sflag:$0x3], $0x2800, $0x38;
	[tilespmem:$0x1B580] =	vst v63  }
0xd6: {  	_ =	swait.ge [sflag:s3], $0x2800  }
0xd7: {  	[sflag:s3] =	ssyncset.done $0x0  }
0xd8: {  	[sflag:s3] =	ssyncadd.s32 $0xFFFFD800  }
0xd9: {  	[tilespmem:s2], [sflag:$0x3] =	stream.linear.gather [spmem:s26], $0x2800, $0x38;
	[tilespmem:$0x1B580] =	vst v63  }
0xda: {  	_ =	swait.ge [sflag:s3], $0x2800  }
0xdb: {  	[sflag:s3] =	ssyncset.done $0x0  }
0xdc: {  	s21 =	rddreg [dreg:$0x8];
	[sflag:s3] =	ssyncadd.s32 $0xFFFFD800  }
0xdd: {  	[hbm4b:s21+s1] =	stream.linear.scatter [tilespmem:s2], [sflag:$0x3], $0x2800, $0x38;
	[tilespmem:$0x1B580] =	vst v63  }
0xde: {  	_ =	swait.ge [sflag:s3], $0x2800  }
0xdf: {  	[sflag:s3] =	ssyncset.done $0x0  }
0xe0: {  	[sflag:s3] =	ssyncadd.s32 $0xFFFFD800  }
0xe1: {  	[tilespmem:s2], [sflag:$0x3] =	stream.linear.gather [spmem:s28], $0x2800, $0x38;
	[tilespmem:$0x1B580] =	vst v63  }
0xe2: {  	_ =	swait.ge [sflag:s3], $0x2800  }
0xe3: {  	[sflag:s3] =	ssyncset.done $0x0  }
0xe4: {  	s21 =	rddreg [dreg:$0x9];
	[sflag:s3] =	ssyncadd.s32 $0xFFFFD800  }
0xe5: {  	[hbm4b:s21+s1] =	stream.linear.scatter [tilespmem:s2], [sflag:$0x3], $0x2800, $0x38;
	[tilespmem:$0x1B580] =	vst v63  }
0xe6: {  	_ =	swait.ge [sflag:s3], $0x2800  }
0xe7: {  	[sflag:s3] =	ssyncset.done $0x0  }
0xe8: {  	[sflag:s3] =	ssyncadd.s32 $0xFFFFD800  }
0xe9: {  	[tilespmem:s2], [sflag:$0x3] =	stream.linear.gather [spmem:s29], $0x2800, $0x38;
	[tilespmem:$0x1B580] =	vst v63  }
0xea: {  	_ =	swait.ge [sflag:s3], $0x2800  }
0xeb: {  	[sflag:s3] =	ssyncset.done $0x0  }
0xec: {  	s21 =	rddreg [dreg:$0xa];
	[sflag:s3] =	ssyncadd.s32 $0xFFFFD800  }
0xed: {  	[hbm4b:s21+s1] =	stream.linear.scatter [tilespmem:s2], [sflag:$0x3], $0x2800, $0x38;
	[tilespmem:$0x1B580] =	vst v63  }
0xee: {  	_ =	swait.ge [sflag:s3], $0x2800  }
0xef: {  	[sflag:s3] =	ssyncset.done $0x0  }
0xf0: {  	[sflag:s3] =	ssyncadd.s32 $0xFFFFD800  }
0xf1: {  	[tilespmem:s2], [sflag:$0x3] =	stream.linear.gather [spmem:s30], $0x2800, $0x38;
	[tilespmem:$0x1B580] =	vst v63  }
0xf2: {  	_ =	swait.ge [sflag:s3], $0x2800  }
0xf3: {  	[sflag:s3] =	ssyncset.done $0x0  }
0xf4: {  	s21 =	rddreg [dreg:$0xb];
	[sflag:s3] =	ssyncadd.s32 $0xFFFFD800  }
0xf5: {  	[hbm4b:s21+s1] =	stream.linear.scatter [tilespmem:s2], [sflag:$0x3], $0x2800, $0x38;
	[tilespmem:$0x1B580] =	vst v63  }
0xf6: {  	_ =	swait.ge [sflag:s3], $0x2800  }
0xf7: {  	[sflag:s3] =	ssyncset.done $0x0  }
0xf8: {  	[sflag:s3] =	ssyncadd.s32 $0xFFFFD800  }
0xf9: {  	[tilespmem:s2], [sflag:$0x3] =	stream.linear.gather [spmem:s31], $0x2400, $0x38;
	[tilespmem:$0x1B580] =	vst v63  }
0xfa: {  	_ =	swait.ge [sflag:s3], $0x2400  }
0xfb: {  	[sflag:s3] =	ssyncset.done $0x0  }
0xfc: {  	s21 =	rddreg [dreg:$0xc];
	[sflag:s3] =	ssyncadd.s32 $0xFFFFDC00  }
0xfd: {  	[hbm4b:s21+s1] =	stream.linear.scatter [tilespmem:s2], [sflag:$0x3], $0x2400, $0x38;
	[tilespmem:$0x1B580] =	vst v63  }
0xfe: {  	s12 =	sadd.s32 $0x1, s12;
	_ =	swait.ge [sflag:s3], $0x2400  }
0xff: {  	p0 =	sne.s32 s12, s0;
	[sflag:s3] =	ssyncset.done $0x0  }
.Ltmp1:
0x100: {  	s21 =	simm.s32 $0x400;
	[sflag:s3] =	ssyncadd.s32 $0xFFFFDC00;
	(pc) =	sbr.rel @p0 .LBB2_1-.Ltmp1, $4  }
0x101: {  	[hbm4b:s14+s7] =	stream.strided.scatter [tilespmem:s4], [sflag:$0x3], $0x2780, s21, s7, $0x38;
	[tilespmem:$0x1B580] =	vst v63  }
0x102: {  	_ =	swait.ge [sflag:s3], $0x2780  }
0x103: {  	[sflag:s3] =	ssyncset.done $0x0  }
0x104: {  	[sflag:s3] =	ssyncadd.s32 $0xFFFFD880  }
0x105: {  	_ =	sfence.sel $0x180000  }
0x106: {  	[bflag:$0x0] =	sbarrier.arrive $0xFFFF  }
0x107: {  	_ =	strace $0x90000047  }
0x108: {  	s0 =	stileid.u32;
	[bflag:$0x2] =	sbarrier.arrive $0xFFFF  }
0x109: {  	p0 =	sne.s32 s0, $0x0;
	s0 =	rddreg [dreg:$0x3]  }
0x10a: {  	s0 =	sadd.s32 @!p0 $0x100000, s0  }
0x10b: {  	[sflag:s0] =	ssyncadd.tile.s32 @!p0 $0x1;
	_ =	shalt  }
.Lfunc_end2:
_tile_overlayer_lowered:
.L_overlay_start_2:
0x10c: {  	(tag) =	ssettag $0x2  }
0x10d: {  	s0 =	rddreg [dreg:$0x0];
	s2 =	stileid.u32  }
0x10e: {  	s1 =	rddreg [dreg:$0x1];
	p0 =	sne.s32 s2, $0x0  }
0x10f: {  	s3 =	rddreg [dreg:$0x2];
	[bflag:$0x3] =	sbarrier.arrive $0xFFFF;
	s2 =	simm.s32 @!p0 $0x1C03  }
0x110: {  	[timem:s3], [sflag:s2] =	dma.local @!p0 [hbm:s0], s1  }
0x111: {  	s0 =	simm.s32 @!p0 $0x3  }
0x112: {  	_ =	swait.ge @!p0 [sflag:s0], s1  }
0x113: {  	s1 =	ssub.s32 @!p0 $0x0, s1;
	[sflag:s0] =	ssyncset.done @!p0 $0x0  }
0x114: {  	[sflag:s0] =	ssyncadd.s32 @!p0 s1  }
0x115: {  	[bflag:$0x3] =	sbarrier.arrive $0xFFFF  }
0x116: {  	_ =	shalt  }

// kernel: kernel.9.cloned.1.call-start
scs
__scs_entry_jumppad:
0x0: {  	(pc) =	sbr.rel $0x88, $3  }
0x1: {  	(tag) =	ssettag $0x0;
	lr =	simm.s32 $0x1  }
0x2: {  	[smem:$0x3F99] =	sst lr;
	_ =	strace $0xD0000000  }
0x3: {  	_ = 	snop  }
0x4: {  	_ = 	snop  }
0x5: {  	_ = 	snop  }
0x6: {  	_ = 	snop  }
0x7: {  	_ = 	snop  }
__scs_overlays_trampoline_lowered:
0x8: {  	[smem:$0x3FA8] =	sst s0  }
0x9: {  	[smem:$0x3FA9] =	sst s1  }
0xa: {  	[smem:$0x3FAA] =	sst s2  }
0xb: {  	[smem:$0x3FAB] =	sst s3  }
0xc: {  	[smem:$0x3FAC] =	sst s4  }
0xd: {  	[smem:$0x3FAD] =	sst s5  }
0xe: {  	[smem:$0x3FAE] =	sst s6  }
0xf: {  	[smem:$0x3FAF] =	sst s7  }
0x10: {  	[smem:$0x3FB0] =	sst s8  }
0x11: {  	[smem:$0x3FB1] =	sst s9;
	s0 =	simm.s32 @!p0 $0x0  }
0x12: {  	s1 =	sld [smem:$0x3F97];
	s0 =	simm.s32 @p0 $0x1  }
0x13: {  	[smem:$0x3FB2] =	sst s0;
	s0 =	simm.s32 @!p1 $0x0  }
0x14: {  	s2 =	sld [smem:$0x3F96];
	s0 =	simm.s32 @p1 $0x1  }
0x15: {  	[smem:$0x3FB3] =	sst s0;
	s0 =	simm.s32 @!p2 $0x0  }
0x16: {  	s3 =	sld [smem:$0x3FDB];
	s0 =	simm.s32 @p2 $0x1  }
0x17: {  	s4 =	simm.s32 $0x1BF5;
	[smem:$0x3FB5] =	sst s0  }
0x18: {  	s0 =	sld [smem:$0x3F98];
	_ =	swait.ge [sflag:s4], $0x0  }
0x19: {  	s7 =	sld [smem:$0x3F99]  }
0x1a: {  	s8 =	sadd.s32 $0xFFFFE003, lr  }
0x1b: {  	s9 =	sadd.s32 $0xFFFFFEF7, lr;
	s5 =	simm.s32 $0xFFFFFFFF;
	p2 =	slt.u32 s8, $0xFFFFF086  }
0x1c: {  	p1 =	slt.u32 s9, $0xF7A;
	s5 =	simm.s32 @!p2 $0x0  }
0x1d: {  	s5 =	simm.s32 @p1 $0x1;
	p0 =	seq.s32 s7, s2  }
0x1e: {  	s7 =	smul.u32 @!p0 $0xF7A, s2;
	p2 =	seq.s32 @!p0 s5, $0x0  }
0x1f: {  	s9 =	smul.u32 $0xF7A, s1;
	s8 =	simm.s32 @!p0 $0x1BF5;
	p2 =	por !p2, p0  }
0x20: {  	[sflag:s8] =	ssyncset.s32 @!p0 $0xFFFFF086;
	s6 =	sadd.s32 @!p0 s3, s7;
	s7 =	simm.s32 @!p0 $0x108  }
0x21: {  	s3 =	sadd.s32 s3, s9;
	s6 =	sadd.s32 @!p0 $0x88, s6;
	s7 =	simm.s32 @p2 $0x1082  }
0x22: {  	[simem:s7], [sflag:s8] =	dma.local @!p0 [hbm:s6], $0xF7A  }
0x23: {  	s9 =	sor.u32 $0xD0000000, s2;
	s6 =	simm.s32 $0x108;
	_ =	swait.ge @!p0 [sflag:s8], $0x0  }
0x24: {  	s3 =	sadd.s32 $0x88, s3;
	s6 =	simm.s32 @!p1 $0x1082;
	[sflag:s4] =	ssyncset.s32 $0xFFFFF086  }
0x25: {  	[simem:s6], [sflag:s4] =	dma.local [hbm:s3], $0xF7A  }
0x26: {  	[smem:$0x3F99] =	sst s1;
	(tag) =	ssettag s2;
	_ =	strace s9  }
0x27: {  	s1 =	sld [smem:$0x3FA9]  }
0x28: {  	s2 =	sld [smem:$0x3FAA]  }
0x29: {  	s4 =	sld [smem:$0x3FAC]  }
0x2a: {  	p0 =	seq.s32 s5, $0x0;
	s5 =	sld [smem:$0x3FAD]  }
0x2b: {  	s6 =	sld [smem:$0x3FAE]  }
0x2c: {  	s7 =	sld [smem:$0x3FAF]  }
0x2d: {  	s3 =	simm.s32 $0x108;
	s8 =	sld [smem:$0x3FB0]  }
0x2e: {  	s3 =	simm.s32 @!p0 $0x1082;
	s9 =	sld [smem:$0x3FB1]  }
0x2f: {  	lr =	sadd.s32 s0, s3;
	s0 =	sld [smem:$0x3FA8]  }
0x30: {  	s3 =	sld [smem:$0x3FAB]  }
0x31: {  	[smem:$0x3FB4] =	sst s10  }
0x32: {  	s10 =	sld [smem:$0x3FB2];
	_ =	sdelay $0x3  }
0x33: {  	p0 =	seq.s32 s10, $0x1;
	s10 =	sld [smem:$0x3FB4];
	_ =	sdelay $0x3  }
0x34: {  	[smem:$0x3FB4] =	sst s10  }
0x35: {  	s10 =	sld [smem:$0x3FB3];
	_ =	sdelay $0x3  }
0x36: {  	p1 =	seq.s32 s10, $0x1;
	s10 =	sld [smem:$0x3FB4];
	_ =	sdelay $0x3  }
0x37: {  	[smem:$0x3FB4] =	sst s10  }
0x38: {  	s10 =	sld [smem:$0x3FB5]  }
0x39: {  	_ = 	snop;
	(pc) =	sbr.ind lr, $3  }
0x3a: {  	_ = 	snop  }
0x3b: {  	_ = 	snop  }
0x3c: {  	p2 =	seq.s32 s10, $0x1;
	s10 =	sld [smem:$0x3FB4]  }
0x3d: {  	_ =	shalt  }
0x3e: {  	_ =	shalt  }
0x3f: {  	_ =	shalt  }
0x40: {  	_ =	shalt  }
0x41: {  	_ =	shalt  }
0x42: {  	_ =	shalt  }
0x43: {  	_ =	shalt  }
0x44: {  	_ =	shalt  }
0x45: {  	_ =	shalt  }
0x46: {  	_ =	shalt  }
0x47: {  	_ =	shalt  }
0x48: {  	_ =	shalt  }
0x49: {  	_ =	shalt  }
0x4a: {  	_ =	shalt  }
0x4b: {  	_ =	shalt  }
0x4c: {  	_ =	shalt  }
0x4d: {  	_ =	shalt  }
0x4e: {  	_ =	shalt  }
0x4f: {  	_ =	shalt  }
0x50: {  	_ =	shalt  }
0x51: {  	_ =	shalt  }
0x52: {  	_ =	shalt  }
0x53: {  	_ =	shalt  }
0x54: {  	_ =	shalt  }
0x55: {  	_ =	shalt  }
0x56: {  	_ =	shalt  }
0x57: {  	_ =	shalt  }
0x58: {  	_ =	shalt  }
0x59: {  	_ =	shalt  }
0x5a: {  	_ =	shalt  }
0x5b: {  	_ =	shalt  }
0x5c: {  	_ =	shalt  }
0x5d: {  	_ =	shalt  }
0x5e: {  	_ =	shalt  }
0x5f: {  	_ =	shalt  }
0x60: {  	_ =	shalt  }
0x61: {  	_ =	shalt  }
0x62: {  	_ =	shalt  }
0x63: {  	_ =	shalt  }
0x64: {  	_ =	shalt  }
0x65: {  	_ =	shalt  }
0x66: {  	_ =	shalt  }
0x67: {  	_ =	shalt  }
0x68: {  	_ =	shalt  }
0x69: {  	_ =	shalt  }
0x6a: {  	_ =	shalt  }
0x6b: {  	_ =	shalt  }
0x6c: {  	_ =	shalt  }
0x6d: {  	_ =	shalt  }
0x6e: {  	_ =	shalt  }
0x6f: {  	_ =	shalt  }
0x70: {  	_ =	shalt  }
0x71: {  	_ =	shalt  }
0x72: {  	_ =	shalt  }
0x73: {  	_ =	shalt  }
0x74: {  	_ =	shalt  }
0x75: {  	_ =	shalt  }
0x76: {  	_ =	shalt  }
0x77: {  	_ =	shalt  }
0x78: {  	_ =	shalt  }
0x79: {  	_ =	shalt  }
0x7a: {  	_ =	shalt  }
0x7b: {  	_ =	shalt  }
0x7c: {  	_ =	shalt  }
0x7d: {  	_ =	shalt  }
0x7e: {  	_ =	shalt  }
0x7f: {  	_ =	shalt  }
0x80: {  	_ =	shalt  }
0x81: {  	_ =	shalt  }
0x82: {  	_ =	shalt  }
0x83: {  	_ =	shalt  }
0x84: {  	_ =	shalt  }
0x85: {  	_ =	shalt  }
0x86: {  	_ =	shalt  }
0x87: {  	_ =	shalt  }
.Lfunc_end0:
.L_simem_size_0:
called_computation.1_lowered:
.L_overlay_start_0:
0x88: {  	s2 =	sld [smem:$0x3FD9]  }
0x89: {  	s3 =	sld [smem:$0x3FFE];
	_ =	sdelay $0x1  }
0x8a: {  	s1 =	srdreg.scid  }
0x8b: {  	s0 =	sand.u32 $0x1, s1  }
0x8c: {  	s17 =	sshll.u32 s0, $0xA;
	s2 =	sadd.s32 s3, s2  }
0x8d: {  	s2 =	sadd.s32 s2, s17  }
0x8e: {  	[smem:$0x3FC0] =	sst s2  }
0x8f: {  	_ = 	snop  }
0x90: {  	s2 =	sld [smem:$0x3FD0];
	(tm) =	ssettm $0x1  }
0x91: {  	s18 =	sld [smem:$0x3FFB];
	_ =	sdelay $0x3  }
0x92: {  	_ =	strace s18  }
0x93: {  	s3 =	sld [smem:$0x3FFC];
	_ =	sdelay $0x3  }
0x94: {  	_ =	strace s3  }
0x95: {  	s3 =	sld [smem:$0x3FFD];
	_ =	sdelay $0x3  }
0x96: {  	_ =	strace s3  }
0x97: {  	_ =	strace $0x8FFFFFFF  }
0x98: {  	s19 =	sld [smem:$0x3FDB];
	_ =	sdelay $0x1  }
0x99: {  	s4 =	simm.s32 $_scs_section_size  }
0x9a: {  	s5 =	simm.s32 $_size__tile_overlayer_lowered;
	s6 =	simm.s32 $_tile_overlayer_lowered  }
0x9b: {  	s22 =	simm.s32 $0x1BFF;
	s21 =	sshll.u32 s6, $0x1;
	s3 =	sadd.s32 s4, s19  }
0x9c: {  	s7 =	simm.s32 $0x0;
	s20 =	sshll.u32 s5, $0x1;
	s5 =	sadd.s32 s21, s3  }
0x9d: {  	[timem:s7], [sflag:s22] =	dma.local [hbm:s5], s20  }
0x9e: {  	_ =	swait.ge [sflag:s22], s20  }
0x9f: {  	s4 =	ssub.s32 $0x0, s20;
	[sflag:s22] =	ssyncset.done $0x0  }
0xa0: {  	[sflag:s22] =	ssyncadd.s32 s4;
	_ =	sdelay $0x1  }
0xa1: {  	s23 =	simm.s32 $0x1B8B  }
0xa2: {  	_ =	swait.ge [sflag:s23], $0x1  }
0xa3: {  	[sflag:s23] =	ssyncset.done $0x0  }
0xa4: {  	s25 =	simm.s32 $0x1B8E;
	s24 =	sld [smem:$0x3FFE];
	[sflag:s23] =	ssyncadd.s32 $0xFFFFFFFF  }
0xa5: {  	s26 =	simm.s32 $execute0_lowered;
	[smem:$0x3FD2] =	sst s25  }
0xa6: {  	s5 =	sshll.u32 s26, $0x1;
	_ =	strace $0x80000049;
	[dreg:$0x1] =	wrdreg $0xFFFFFFFF  }
0xa7: {  	s28 =	simm.s32 $_size_execute0_lowered;
	s3 =	sadd.s32 s3, s5;
	[dreg:$0x0] =	wrdreg $0x0  }
0xa8: {  	s5 =	sshll.u32 s28, $0x1;
	[dreg:$0x2] =	wrdreg s3  }
0xa9: {  	[dreg:$0x3] =	wrdreg s5  }
0xaa: {  	[dreg:$0x4] =	wrdreg $0xC0  }
0xab: {  	_ =	task [dreg:s7], $0x5FFFF  }
0xac: {  	[dreg:$0x1] =	wrdreg $0xFFFFFFFF  }
0xad: {  	[dreg:$0x0] =	wrdreg $0x60  }
0xae: {  	[dreg:$0x2] =	wrdreg s24  }
0xaf: {  	[dreg:$0x3] =	wrdreg s2  }
0xb0: {  	[dreg:$0x4] =	wrdreg $0x82000  }
0xb1: {  	[dreg:$0x5] =	wrdreg $0x9  }
0xb2: {  	_ =	task.clear_ibuf [dreg:s7], $0x6FFFF;
	_ =	strace $0x90000049  }
0xb3: {  	s29 =	simm.s32 $0x9;
	_ =	strace $0x8000004B  }
0xb4: {  	_ =	swait.ge [sflag:s29], $0x1  }
0xb5: {  	[sflag:s29] =	ssyncadd.s32 $0xFFFFFFFF  }
0xb6: {  	_ =	strace $0x9000004B  }
0xb7: {  	_ =	sfence  }
0xb8: {  	s30 =	sld [smem:$0x0];
	_ =	sdelay $0x2  }
0xb9: {  	s31 =	sshll.u32 s1, $0xD;
	s1 =	sshrl.u32 s1, $0x2  }
0xba: {  	s3 =	sand.u32 $0x4000, s31;
	s1 =	sadd.s32 s1, s30  }
0xbb: {  	s0 =	sor.u32 s3, s0;
	s1 =	sshll.u32 s1, $0x11  }
0xbc: {  	s0 =	sor.u32 s1, s0  }
0xbd: {  	s0 =	sadd.s32 $0x8F2B, s0  }
0xbe: {  	[sflag:s0] =	ssyncadd.remote.s32 $0x1  }
0xbf: {  	_ =	sfence.sel $0xFFFF  }
0xc0: {  	[dreg:$0x0] =	wrdreg $0xFFFFFFFF;
	(pc) =	sbr.abs _section_cstart, $3  }
0xc1: {  	[dreg:$0x1] =	wrdreg $0xFFFFFFFF  }
0xc2: {  	_ =	task.clear_ibuf [dreg:s7], $0x2FFFF;
	_ =	strace $0x9FFFFFFF  }
0xc3: {  	(tm) =	ssettm $0x7FFFFFFF  }
tec
execute0_lowered:
.L_overlay_start_1:
0x0: {  	(tag) =	ssettag $0x1  }
0x1: {  	s3 =	rddreg [dreg:$0x0]  }
0x2: {  	s0 =	rddreg [dreg:$0x1]  }
0x3: {  	s1 =	rddreg [dreg:$0x2];
	s2 =	simm.s32 $0x0;
	s5 =	srdreg.scid  }
0x4: {  	s22 =	stileid.u32;
	s28 =	simm.s32 $0x100;
	s29 =	simm.s32 $0x80  }
0x5: {  	s30 =	simm.s32 $0x180;
	s31 =	simm.s32 $0x4200;
	[smem:$0x7FF] =	sst s2  }
0x6: {  	s4 =	sadd.s32 $0xC000, s3;
	s11 =	sadd.s32 $0x2000, s3;
	s5 =	sand.u32 $0x1, s5  }
0x7: {  	s6 =	sadd.s32 $0x33800, s3;
	s7 =	smul.u32 $0x4F000, s22;
	s3 =	sadd.s32 $0x34000, s3  }
0x8: {  	s12 =	smul.u32 $0x13C00, s22;
	s20 =	sshll.u32 s22, $0x1;
	_ =	strace $0x8000004A  }
0x9: {  	s19 =	ssub.s32 $0x2, s5;
	s21 =	sor.u32 s5, s20;
	s20 =	smul.u32 $0x13C000, s5  }
0xa: {  	[dreg:$0x4] =	wrdreg s6;
	s5 =	smul.u32 $0x2800, s5;
	s8 =	sshrl.u32 s19, $0x1  }
0xb: {  	s7 =	sshrl.u32 s7, $0x2;
	s15 =	sadd.s32 $0x4000, s12;
	s16 =	sadd.s32 $0x8000, s12  }
0xc: {  	s14 =	smul.u32 $0x2800, s21;
	s17 =	sadd.s32 $0xC000, s12;
	s18 =	sadd.s32 $0x10000, s12  }
0xd: {  	s13 =	ssub.s32 s19, s8;
	s6 =	sadd.s32 s7, s1;
	s7 =	sadd.s32 s15, s1  }
0xe: {  	s8 =	sadd.s32 s16, s1;
	s9 =	sadd.s32 s17, s1;
	s10 =	sadd.s32 s18, s1  }
0xf: {  	s12 =	sadd.s32 s12, s20;
	s15 =	sadd.s32 s20, s15;
	s26 =	sadd.s32 s20, s16  }
0x10: {  	s21 =	sadd.s32 s20, s17;
	s20 =	sadd.s32 s20, s18;
	s14 =	sshrl.u32 s14, $0x3  }
0x11: {  	s12 =	sshrl.u32 s12, $0x3;
	s17 =	sshrl.u32 s15, $0x3;
	s19 =	sadd.s32 s0, s14  }
0x12: {  	s23 =	sadd.s32 $0x4F0, s14;
	s14 =	sadd.s32 s11, s14;
	[dreg:$0x5] =	wrdreg s19  }
0x13: {  	s12 =	sadd.s32 s3, s12;
	s16 =	sadd.s32 s3, s17;
	[dreg:$0x6] =	wrdreg s14  }
0x14: {  	s24 =	sadd.s32 s0, s23;
	s25 =	sadd.s32 s11, s23;
	[dreg:$0x9] =	wrdreg s12  }
0x15: {  	s14 =	smul.u32 $0x5000, s22;
	s22 =	sshrl.u32 s26, $0x3;
	[dreg:$0x7] =	wrdreg s24  }
0x16: {  	s23 =	sshrl.u32 s21, $0x3;
	[dreg:$0x8] =	wrdreg s25;
	s17 =	sadd.s32 s3, s22  }
0x17: {  	s18 =	sadd.s32 s3, s23;
	s24 =	sshrl.u32 s20, $0x3;
	s5 =	sadd.s32 s5, s14  }
0x18: {  	s20 =	smax.u32 s13, $0x1;
	s19 =	sadd.s32 s3, s24;
	s25 =	sor.u32 $0x100, s5  }
0x19: {  	s3 =	simm.s32 $0x2;
	s5 =	sor.u32 $0x80, s5;
	s26 =	sshrl.u32 s25, $0x3  }
0x1a: {  	s5 =	sshrl.u32 s5, $0x3;
	s25 =	simm.s32 $0x200;
	s21 =	sadd.s32 s26, s11  }
0x1b: {  	s22 =	sadd.s32 s26, s0;
	s23 =	sadd.s32 s5, s11;
	s24 =	sadd.s32 s5, s0  }
0x1c: {  	s26 =	simm.s32 $0x3;
	s0 =	simm.s32 $0x1;
	s5 =	simm.s32 $0x0  }
.LBB2_1:
0x1d: {  	s11 =	rddreg [dreg:$0x4]  }
0x1e: {  	[tilespmem:s25], [sflag:$0x3] =	stream.linear.gather [hbm4b:s11+s2], $0x4000, $0x38;
	[tilespmem:$0x1BE00] =	vst v63  }
0x1f: {  	_ =	swait.ge [sflag:s26], $0x4000  }
0x20: {  	[sflag:s26] =	ssyncset.done $0x0  }
0x21: {  	[sflag:s26] =	ssyncadd.s32 $0xFFFFC000  }
0x22: {  	[spmem:s6] =	stream.linear.scatter [tilespmem:s25], [sflag:$0x3], $0x4000, $0x38;
	[tilespmem:$0x1BE00] =	vst v63  }
0x23: {  	_ =	swait.ge [sflag:s26], $0x4000  }
0x24: {  	[sflag:s26] =	ssyncset.done $0x0  }
0x25: {  	[sflag:s26] =	ssyncadd.s32 $0xFFFFC000  }
0x26: {  	[spmem:s7] =	stream.linear.scatter [tilespmem:s25], [sflag:$0x3], $0x4000, $0x38;
	[tilespmem:$0x1BE00] =	vst v63  }
0x27: {  	_ =	swait.ge [sflag:s26], $0x4000  }
0x28: {  	[sflag:s26] =	ssyncset.done $0x0  }
0x29: {  	[sflag:s26] =	ssyncadd.s32 $0xFFFFC000  }
0x2a: {  	[spmem:s8] =	stream.linear.scatter [tilespmem:s25], [sflag:$0x3], $0x4000, $0x38;
	[tilespmem:$0x1BE00] =	vst v63  }
0x2b: {  	_ =	swait.ge [sflag:s26], $0x4000  }
0x2c: {  	[sflag:s26] =	ssyncset.done $0x0  }
0x2d: {  	[sflag:s26] =	ssyncadd.s32 $0xFFFFC000  }
0x2e: {  	[spmem:s9] =	stream.linear.scatter [tilespmem:s25], [sflag:$0x3], $0x4000, $0x38;
	[tilespmem:$0x1BE00] =	vst v63  }
0x2f: {  	_ =	swait.ge [sflag:s26], $0x4000  }
0x30: {  	[sflag:s26] =	ssyncset.done $0x0  }
0x31: {  	[sflag:s26] =	ssyncadd.s32 $0xFFFFC000  }
0x32: {  	[spmem:s10] =	stream.linear.scatter [tilespmem:s25], [sflag:$0x3], $0x3C00, $0x38;
	[tilespmem:$0x1BE00] =	vst v63  }
0x33: {  	_ =	swait.ge [sflag:s26], $0x3C00  }
0x34: {  	[sflag:s26] =	ssyncset.done $0x0  }
0x35: {  	[sflag:s26] =	ssyncadd.s32 $0xFFFFC400  }
0x36: {  	[bflag:$0x0] =	sbarrier.arrive $0xFFFF  }
0x37: {  	s14 =	rddreg [dreg:$0x5]  }
0x38: {  	[tilespmem:s2], [sflag:$0x3] =	stream.linear.gather [hbm4b:s14+s2], $0x80, $0x38;
	[tilespmem:$0x1BE00] =	vst v63  }
0x39: {  	_ =	swait.ge [sflag:s26], $0x80  }
0x3a: {  	[sflag:s26] =	ssyncset.done $0x0  }
0x3b: {  	s15 =	rddreg [dreg:$0x6];
	[sflag:s26] =	ssyncadd.s32 $0xFFFFFF80  }
0x3c: {  	[tilespmem:s28], [sflag:$0x3] =	stream.linear.gather [hbm4b:s15+s2], $0x80, $0x38;
	[tilespmem:$0x1BE00] =	vst v63  }
0x3d: {  	_ =	swait.ge [sflag:s26], $0x80  }
0x3e: {  	[sflag:s26] =	ssyncset.done $0x0  }
0x3f: {  	[sflag:s26] =	ssyncadd.s32 $0xFFFFFF80  }
0x40: {  	[tilespmem:s25], [sflag:$0x1] =	stream.indirect.gather [hbm4b:s4+s29], $0x80, s2, s29, $0xb8;
	[tilespmem:$0x1BE00] =	vst v63  }
0x41: {  	s12 =	sadd.s32 $0x0, s24  }
0x42: {  	[tilespmem:s29], [sflag:$0x3] =	stream.linear.gather [hbm4b:s12+s2], $0x80, $0x38;
	[tilespmem:$0x1BE00] =	vst v63  }
0x43: {  	_ =	swait.ge [sflag:s26], $0x80  }
0x44: {  	[sflag:s26] =	ssyncset.done $0x0  }
0x45: {  	s13 =	sadd.s32 $0x0, s23;
	[sflag:s26] =	ssyncadd.s32 $0xFFFFFF80  }
0x46: {  	[tilespmem:s30], [sflag:$0x3] =	stream.linear.gather [hbm4b:s13+s2], $0x80, $0x38;
	[tilespmem:$0x1BE00] =	vst v63  }
0x47: {  	_ =	swait.ge [sflag:s26], $0x80  }
0x48: {  	[sflag:s26] =	ssyncset.done $0x0  }
0x49: {  	[sflag:s26] =	ssyncadd.s32 $0xFFFFFF80  }
0x4a: {  	[tilespmem:s31], [sflag:$0x2] =	stream.indirect.gather [hbm4b:s4+s29], $0x80, s29, s29, $0xb8;
	[tilespmem:$0x1BE00] =	vst v63  }
0x4b: {  	_ =	swait.ge [sflag:s0], $0x4000  }
0x4c: {  	[sflag:s0] =	ssyncset.done $0x0  }
0x4d: {  	[sflag:s0] =	ssyncadd.s32 $0xFFFFC000  }
0x4e: {  	[spmem:s1] =	stream.indirect.scatter.add.f32 [tilespmem:s25], [sflag:$0x3], $0x80, s28, s29, $0xb8;
	[tilespmem:$0x1BE00] =	vst v63  }
0x4f: {  	_ =	swait.ge [sflag:s26], $0x4000  }
0x50: {  	[sflag:s26] =	ssyncset.done $0x0  }
0x51: {  	s14 =	sadd.s32 $0x0, s22;
	[sflag:s26] =	ssyncadd.s32 $0xFFFFC000  }
0x52: {  	[tilespmem:s2], [sflag:$0x3] =	stream.linear.gather [hbm4b:s14+s2], $0x80, $0x38;
	[tilespmem:$0x1BE00] =	vst v63  }
0x53: {  	_ =	swait.ge [sflag:s26], $0x80  }
0x54: {  	[sflag:s26] =	ssyncset.done $0x0  }
0x55: {  	s15 =	sadd.s32 $0x0, s21;
	[sflag:s26] =	ssyncadd.s32 $0xFFFFFF80  }
0x56: {  	[tilespmem:s28], [sflag:$0x3] =	stream.linear.gather [hbm4b:s15+s2], $0x80, $0x38;
	[tilespmem:$0x1BE00] =	vst v63  }
0x57: {  	_ =	swait.ge [sflag:s26], $0x80  }
0x58: {  	[sflag:s26] =	ssyncset.done $0x0  }
0x59: {  	[sflag:s26] =	ssyncadd.s32 $0xFFFFFF80  }
0x5a: {  	[tilespmem:s25], [sflag:$0x1] =	stream.indirect.gather [hbm4b:s4+s29], $0x80, s2, s29, $0xb8;
	[tilespmem:$0x1BE00] =	vst v63  }
0x5b: {  	_ =	swait.ge [sflag:s3], $0x4000  }
0x5c: {  	[sflag:s3] =	ssyncset.done $0x0  }
0x5d: {  	[sflag:s3] =	ssyncadd.s32 $0xFFFFC000  }
0x5e: {  	[spmem:s1] =	stream.indirect.scatter.add.f32 [tilespmem:s31], [sflag:$0x3], $0x80, s30, s29, $0xb8;
	[tilespmem:$0x1BE00] =	vst v63  }
0x5f: {  	_ =	swait.ge [sflag:s26], $0x4000  }
0x60: {  	s11 =	simm.s32 $0x20;
	s12 =	simm.s32 $0x40;
	[sflag:s26] =	ssyncset.done $0x0  }
.LBB2_2:
0x61: {  	s14 =	sadd.s32 s11, s24  }
0x62: {  	[sflag:s26] =	ssyncadd.s32 $0xFFFFC000;
	s15 =	smov.u32 s12;
	s13 =	sadd.s32 $0x20, s12  }
0x63: {  	[tilespmem:s29], [sflag:$0x3] =	stream.linear.gather [hbm4b:s14+s2], $0x80, $0x38;
	[tilespmem:$0x1BE00] =	vst v63  }
0x64: {  	p0 =	sne.s32 s12, $0x4C0;
	_ =	swait.ge [sflag:s26], $0x80  }
0x65: {  	[sflag:s26] =	ssyncset.done $0x0  }
0x66: {  	s12 =	sadd.s32 s11, s23;
	[sflag:s26] =	ssyncadd.s32 $0xFFFFFF80  }
0x67: {  	[tilespmem:s30], [sflag:$0x3] =	stream.linear.gather [hbm4b:s12+s2], $0x80, $0x38;
	[tilespmem:$0x1BE00] =	vst v63  }
0x68: {  	_ =	swait.ge [sflag:s26], $0x80  }
0x69: {  	[sflag:s26] =	ssyncset.done $0x0  }
0x6a: {  	[sflag:s26] =	ssyncadd.s32 $0xFFFFFF80  }
0x6b: {  	[tilespmem:s31], [sflag:$0x2] =	stream.indirect.gather [hbm4b:s4+s29], $0x80, s29, s29, $0xb8;
	[tilespmem:$0x1BE00] =	vst v63  }
0x6c: {  	_ =	swait.ge [sflag:s0], $0x4000  }
0x6d: {  	[sflag:s0] =	ssyncset.done $0x0  }
0x6e: {  	[sflag:s0] =	ssyncadd.s32 $0xFFFFC000  }
0x6f: {  	[spmem:s1] =	stream.indirect.scatter.add.f32 [tilespmem:s25], [sflag:$0x3], $0x80, s28, s29, $0xb8;
	[tilespmem:$0x1BE00] =	vst v63  }
0x70: {  	_ =	swait.ge [sflag:s26], $0x4000  }
0x71: {  	[sflag:s26] =	ssyncset.done $0x0  }
0x72: {  	s12 =	sadd.s32 s11, s22;
	[sflag:s26] =	ssyncadd.s32 $0xFFFFC000  }
0x73: {  	[tilespmem:s2], [sflag:$0x3] =	stream.linear.gather [hbm4b:s12+s2], $0x80, $0x38;
	[tilespmem:$0x1BE00] =	vst v63  }
0x74: {  	_ =	swait.ge [sflag:s26], $0x80  }
0x75: {  	[sflag:s26] =	ssyncset.done $0x0  }
0x76: {  	s12 =	sadd.s32 s11, s21;
	s11 =	smov.u32 s15;
	[sflag:s26] =	ssyncadd.s32 $0xFFFFFF80  }
0x77: {  	[tilespmem:s28], [sflag:$0x3] =	stream.linear.gather [hbm4b:s12+s2], $0x80, $0x38;
	[tilespmem:$0x1BE00] =	vst v63  }
0x78: {  	_ =	swait.ge [sflag:s26], $0x80  }
0x79: {  	[sflag:s26] =	ssyncset.done $0x0  }
0x7a: {  	[sflag:s26] =	ssyncadd.s32 $0xFFFFFF80  }
0x7b: {  	[tilespmem:s25], [sflag:$0x1] =	stream.indirect.gather [hbm4b:s4+s29], $0x80, s2, s29, $0xb8;
	[tilespmem:$0x1BE00] =	vst v63  }
0x7c: {  	_ =	swait.ge [sflag:s3], $0x4000  }
.Ltmp0:
0x7d: {  	[sflag:s3] =	ssyncset.done $0x0;
	(pc) =	sbr.rel @p0 .LBB2_2-.Ltmp0, $4  }
0x7e: {  	[sflag:s3] =	ssyncadd.s32 $0xFFFFC000  }
0x7f: {  	[spmem:s1] =	stream.indirect.scatter.add.f32 [tilespmem:s31], [sflag:$0x3], $0x80, s30, s29, $0xb8;
	[tilespmem:$0x1BE00] =	vst v63  }
0x80: {  	_ =	swait.ge [sflag:s26], $0x4000  }
0x81: {  	s12 =	smov.u32 s13;
	[sflag:s26] =	ssyncset.done $0x0  }
0x82: {  	s12 =	sadd.s32 s11, s24;
	[sflag:s26] =	ssyncadd.s32 $0xFFFFC000  }
0x83: {  	[tilespmem:s29], [sflag:$0x3] =	stream.linear.gather [hbm4b:s12+s2], $0x80, $0x38;
	[tilespmem:$0x1BE00] =	vst v63  }
0x84: {  	_ =	swait.ge [sflag:s26], $0x80  }
0x85: {  	[sflag:s26] =	ssyncset.done $0x0  }
0x86: {  	s14 =	sadd.s32 s11, s23;
	[sflag:s26] =	ssyncadd.s32 $0xFFFFFF80  }
0x87: {  	[tilespmem:s30], [sflag:$0x3] =	stream.linear.gather [hbm4b:s14+s2], $0x80, $0x38;
	[tilespmem:$0x1BE00] =	vst v63  }
0x88: {  	_ =	swait.ge [sflag:s26], $0x80  }
0x89: {  	[sflag:s26] =	ssyncset.done $0x0  }
0x8a: {  	[sflag:s26] =	ssyncadd.s32 $0xFFFFFF80  }
0x8b: {  	[tilespmem:s31], [sflag:$0x2] =	stream.indirect.gather [hbm4b:s4+s29], $0x80, s29, s29, $0xb8;
	[tilespmem:$0x1BE00] =	vst v63  }
0x8c: {  	_ =	swait.ge [sflag:s0], $0x4000  }
0x8d: {  	[sflag:s0] =	ssyncset.done $0x0  }
0x8e: {  	[sflag:s0] =	ssyncadd.s32 $0xFFFFC000  }
0x8f: {  	[spmem:s1] =	stream.indirect.scatter.add.f32 [tilespmem:s25], [sflag:$0x3], $0x80, s28, s29, $0xb8;
	[tilespmem:$0x1BE00] =	vst v63  }
0x90: {  	_ =	swait.ge [sflag:s26], $0x4000  }
0x91: {  	[sflag:s26] =	ssyncset.done $0x0  }
0x92: {  	s15 =	sadd.s32 s11, s22;
	[sflag:s26] =	ssyncadd.s32 $0xFFFFC000  }
0x93: {  	[tilespmem:s2], [sflag:$0x3] =	stream.linear.gather [hbm4b:s15+s2], $0x80, $0x38;
	[tilespmem:$0x1BE00] =	vst v63  }
0x94: {  	_ =	swait.ge [sflag:s26], $0x80  }
0x95: {  	[sflag:s26] =	ssyncset.done $0x0  }
0x96: {  	s12 =	sadd.s32 s11, s21;
	[sflag:s26] =	ssyncadd.s32 $0xFFFFFF80  }
0x97: {  	[tilespmem:s28], [sflag:$0x3] =	stream.linear.gather [hbm4b:s12+s2], $0x80, $0x38;
	[tilespmem:$0x1BE00] =	vst v63  }
0x98: {  	_ =	swait.ge [sflag:s26], $0x80  }
0x99: {  	[sflag:s26] =	ssyncset.done $0x0  }
0x9a: {  	[sflag:s26] =	ssyncadd.s32 $0xFFFFFF80  }
0x9b: {  	[tilespmem:s25], [sflag:$0x1] =	stream.indirect.gather [hbm4b:s4+s29], $0x80, s2, s29, $0xb8;
	[tilespmem:$0x1BE00] =	vst v63  }
0x9c: {  	_ =	swait.ge [sflag:s3], $0x4000  }
0x9d: {  	[sflag:s3] =	ssyncset.done $0x0  }
0x9e: {  	[sflag:s3] =	ssyncadd.s32 $0xFFFFC000  }
0x9f: {  	[spmem:s1] =	stream.indirect.scatter.add.f32 [tilespmem:s31], [sflag:$0x3], $0x80, s30, s29, $0xb8;
	[tilespmem:$0x1BE00] =	vst v63  }
0xa0: {  	_ =	swait.ge [sflag:s26], $0x4000  }
0xa1: {  	[sflag:s26] =	ssyncset.done $0x0  }
0xa2: {  	s13 =	rddreg [dreg:$0x7];
	[sflag:s26] =	ssyncadd.s32 $0xFFFFC000  }
0xa3: {  	[tilespmem:s29], [sflag:$0x3] =	stream.linear.gather [hbm4b:s13+s2], $0x80, $0x38;
	[tilespmem:$0x1BE00] =	vst v63  }
0xa4: {  	_ =	swait.ge [sflag:s26], $0x80  }
0xa5: {  	[sflag:s26] =	ssyncset.done $0x0  }
0xa6: {  	s14 =	rddreg [dreg:$0x8];
	[sflag:s26] =	ssyncadd.s32 $0xFFFFFF80  }
0xa7: {  	[tilespmem:s30], [sflag:$0x3] =	stream.linear.gather [hbm4b:s14+s2], $0x80, $0x38;
	[tilespmem:$0x1BE00] =	vst v63  }
0xa8: {  	_ =	swait.ge [sflag:s26], $0x80  }
0xa9: {  	[sflag:s26] =	ssyncset.done $0x0  }
0xaa: {  	[sflag:s26] =	ssyncadd.s32 $0xFFFFFF80  }
0xab: {  	[tilespmem:s31], [sflag:$0x2] =	stream.indirect.gather [hbm4b:s4+s29], $0x80, s29, s29, $0xb8;
	[tilespmem:$0x1BE00] =	vst v63  }
0xac: {  	_ =	swait.ge [sflag:s0], $0x4000  }
0xad: {  	[sflag:s0] =	ssyncset.done $0x0  }
0xae: {  	[sflag:s0] =	ssyncadd.s32 $0xFFFFC000  }
0xaf: {  	[spmem:s1] =	stream.indirect.scatter.add.f32 [tilespmem:s25], [sflag:$0x3], $0x80, s28, s29, $0xb8;
	[tilespmem:$0x1BE00] =	vst v63  }
0xb0: {  	_ =	swait.ge [sflag:s26], $0x4000  }
0xb1: {  	[sflag:s26] =	ssyncset.done $0x0  }
0xb2: {  	[sflag:s26] =	ssyncadd.s32 $0xFFFFC000  }
0xb3: {  	_ =	swait.ge [sflag:s3], $0x4000  }
0xb4: {  	[sflag:s3] =	ssyncset.done $0x0  }
0xb5: {  	[sflag:s3] =	ssyncadd.s32 $0xFFFFC000  }
0xb6: {  	[spmem:s1] =	stream.indirect.scatter.add.f32 [tilespmem:s31], [sflag:$0x3], $0x80, s30, s29, $0xb8;
	[tilespmem:$0x1BE00] =	vst v63  }
0xb7: {  	_ =	swait.ge [sflag:s26], $0x4000  }
0xb8: {  	[sflag:s26] =	ssyncset.done $0x0  }
0xb9: {  	[sflag:s26] =	ssyncadd.s32 $0xFFFFC000  }
0xba: {  	[bflag:$0x0] =	sbarrier.arrive $0xFFFF  }
0xbb: {  	[tilespmem:s25], [sflag:$0x3] =	stream.linear.gather [spmem:s6], $0x4000, $0x38;
	[tilespmem:$0x1BE00] =	vst v63  }
0xbc: {  	_ =	swait.ge [sflag:s26], $0x4000  }
0xbd: {  	[sflag:s26] =	ssyncset.done $0x0  }
0xbe: {  	s15 =	rddreg [dreg:$0x9];
	[sflag:s26] =	ssyncadd.s32 $0xFFFFC000  }
0xbf: {  	[hbm4b:s15+s2] =	stream.linear.scatter [tilespmem:s25], [sflag:$0x3], $0x4000, $0x38;
	[tilespmem:$0x1BE00] =	vst v63  }
0xc0: {  	_ =	swait.ge [sflag:s26], $0x4000  }
0xc1: {  	[sflag:s26] =	ssyncset.done $0x0  }
0xc2: {  	[sflag:s26] =	ssyncadd.s32 $0xFFFFC000  }
0xc3: {  	[tilespmem:s25], [sflag:$0x3] =	stream.linear.gather [spmem:s7], $0x4000, $0x38;
	[tilespmem:$0x1BE00] =	vst v63  }
0xc4: {  	_ =	swait.ge [sflag:s26], $0x4000  }
0xc5: {  	[sflag:s26] =	ssyncset.done $0x0  }
0xc6: {  	[sflag:s26] =	ssyncadd.s32 $0xFFFFC000  }
0xc7: {  	[hbm4b:s16+s2] =	stream.linear.scatter [tilespmem:s25], [sflag:$0x3], $0x4000, $0x38;
	[tilespmem:$0x1BE00] =	vst v63  }
0xc8: {  	_ =	swait.ge [sflag:s26], $0x4000  }
0xc9: {  	[sflag:s26] =	ssyncset.done $0x0  }
0xca: {  	[sflag:s26] =	ssyncadd.s32 $0xFFFFC000  }
0xcb: {  	[tilespmem:s25], [sflag:$0x3] =	stream.linear.gather [spmem:s8], $0x4000, $0x38;
	[tilespmem:$0x1BE00] =	vst v63  }
0xcc: {  	_ =	swait.ge [sflag:s26], $0x4000  }
0xcd: {  	[sflag:s26] =	ssyncset.done $0x0  }
0xce: {  	[sflag:s26] =	ssyncadd.s32 $0xFFFFC000  }
0xcf: {  	[hbm4b:s17+s2] =	stream.linear.scatter [tilespmem:s25], [sflag:$0x3], $0x4000, $0x38;
	[tilespmem:$0x1BE00] =	vst v63  }
0xd0: {  	_ =	swait.ge [sflag:s26], $0x4000  }
0xd1: {  	[sflag:s26] =	ssyncset.done $0x0  }
0xd2: {  	[sflag:s26] =	ssyncadd.s32 $0xFFFFC000  }
0xd3: {  	[tilespmem:s25], [sflag:$0x3] =	stream.linear.gather [spmem:s9], $0x4000, $0x38;
	[tilespmem:$0x1BE00] =	vst v63  }
0xd4: {  	_ =	swait.ge [sflag:s26], $0x4000  }
0xd5: {  	[sflag:s26] =	ssyncset.done $0x0  }
0xd6: {  	[sflag:s26] =	ssyncadd.s32 $0xFFFFC000  }
0xd7: {  	[hbm4b:s18+s2] =	stream.linear.scatter [tilespmem:s25], [sflag:$0x3], $0x4000, $0x38;
	[tilespmem:$0x1BE00] =	vst v63  }
0xd8: {  	_ =	swait.ge [sflag:s26], $0x4000  }
0xd9: {  	[sflag:s26] =	ssyncset.done $0x0  }
0xda: {  	[sflag:s26] =	ssyncadd.s32 $0xFFFFC000  }
0xdb: {  	[tilespmem:s25], [sflag:$0x3] =	stream.linear.gather [spmem:s10], $0x3C00, $0x38;
	[tilespmem:$0x1BE00] =	vst v63  }
0xdc: {  	s5 =	sadd.s32 $0x1, s5;
	_ =	swait.ge [sflag:s26], $0x3C00  }
0xdd: {  	p0 =	sne.s32 s5, s20;
	[sflag:s26] =	ssyncset.done $0x0  }
.Ltmp1:
0xde: {  	[sflag:s26] =	ssyncadd.s32 $0xFFFFC400;
	(pc) =	sbr.rel @p0 .LBB2_1-.Ltmp1, $4  }
0xdf: {  	[hbm4b:s19+s2] =	stream.linear.scatter [tilespmem:s25], [sflag:$0x3], $0x3C00, $0x38;
	[tilespmem:$0x1BE00] =	vst v63  }
0xe0: {  	_ =	swait.ge [sflag:s26], $0x3C00  }
0xe1: {  	[sflag:s26] =	ssyncset.done $0x0  }
0xe2: {  	[sflag:s26] =	ssyncadd.s32 $0xFFFFC400  }
0xe3: {  	_ =	sfence.sel $0x180000  }
0xe4: {  	[bflag:$0x0] =	sbarrier.arrive $0xFFFF  }
0xe5: {  	_ =	strace $0x9000004A  }
0xe6: {  	s0 =	stileid.u32;
	[bflag:$0x2] =	sbarrier.arrive $0xFFFF  }
0xe7: {  	p0 =	sne.s32 s0, $0x0;
	s0 =	rddreg [dreg:$0x3]  }
0xe8: {  	s0 =	sadd.s32 @!p0 $0x100000, s0  }
0xe9: {  	[sflag:s0] =	ssyncadd.tile.s32 @!p0 $0x1;
	_ =	shalt  }
.Lfunc_end2:
_tile_overlayer_lowered:
.L_overlay_start_2:
0xea: {  	(tag) =	ssettag $0x2  }
0xeb: {  	s0 =	rddreg [dreg:$0x0];
	s2 =	stileid.u32  }
0xec: {  	s1 =	rddreg [dreg:$0x1];
	p0 =	sne.s32 s2, $0x0  }
0xed: {  	s3 =	rddreg [dreg:$0x2];
	[bflag:$0x3] =	sbarrier.arrive $0xFFFF;
	s2 =	simm.s32 @!p0 $0x1C03  }
0xee: {  	[timem:s3], [sflag:s2] =	dma.local @!p0 [hbm:s0], s1  }
0xef: {  	s0 =	simm.s32 @!p0 $0x3  }
0xf0: {  	_ =	swait.ge @!p0 [sflag:s0], s1  }
0xf1: {  	s1 =	ssub.s32 @!p0 $0x0, s1;
	[sflag:s0] =	ssyncset.done @!p0 $0x0  }
0xf2: {  	[sflag:s0] =	ssyncadd.s32 @!p0 s1  }
0xf3: {  	[bflag:$0x3] =	sbarrier.arrive $0xFFFF  }
0xf4: {  	_ =	shalt  }

</sc_bundles>
